<compile_context>
chip_gen: v7x
topology: tpu7x:2x2x1
jax: 0.10.2.dev20260603
libtpu: 0.0.44.dev20260713+nightly
codegen_flags: <defaults>
</compile_context>

<pallas_src>
import functools

import jax
import jax.numpy as jnp
from jax import lax
from jax.experimental import pallas as pl
from jax.experimental.pallas import tpu as pltpu
from jax.experimental.pallas import tpu_sc as plsc

B, S, D, H, HD = 1, 2048, 1024, 16, 64
E, K, FF = 8, 2, 344
EPS, THETA = 1e-6, 10000.0
NEG = -1e9
LOG2E = 1.4426950408889634

BQ = 512
BK = 512
BA = 512
BM = 512


def _dgT(w, xT):
    return jax.lax.dot_general(w, xT, (((0,), (0,)), ((), ())),
                               preferred_element_type=jnp.float32)


def _qkv_body(x_ref, wq_ref, wk_ref, wv_ref, ln1_ref, cos_ref, sa_ref,
              sb_ref, q_ref, k_ref, v_ref):
    xT = x_ref[...].T
    var = jnp.mean(xT * xT, axis=0, keepdims=True)
    xnT = (xT * jax.lax.rsqrt(var + EPS) * ln1_ref[...]).astype(jnp.bfloat16)
    cos = cos_ref[...].astype(jnp.float32)
    sa = sa_ref[...].astype(jnp.float32)
    sb = sb_ref[...].astype(jnp.float32)

    def rope(y):
        ya = pltpu.roll(y, D - 32, 0)
        yb = pltpu.roll(y, 32, 0)
        return y * cos + ya * sa + yb * sb

    q = _dgT(wq_ref[...], xnT)
    k = _dgT(wk_ref[...], xnT)
    v = _dgT(wv_ref[...], xnT)
    q_ref[...] = (rope(q) * (0.125 * LOG2E)).astype(jnp.bfloat16).reshape(H, HD, BA)
    k_ref[...] = rope(k).astype(jnp.bfloat16).reshape(H, HD, BA)
    v_ref[...] = v.astype(jnp.bfloat16).reshape(H, HD, BA)


def _qkv_call(x, wq, wk, wv, ln1c, cosT, saT, sbT):
    grid = (S // BA,)
    row = pl.BlockSpec((BA, D), lambda i: (i, 0))
    full = pl.BlockSpec((D, D), lambda i: (0, 0))
    col = pl.BlockSpec((D, 1), lambda i: (0, 0))
    tab = pl.BlockSpec((D, BA), lambda i: (0, i))
    hspec = pl.BlockSpec((H, HD, BA), lambda i: (0, 0, i))
    return pl.pallas_call(
        _qkv_body,
        grid=grid,
        in_specs=[row, full, full, full, col, tab, tab, tab],
        out_specs=[hspec, hspec, hspec],
        out_shape=[jax.ShapeDtypeStruct((H, HD, S), jnp.bfloat16)] * 3,
    )(x, wq, wk, wv, ln1c, cosT, saT, sbT)


def _attn_body(qT_ref, kT_ref, vT_ref, o_ref, m_ref, l_ref, acc_ref):
    qb = pl.program_id(1)
    qT = qT_ref[0]
    m_ref[...] = jnp.full((1, BQ), NEG, jnp.float32)
    l_ref[...] = jnp.zeros((1, BQ), jnp.float32)
    acc_ref[...] = jnp.zeros((HD, BQ), jnp.float32)
    cols = qb * BQ + jax.lax.broadcasted_iota(jnp.int32, (BK, BQ), 1)

    def block(kb, masked):
        kcT = kT_ref[0, :, kb * BK:(kb + 1) * BK]
        sT = _dgT(kcT, qT)
        if masked:
            rows = kb * BK + jax.lax.broadcasted_iota(jnp.int32, (BK, BQ), 0)
            sT = jnp.where(rows <= cols, sT, NEG)
        m_old = m_ref[...]
        m_new = jnp.maximum(m_old, jnp.max(sT, axis=0, keepdims=True))
        alpha = jnp.exp2(m_old - m_new)
        p = jnp.exp2(sT - m_new)
        l_ref[...] = l_ref[...] * alpha + jnp.sum(p, axis=0, keepdims=True)
        vcT = vT_ref[0, :, kb * BK:(kb + 1) * BK]
        acc_ref[...] = acc_ref[...] * alpha + jnp.dot(
            vcT, p.astype(jnp.bfloat16), preferred_element_type=jnp.float32)
        m_ref[...] = m_new

    for kb in range(S // BK):
        @pl.when(kb < qb)
        def _(kb=kb):
            block(kb, masked=False)

        @pl.when(kb == qb)
        def _(kb=kb):
            block(kb, masked=True)

    o_ref[0] = (acc_ref[...] / l_ref[...]).astype(jnp.bfloat16)


def _attn_call(qT, kT, vT):
    grid = (H, S // BQ)
    return pl.pallas_call(
        _attn_body,
        grid=grid,
        in_specs=[pl.BlockSpec((1, HD, BQ), lambda h, i: (h, 0, i)),
                  pl.BlockSpec((1, HD, S), lambda h, i: (h, 0, 0)),
                  pl.BlockSpec((1, HD, S), lambda h, i: (h, 0, 0))],
        out_specs=pl.BlockSpec((1, HD, BQ), lambda h, i: (h, 0, i)),
        out_shape=jax.ShapeDtypeStruct((H, HD, S), jnp.bfloat16),
        scratch_shapes=[pltpu.VMEM((1, BQ), jnp.float32),
                        pltpu.VMEM((1, BQ), jnp.float32),
                        pltpu.VMEM((HD, BQ), jnp.float32)],
    )(qT, kT, vT)


def _post_body(oT_ref, x_ref, wo_ref, ln2_ref, gw_ref,
               h2_ref, xn_ref, lg_ref):
    attnT = oT_ref[...].reshape(D, BA)
    xT = x_ref[...].T
    h2T = _dgT(wo_ref[...], attnT) + xT
    h2_ref[...] = h2T
    var = jnp.mean(h2T * h2T, axis=0, keepdims=True)
    xnT = h2T * jax.lax.rsqrt(var + EPS) * ln2_ref[...]
    xn_ref[...] = xnT.astype(jnp.bfloat16)
    lg_ref[...] = _dgT(gw_ref[...], xnT)


def _post_call(oT, x, wo, ln2c, gw):
    grid = (S // BA,)
    colT = pl.BlockSpec((D, BA), lambda i: (0, i))
    return pl.pallas_call(
        _post_body,
        grid=grid,
        in_specs=[pl.BlockSpec((H, HD, BA), lambda i: (0, 0, i)),
                  pl.BlockSpec((BA, D), lambda i: (i, 0)),
                  pl.BlockSpec((D, D), lambda i: (0, 0)),
                  pl.BlockSpec((D, 1), lambda i: (0, 0)),
                  pl.BlockSpec((D, E), lambda i: (0, 0))],
        out_specs=[colT, colT, pl.BlockSpec((E, BA), lambda i: (0, i))],
        out_shape=[jax.ShapeDtypeStruct((D, S), jnp.float32),
                   jax.ShapeDtypeStruct((D, S), jnp.bfloat16),
                   jax.ShapeDtypeStruct((E, S), jnp.float32)],
    )(oT, x, wo, ln2c, gw)


NW = 32
TPT = S // NW


def _router_sc(lgT):
    mesh = plsc.VectorSubcoreMesh(core_axis_name="c", subcore_axis_name="s")

    @functools.partial(
        pl.kernel, mesh=mesh,
        out_type=jax.ShapeDtypeStruct((E, S), jnp.float32),
        scratch_types=[pltpu.VMEM((E, TPT), jnp.float32),
                       pltpu.VMEM((E, TPT), jnp.float32)],
    )
    def k(lg_hbm, gates_hbm, lg_v, out_v):
        wid = lax.axis_index("s") * 2 + lax.axis_index("c")
        base = wid * TPT
        for e in range(E):
            pltpu.sync_copy(lg_hbm.at[e, pl.ds(base, TPT)], lg_v.at[e])
        for c in range(TPT // 16):
            ls = [lg_v[e, pl.ds(c * 16, 16)] for e in range(E)]
            m1 = ls[0]
            for e in range(1, E):
                m1 = jnp.maximum(m1, ls[e])
            i1 = jnp.full((16,), E, jnp.int32)
            for e in reversed(range(E)):
                i1 = jnp.where(ls[e] == m1, e, i1)
            m2 = jnp.full((16,), NEG, jnp.float32)
            for e in range(E):
                le = jnp.where(i1 == e, NEG, ls[e])
                m2 = jnp.maximum(m2, le)
            i2 = jnp.full((16,), E, jnp.int32)
            for e in reversed(range(E)):
                hit = jnp.logical_and(ls[e] == m2, i1 != e)
                i2 = jnp.where(hit, e, i2)
            s1 = 1.0 / (1.0 + jnp.exp(m2 - m1))
            s2 = 1.0 - s1
            for e in range(E):
                ge = (jnp.where(i1 == e, s1, 0.0)
                      + jnp.where(i2 == e, s2, 0.0))
                out_v[e, pl.ds(c * 16, 16)] = ge
        for e in range(E):
            pltpu.sync_copy(out_v.at[e], gates_hbm.at[e, pl.ds(base, TPT)])

    return k(lgT)


def _moe_body(xn_ref, h2_ref, gs_ref, wg_ref, wu_ref, wd_ref, out_ref):
    xnT = xn_ref[...]
    dT = jnp.zeros((D, BM), jnp.float32)
    for e in range(E):
        gcol = gs_ref[e:e + 1, :]
        g = _dgT(wg_ref[e], xnT)
        u = _dgT(wu_ref[e], xnT)
        a = (g * jax.nn.sigmoid(g) * u * gcol).astype(jnp.bfloat16)
        dT = dT + _dgT(wd_ref[e], a)
    out_ref[...] = (h2_ref[...] + dT).T


def _moe_call(xnT, h2T, lgT, wg, wu, wd):
    grid = (S // BM,)
    colT = pl.BlockSpec((D, BM), lambda i: (0, i))
    return pl.pallas_call(
        _moe_body,
        grid=grid,
        in_specs=[colT, colT,
                  pl.BlockSpec((E, BM), lambda i: (0, i)),
                  pl.BlockSpec((E, D, FF), lambda i: (0, 0, 0)),
                  pl.BlockSpec((E, D, FF), lambda i: (0, 0, 0)),
                  pl.BlockSpec((E, FF, D), lambda i: (0, 0, 0))],
        out_specs=pl.BlockSpec((BM, D), lambda i: (i, 0)),
        out_shape=jax.ShapeDtypeStruct((S, D), jnp.float32),
    )(xnT, h2T, lgT, wg, wu, wd)


def kernel(hidden_states, position_ids, ln1_w, ln2_w, Wq, Wk, Wv, Wo,
           gate_w, w_gate_e, w_up_e, w_down_e):
    x = hidden_states.reshape(S, D)

    inv_freq = 1.0 / (THETA ** (jnp.arange(0, HD, 2, dtype=jnp.float32) / HD))
    pos = position_ids.reshape(1, S).astype(jnp.float32)
    freqsT = inv_freq[:, None] * pos
    embT = jnp.concatenate([freqsT, freqsT], 0)
    cosT = jnp.tile(jnp.cos(embT), (H, 1)).astype(jnp.bfloat16)
    sinT = jnp.tile(jnp.sin(embT), (H, 1))
    half = ((jnp.arange(D) % HD) < (HD // 2))[:, None]
    saT = jnp.where(half, -sinT, 0.0).astype(jnp.bfloat16)
    sbT = jnp.where(half, 0.0, sinT).astype(jnp.bfloat16)

    qT, kT, vT = _qkv_call(
        x, Wq.astype(jnp.bfloat16), Wk.astype(jnp.bfloat16),
        Wv.astype(jnp.bfloat16), ln1_w.reshape(D, 1), cosT, saT, sbT)

    oT = _attn_call(qT, kT, vT)

    h2T, xnT, lgT = _post_call(oT, x, Wo.astype(jnp.bfloat16),
                               ln2_w.reshape(D, 1), gate_w)

    gates = _router_sc(lgT)
    out = _moe_call(xnT, h2T, gates,
                    w_gate_e.astype(jnp.bfloat16),
                    w_up_e.astype(jnp.bfloat16),
                    w_down_e.astype(jnp.bfloat16))
    return out.reshape(B, S, D)

# --- scband reference (transcript-rebuilt; emitter-appended) ---
"""Pipeline reference for scband-llama-mo-edecoder-layer-15307263443375 (READ-ONLY COPY).

The authoritative reference and input builder live on the scoring server;
editing this copy changes nothing except your own understanding.
"""

import jax, jax.numpy as jnp
import numpy as np

B, S, D, H, HD = 1, 2048, 1024, 16, 64
E, K, FF = 8, 2, 344
EPS, THETA = 1e-6, 10000.0


def setup_inputs(seed: int = 0):
    key = jax.random.key(seed)
    ks = jax.random.split(key, 12)
    s = 0.02
    return {
        "hidden_states": jax.random.normal(ks[0], (B, S, D), jnp.float32),
        "position_ids": jnp.arange(S, dtype=jnp.int32).reshape(1, S),
        "ln1_w": jnp.ones((D,), jnp.float32),
        "ln2_w": jnp.ones((D,), jnp.float32),
        "Wq": jax.random.normal(ks[1], (D, D), jnp.float32) * s,
        "Wk": jax.random.normal(ks[2], (D, D), jnp.float32) * s,
        "Wv": jax.random.normal(ks[3], (D, D), jnp.float32) * s,
        "Wo": jax.random.normal(ks[4], (D, D), jnp.float32) * s,
        "gate_w": jax.random.normal(ks[5], (D, E), jnp.float32) * s,
        "w_gate_e": jax.random.normal(ks[6], (E, D, FF), jnp.float32) * s,
        "w_up_e": jax.random.normal(ks[7], (E, D, FF), jnp.float32) * s,
        "w_down_e": jax.random.normal(ks[8], (E, FF, D), jnp.float32) * s,
    }


def _rmsnorm(x, w):
    v = jnp.mean(x * x, axis=-1, keepdims=True)
    return x * jax.lax.rsqrt(v + EPS) * w


def _rotate_half(x):
    x1, x2 = jnp.split(x, 2, axis=-1)
    return jnp.concatenate([-x2, x1], axis=-1)


def _forward(hidden_states, position_ids, ln1_w, ln2_w, Wq, Wk, Wv, Wo, gate_w, w_gate_e, w_up_e, w_down_e):
    residual = hidden_states
    h = _rmsnorm(hidden_states, ln1_w)
    q = (h @ Wq).reshape(B, S, H, HD).transpose(0, 2, 1, 3)
    k = (h @ Wk).reshape(B, S, H, HD).transpose(0, 2, 1, 3)
    v = (h @ Wv).reshape(B, S, H, HD).transpose(0, 2, 1, 3)
    inv_freq = 1.0 / (THETA ** (jnp.arange(0, HD, 2, dtype=jnp.float32) / HD))
    pos = position_ids.astype(jnp.float32)
    freqs = pos[..., None] * inv_freq
    emb = jnp.concatenate([freqs, freqs], axis=-1)
    cos = jnp.cos(emb)[:, None, :, :]
    sin = jnp.sin(emb)[:, None, :, :]
    q = q * cos + _rotate_half(q) * sin
    k = k * cos + _rotate_half(k) * sin
    attn = jnp.einsum('bhqd,bhkd->bhqk', q, k) / np.float32(np.sqrt(HD))
    causal = jnp.tril(jnp.ones((S, S), dtype=bool))
    attn = jnp.where(causal[None, None], attn, jnp.float32(-1e9))
    p = jax.nn.softmax(attn, axis=-1)
    o = jnp.einsum('bhqk,bhkd->bhqd', p, v).transpose(0, 2, 1, 3).reshape(B, S, D) @ Wo
    h = residual + o
    residual = h
    x = _rmsnorm(h, ln2_w).reshape(-1, D)
    logits = x @ gate_w
    top_vals, top_idx = jax.lax.top_k(logits, K)
    scores = jax.nn.softmax(top_vals, axis=-1)
    T = x.shape[0]
    gates = jnp.zeros((T, E), jnp.float32).at[jnp.arange(T)[:, None], top_idx].set(scores)
    g = jnp.einsum('td,edf->tef', x, w_gate_e)
    u = jnp.einsum('td,edf->tef', x, w_up_e)
    eo = jnp.einsum('tef,efd->ted', jax.nn.silu(g) * u, w_down_e)
    moe = jnp.einsum('te,ted->td', gates, eo)
    return residual + moe.reshape(B, S, D)


def reference(hidden_states, position_ids, ln1_w, ln2_w, Wq, Wk, Wv, Wo, gate_w, w_gate_e, w_up_e, w_down_e):
    return _forward(hidden_states, position_ids, ln1_w, ln2_w, Wq, Wk, Wv, Wo, gate_w, w_gate_e, w_up_e, w_down_e)

if __name__ == "__main__":
    import jax
    _d = setup_inputs()
    print(jax.jit(kernel)(*tuple(_d.values())))

</pallas_src>

<mosaic_0001>
#map = affine_map<(d0, d1) -> (0, 0)>
module attributes {stable_mosaic.version = 14 : i64} {
  func.func @k(%arg0: i32, %arg1: i32, %arg2: memref<8x2048xf32, #tpu.memory_space<hbm>>, %arg3: memref<8x2048xf32, #tpu.memory_space<hbm>>, %arg4: memref<8x64xf32, #tpu.memory_space<vmem>>, %arg5: memref<8x64xf32, #tpu.memory_space<vmem>>) attributes {dimension_semantics = [#tpu.dimension_semantics<core_parallel>, #tpu.dimension_semantics<subcore_parallel>], iteration_bounds = array<i64: 2, 16>, scalar_prefetch = 0 : i64, scratch_operands = 2 : i64, tpu.core_type = #tpu.core_type<sc_vector_subcore>, window_params = [{transform_indices = #map}, {transform_indices = #map}]} {
    %mul3A = arith.constant 2 : i32
    %mul3A_0 = arith.muli %arg1, %mul3A : i32
    %add3A = arith.addi %mul3A_0, %arg0 : i32
    %mul3A_1 = arith.constant 64 : i32
    %mul3A_2 = arith.muli %add3A, %mul3A_1 : i32
    %run_scoped3A = arith.constant 0 : i32
    %run_scoped3A_3 = arith.constant 0 : i32
    "tpu.region"() ({
      %run_scoped3A_1494 = tpu.sem_alloc : memref<!tpu.dma_semaphore, #tpu.memory_space<semaphore_mem>>
      %dma_start3A = arith.constant 0 : i32
      %dma_start3A_1495 = tpu.memref_slice %arg4[%run_scoped3A_3, %dma_start3A] : memref<8x64xf32, #tpu.memory_space<vmem>> -> memref<1x64xf32, #tpu.memory_space<vmem>>
      %dma_start3A_1496 = tpu.memref_squeeze %dma_start3A_1495 : memref<1x64xf32, #tpu.memory_space<vmem>> -> memref<64xf32, #tpu.memory_space<vmem>>
      %dma_start3A_1497 = tpu.memref_slice %arg2[%run_scoped3A, %mul3A_2] : memref<8x2048xf32, #tpu.memory_space<hbm>> -> memref<1x64xf32, #tpu.memory_space<hbm>>
      %dma_start3A_1498 = tpu.memref_squeeze %dma_start3A_1497 : memref<1x64xf32, #tpu.memory_space<hbm>> -> memref<64xf32, #tpu.memory_space<hbm>>
      %dma_start3A_1499 = arith.constant 0 : i32
      %dma_start3A_1500 = tpu.memref_slice %arg4[%run_scoped3A_3, %dma_start3A_1499] : memref<8x64xf32, #tpu.memory_space<vmem>> -> memref<1x64xf32, #tpu.memory_space<vmem>>
      %dma_start3A_1501 = tpu.memref_squeeze %dma_start3A_1500 : memref<1x64xf32, #tpu.memory_space<vmem>> -> memref<64xf32, #tpu.memory_space<vmem>>
      %dma_start3A_1502 = tpu.memref_slice %arg2[%run_scoped3A, %mul3A_2] : memref<8x2048xf32, #tpu.memory_space<hbm>> -> memref<1x64xf32, #tpu.memory_space<hbm>>
      %dma_start3A_1503 = tpu.memref_squeeze %dma_start3A_1502 : memref<1x64xf32, #tpu.memory_space<hbm>> -> memref<64xf32, #tpu.memory_space<hbm>>
      tpu.enqueue_dma source(%dma_start3A_1503 : memref<64xf32, #tpu.memory_space<hbm>>) target(%dma_start3A_1501 : memref<64xf32, #tpu.memory_space<vmem>>) target_semaphore(%run_scoped3A_1494 : memref<!tpu.dma_semaphore, #tpu.memory_space<semaphore_mem>>)
      %dma_wait3A = arith.constant 0 : i32
      %dma_wait3A_1504 = tpu.memref_slice %arg4[%run_scoped3A_3, %dma_wait3A] : memref<8x64xf32, #tpu.memory_space<vmem>> -> memref<1x64xf32, #tpu.memory_space<vmem>>
      %dma_wait3A_1505 = tpu.memref_squeeze %dma_wait3A_1504 : memref<1x64xf32, #tpu.memory_space<vmem>> -> memref<64xf32, #tpu.memory_space<vmem>>
      %dma_wait3A_1506 = tpu.memref_slice %arg2[%run_scoped3A, %mul3A_2] : memref<8x2048xf32, #tpu.memory_space<hbm>> -> memref<1x64xf32, #tpu.memory_space<hbm>>
      %dma_wait3A_1507 = tpu.memref_squeeze %dma_wait3A_1506 : memref<1x64xf32, #tpu.memory_space<hbm>> -> memref<64xf32, #tpu.memory_space<hbm>>
      %dma_wait3A_1508 = arith.constant 0 : i32
      %dma_wait3A_1509 = tpu.memref_slice %arg4[%run_scoped3A_3, %dma_wait3A_1508] : memref<8x64xf32, #tpu.memory_space<vmem>> -> memref<1x64xf32, #tpu.memory_space<vmem>>
      %dma_wait3A_1510 = tpu.memref_squeeze %dma_wait3A_1509 : memref<1x64xf32, #tpu.memory_space<vmem>> -> memref<64xf32, #tpu.memory_space<vmem>>
      %dma_wait3A_1511 = tpu.memref_slice %arg2[%run_scoped3A, %mul3A_2] : memref<8x2048xf32, #tpu.memory_space<hbm>> -> memref<1x64xf32, #tpu.memory_space<hbm>>
      %dma_wait3A_1512 = tpu.memref_squeeze %dma_wait3A_1511 : memref<1x64xf32, #tpu.memory_space<hbm>> -> memref<64xf32, #tpu.memory_space<hbm>>
      tpu.wait_dma2 semaphore(%run_scoped3A_1494 : memref<!tpu.dma_semaphore, #tpu.memory_space<semaphore_mem>>) src(%dma_wait3A_1512 : memref<64xf32, #tpu.memory_space<hbm>>) dst(%dma_wait3A_1510 : memref<64xf32, #tpu.memory_space<vmem>>)
      tpu.yield
    }) : () -> ()
    %run_scoped3A_4 = arith.constant 1 : i32
    %run_scoped3A_5 = arith.constant 1 : i32
    "tpu.region"() ({
      %run_scoped3A_1494 = tpu.sem_alloc : memref<!tpu.dma_semaphore, #tpu.memory_space<semaphore_mem>>
      %dma_start3A = arith.constant 0 : i32
      %dma_start3A_1495 = tpu.memref_slice %arg4[%run_scoped3A_5, %dma_start3A] : memref<8x64xf32, #tpu.memory_space<vmem>> -> memref<1x64xf32, #tpu.memory_space<vmem>>
      %dma_start3A_1496 = tpu.memref_squeeze %dma_start3A_1495 : memref<1x64xf32, #tpu.memory_space<vmem>> -> memref<64xf32, #tpu.memory_space<vmem>>
      %dma_start3A_1497 = tpu.memref_slice %arg2[%run_scoped3A_4, %mul3A_2] : memref<8x2048xf32, #tpu.memory_space<hbm>> -> memref<1x64xf32, #tpu.memory_space<hbm>>
      %dma_start3A_1498 = tpu.memref_squeeze %dma_start3A_1497 : memref<1x64xf32, #tpu.memory_space<hbm>> -> memref<64xf32, #tpu.memory_space<hbm>>
      %dma_start3A_1499 = arith.constant 0 : i32
      %dma_start3A_1500 = tpu.memref_slice %arg4[%run_scoped3A_5, %dma_start3A_1499] : memref<8x64xf32, #tpu.memory_space<vmem>> -> memref<1x64xf32, #tpu.memory_space<vmem>>
      %dma_start3A_1501 = tpu.memref_squeeze %dma_start3A_1500 : memref<1x64xf32, #tpu.memory_space<vmem>> -> memref<64xf32, #tpu.memory_space<vmem>>
      %dma_start3A_1502 = tpu.memref_slice %arg2[%run_scoped3A_4, %mul3A_2] : memref<8x2048xf32, #tpu.memory_space<hbm>> -> memref<1x64xf32, #tpu.memory_space<hbm>>
      %dma_start3A_1503 = tpu.memref_squeeze %dma_start3A_1502 : memref<1x64xf32, #tpu.memory_space<hbm>> -> memref<64xf32, #tpu.memory_space<hbm>>
      tpu.enqueue_dma source(%dma_start3A_1503 : memref<64xf32, #tpu.memory_space<hbm>>) target(%dma_start3A_1501 : memref<64xf32, #tpu.memory_space<vmem>>) target_semaphore(%run_scoped3A_1494 : memref<!tpu.dma_semaphore, #tpu.memory_space<semaphore_mem>>)
      %dma_wait3A = arith.constant 0 : i32
      %dma_wait3A_1504 = tpu.memref_slice %arg4[%run_scoped3A_5, %dma_wait3A] : memref<8x64xf32, #tpu.memory_space<vmem>> -> memref<1x64xf32, #tpu.memory_space<vmem>>
      %dma_wait3A_1505 = tpu.memref_squeeze %dma_wait3A_1504 : memref<1x64xf32, #tpu.memory_space<vmem>> -> memref<64xf32, #tpu.memory_space<vmem>>
      %dma_wait3A_1506 = tpu.memref_slice %arg2[%run_scoped3A_4, %mul3A_2] : memref<8x2048xf32, #tpu.memory_space<hbm>> -> memref<1x64xf32, #tpu.memory_space<hbm>>
      %dma_wait3A_1507 = tpu.memref_squeeze %dma_wait3A_1506 : memref<1x64xf32, #tpu.memory_space<hbm>> -> memref<64xf32, #tpu.memory_space<hbm>>
      %dma_wait3A_1508 = arith.constant 0 : i32
      %dma_wait3A_1509 = tpu.memref_slice %arg4[%run_scoped3A_5, %dma_wait3A_1508] : memref<8x64xf32, #tpu.memory_space<vmem>> -> memref<1x64xf32, #tpu.memory_space<vmem>>
      %dma_wait3A_1510 = tpu.memref_squeeze %dma_wait3A_1509 : memref<1x64xf32, #tpu.memory_space<vmem>> -> memref<64xf32, #tpu.memory_space<vmem>>
      %dma_wait3A_1511 = tpu.memref_slice %arg2[%run_scoped3A_4, %mul3A_2] : memref<8x2048xf32, #tpu.memory_space<hbm>> -> memref<1x64xf32, #tpu.memory_space<hbm>>
      %dma_wait3A_1512 = tpu.memref_squeeze %dma_wait3A_1511 : memref<1x64xf32, #tpu.memory_space<hbm>> -> memref<64xf32, #tpu.memory_space<hbm>>
      tpu.wait_dma2 semaphore(%run_scoped3A_1494 : memref<!tpu.dma_semaphore, #tpu.memory_space<semaphore_mem>>) src(%dma_wait3A_1512 : memref<64xf32, #tpu.memory_space<hbm>>) dst(%dma_wait3A_1510 : memref<64xf32, #tpu.memory_space<vmem>>)
      tpu.yield
    }) : () -> ()
    %run_scoped3A_6 = arith.constant 2 : i32
    %run_scoped3A_7 = arith.constant 2 : i32
    "tpu.region"() ({
      %run_scoped3A_1494 = tpu.sem_alloc : memref<!tpu.dma_semaphore, #tpu.memory_space<semaphore_mem>>
      %dma_start3A = arith.constant 0 : i32
      %dma_start3A_1495 = tpu.memref_slice %arg4[%run_scoped3A_7, %dma_start3A] : memref<8x64xf32, #tpu.memory_space<vmem>> -> memref<1x64xf32, #tpu.memory_space<vmem>>
      %dma_start3A_1496 = tpu.memref_squeeze %dma_start3A_1495 : memref<1x64xf32, #tpu.memory_space<vmem>> -> memref<64xf32, #tpu.memory_space<vmem>>
      %dma_start3A_1497 = tpu.memref_slice %arg2[%run_scoped3A_6, %mul3A_2] : memref<8x2048xf32, #tpu.memory_space<hbm>> -> memref<1x64xf32, #tpu.memory_space<hbm>>
      %dma_start3A_1498 = tpu.memref_squeeze %dma_start3A_1497 : memref<1x64xf32, #tpu.memory_space<hbm>> -> memref<64xf32, #tpu.memory_space<hbm>>
      %dma_start3A_1499 = arith.constant 0 : i32
      %dma_start3A_1500 = tpu.memref_slice %arg4[%run_scoped3A_7, %dma_start3A_1499] : memref<8x64xf32, #tpu.memory_space<vmem>> -> memref<1x64xf32, #tpu.memory_space<vmem>>
      %dma_start3A_1501 = tpu.memref_squeeze %dma_start3A_1500 : memref<1x64xf32, #tpu.memory_space<vmem>> -> memref<64xf32, #tpu.memory_space<vmem>>
      %dma_start3A_1502 = tpu.memref_slice %arg2[%run_scoped3A_6, %mul3A_2] : memref<8x2048xf32, #tpu.memory_space<hbm>> -> memref<1x64xf32, #tpu.memory_space<hbm>>
      %dma_start3A_1503 = tpu.memref_squeeze %dma_start3A_1502 : memref<1x64xf32, #tpu.memory_space<hbm>> -> memref<64xf32, #tpu.memory_space<hbm>>
      tpu.enqueue_dma source(%dma_start3A_1503 : memref<64xf32, #tpu.memory_space<hbm>>) target(%dma_start3A_1501 : memref<64xf32, #tpu.memory_space<vmem>>) target_semaphore(%run_scoped3A_1494 : memref<!tpu.dma_semaphore, #tpu.memory_space<semaphore_mem>>)
      %dma_wait3A = arith.constant 0 : i32
      %dma_wait3A_1504 = tpu.memref_slice %arg4[%run_scoped3A_7, %dma_wait3A] : memref<8x64xf32, #tpu.memory_space<vmem>> -> memref<1x64xf32, #tpu.memory_space<vmem>>
      %dma_wait3A_1505 = tpu.memref_squeeze %dma_wait3A_1504 : memref<1x64xf32, #tpu.memory_space<vmem>> -> memref<64xf32, #tpu.memory_space<vmem>>
      %dma_wait3A_1506 = tpu.memref_slice %arg2[%run_scoped3A_6, %mul3A_2] : memref<8x2048xf32, #tpu.memory_space<hbm>> -> memref<1x64xf32, #tpu.memory_space<hbm>>
      %dma_wait3A_1507 = tpu.memref_squeeze %dma_wait3A_1506 : memref<1x64xf32, #tpu.memory_space<hbm>> -> memref<64xf32, #tpu.memory_space<hbm>>
      %dma_wait3A_1508 = arith.constant 0 : i32
      %dma_wait3A_1509 = tpu.memref_slice %arg4[%run_scoped3A_7, %dma_wait3A_1508] : memref<8x64xf32, #tpu.memory_space<vmem>> -> memref<1x64xf32, #tpu.memory_space<vmem>>
      %dma_wait3A_1510 = tpu.memref_squeeze %dma_wait3A_1509 : memref<1x64xf32, #tpu.memory_space<vmem>> -> memref<64xf32, #tpu.memory_space<vmem>>
      %dma_wait3A_1511 = tpu.memref_slice %arg2[%run_scoped3A_6, %mul3A_2] : memref<8x2048xf32, #tpu.memory_space<hbm>> -> memref<1x64xf32, #tpu.memory_space<hbm>>
      %dma_wait3A_1512 = tpu.memref_squeeze %dma_wait3A_1511 : memref<1x64xf32, #tpu.memory_space<hbm>> -> memref<64xf32, #tpu.memory_space<hbm>>
      tpu.wait_dma2 semaphore(%run_scoped3A_1494 : memref<!tpu.dma_semaphore, #tpu.memory_space<semaphore_mem>>) src(%dma_wait3A_1512 : memref<64xf32, #tpu.memory_space<hbm>>) dst(%dma_wait3A_1510 : memref<64xf32, #tpu.memory_space<vmem>>)
      tpu.yield
    }) : () -> ()
    %run_scoped3A_8 = arith.constant 3 : i32
    %run_scoped3A_9 = arith.constant 3 : i32
    "tpu.region"() ({
      %run_scoped3A_1494 = tpu.sem_alloc : memref<!tpu.dma_semaphore, #tpu.memory_space<semaphore_mem>>
      %dma_start3A = arith.constant 0 : i32
      %dma_start3A_1495 = tpu.memref_slice %arg4[%run_scoped3A_9, %dma_start3A] : memref<8x64xf32, #tpu.memory_space<vmem>> -> memref<1x64xf32, #tpu.memory_space<vmem>>
      %dma_start3A_1496 = tpu.memref_squeeze %dma_start3A_1495 : memref<1x64xf32, #tpu.memory_space<vmem>> -> memref<64xf32, #tpu.memory_space<vmem>>
      %dma_start3A_1497 = tpu.memref_slice %arg2[%run_scoped3A_8, %mul3A_2] : memref<8x2048xf32, #tpu.memory_space<hbm>> -> memref<1x64xf32, #tpu.memory_space<hbm>>
      %dma_start3A_1498 = tpu.memref_squeeze %dma_start3A_1497 : memref<1x64xf32, #tpu.memory_space<hbm>> -> memref<64xf32, #tpu.memory_space<hbm>>
      %dma_start3A_1499 = arith.constant 0 : i32
      %dma_start3A_1500 = tpu.memref_slice %arg4[%run_scoped3A_9, %dma_start3A_1499] : memref<8x64xf32, #tpu.memory_space<vmem>> -> memref<1x64xf32, #tpu.memory_space<vmem>>
      %dma_start3A_1501 = tpu.memref_squeeze %dma_start3A_1500 : memref<1x64xf32, #tpu.memory_space<vmem>> -> memref<64xf32, #tpu.memory_space<vmem>>
      %dma_start3A_1502 = tpu.memref_slice %arg2[%run_scoped3A_8, %mul3A_2] : memref<8x2048xf32, #tpu.memory_space<hbm>> -> memref<1x64xf32, #tpu.memory_space<hbm>>
      %dma_start3A_1503 = tpu.memref_squeeze %dma_start3A_1502 : memref<1x64xf32, #tpu.memory_space<hbm>> -> memref<64xf32, #tpu.memory_space<hbm>>
      tpu.enqueue_dma source(%dma_start3A_1503 : memref<64xf32, #tpu.memory_space<hbm>>) target(%dma_start3A_1501 : memref<64xf32, #tpu.memory_space<vmem>>) target_semaphore(%run_scoped3A_1494 : memref<!tpu.dma_semaphore, #tpu.memory_space<semaphore_mem>>)
      %dma_wait3A = arith.constant 0 : i32
      %dma_wait3A_1504 = tpu.memref_slice %arg4[%run_scoped3A_9, %dma_wait3A] : memref<8x64xf32, #tpu.memory_space<vmem>> -> memref<1x64xf32, #tpu.memory_space<vmem>>
      %dma_wait3A_1505 = tpu.memref_squeeze %dma_wait3A_1504 : memref<1x64xf32, #tpu.memory_space<vmem>> -> memref<64xf32, #tpu.memory_space<vmem>>
      %dma_wait3A_1506 = tpu.memref_slice %arg2[%run_scoped3A_8, %mul3A_2] : memref<8x2048xf32, #tpu.memory_space<hbm>> -> memref<1x64xf32, #tpu.memory_space<hbm>>
      %dma_wait3A_1507 = tpu.memref_squeeze %dma_wait3A_1506 : memref<1x64xf32, #tpu.memory_space<hbm>> -> memref<64xf32, #tpu.memory_space<hbm>>
      %dma_wait3A_1508 = arith.constant 0 : i32
      %dma_wait3A_1509 = tpu.memref_slice %arg4[%run_scoped3A_9, %dma_wait3A_1508] : memref<8x64xf32, #tpu.memory_space<vmem>> -> memref<1x64xf32, #tpu.memory_space<vmem>>
      %dma_wait3A_1510 = tpu.memref_squeeze %dma_wait3A_1509 : memref<1x64xf32, #tpu.memory_space<vmem>> -> memref<64xf32, #tpu.memory_space<vmem>>
      %dma_wait3A_1511 = tpu.memref_slice %arg2[%run_scoped3A_8, %mul3A_2] : memref<8x2048xf32, #tpu.memory_space<hbm>> -> memref<1x64xf32, #tpu.memory_space<hbm>>
      %dma_wait3A_1512 = tpu.memref_squeeze %dma_wait3A_1511 : memref<1x64xf32, #tpu.memory_space<hbm>> -> memref<64xf32, #tpu.memory_space<hbm>>
      tpu.wait_dma2 semaphore(%run_scoped3A_1494 : memref<!tpu.dma_semaphore, #tpu.memory_space<semaphore_mem>>) src(%dma_wait3A_1512 : memref<64xf32, #tpu.memory_space<hbm>>) dst(%dma_wait3A_1510 : memref<64xf32, #tpu.memory_space<vmem>>)
      tpu.yield
    }) : () -> ()
    %run_scoped3A_10 = arith.constant 4 : i32
    %run_scoped3A_11 = arith.constant 4 : i32
    "tpu.region"() ({
      %run_scoped3A_1494 = tpu.sem_alloc : memref<!tpu.dma_semaphore, #tpu.memory_space<semaphore_mem>>
      %dma_start3A = arith.constant 0 : i32
      %dma_start3A_1495 = tpu.memref_slice %arg4[%run_scoped3A_11, %dma_start3A] : memref<8x64xf32, #tpu.memory_space<vmem>> -> memref<1x64xf32, #tpu.memory_space<vmem>>
      %dma_start3A_1496 = tpu.memref_squeeze %dma_start3A_1495 : memref<1x64xf32, #tpu.memory_space<vmem>> -> memref<64xf32, #tpu.memory_space<vmem>>
      %dma_start3A_1497 = tpu.memref_slice %arg2[%run_scoped3A_10, %mul3A_2] : memref<8x2048xf32, #tpu.memory_space<hbm>> -> memref<1x64xf32, #tpu.memory_space<hbm>>
      %dma_start3A_1498 = tpu.memref_squeeze %dma_start3A_1497 : memref<1x64xf32, #tpu.memory_space<hbm>> -> memref<64xf32, #tpu.memory_space<hbm>>
      %dma_start3A_1499 = arith.constant 0 : i32
      %dma_start3A_1500 = tpu.memref_slice %arg4[%run_scoped3A_11, %dma_start3A_1499] : memref<8x64xf32, #tpu.memory_space<vmem>> -> memref<1x64xf32, #tpu.memory_space<vmem>>
      %dma_start3A_1501 = tpu.memref_squeeze %dma_start3A_1500 : memref<1x64xf32, #tpu.memory_space<vmem>> -> memref<64xf32, #tpu.memory_space<vmem>>
      %dma_start3A_1502 = tpu.memref_slice %arg2[%run_scoped3A_10, %mul3A_2] : memref<8x2048xf32, #tpu.memory_space<hbm>> -> memref<1x64xf32, #tpu.memory_space<hbm>>
      %dma_start3A_1503 = tpu.memref_squeeze %dma_start3A_1502 : memref<1x64xf32, #tpu.memory_space<hbm>> -> memref<64xf32, #tpu.memory_space<hbm>>
      tpu.enqueue_dma source(%dma_start3A_1503 : memref<64xf32, #tpu.memory_space<hbm>>) target(%dma_start3A_1501 : memref<64xf32, #tpu.memory_space<vmem>>) target_semaphore(%run_scoped3A_1494 : memref<!tpu.dma_semaphore, #tpu.memory_space<semaphore_mem>>)
      %dma_wait3A = arith.constant 0 : i32
      %dma_wait3A_1504 = tpu.memref_slice %arg4[%run_scoped3A_11, %dma_wait3A] : memref<8x64xf32, #tpu.memory_space<vmem>> -> memref<1x64xf32, #tpu.memory_space<vmem>>
      %dma_wait3A_1505 = tpu.memref_squeeze %dma_wait3A_1504 : memref<1x64xf32, #tpu.memory_space<vmem>> -> memref<64xf32, #tpu.memory_space<vmem>>
      %dma_wait3A_1506 = tpu.memref_slice %arg2[%run_scoped3A_10, %mul3A_2] : memref<8x2048xf32, #tpu.memory_space<hbm>> -> memref<1x64xf32, #tpu.memory_space<hbm>>
      %dma_wait3A_1507 = tpu.memref_squeeze %dma_wait3A_1506 : memref<1x64xf32, #tpu.memory_space<hbm>> -> memref<64xf32, #tpu.memory_space<hbm>>
      %dma_wait3A_1508 = arith.constant 0 : i32
      %dma_wait3A_1509 = tpu.memref_slice %arg4[%run_scoped3A_11, %dma_wait3A_1508] : memref<8x64xf32, #tpu.memory_space<vmem>> -> memref<1x64xf32, #tpu.memory_space<vmem>>
      %dma_wait3A_1510 = tpu.memref_squeeze %dma_wait3A_1509 : memref<1x64xf32, #tpu.memory_space<vmem>> -> memref<64xf32, #tpu.memory_space<vmem>>
      %dma_wait3A_1511 = tpu.memref_slice %arg2[%run_scoped3A_10, %mul3A_2] : memref<8x2048xf32, #tpu.memory_space<hbm>> -> memref<1x64xf32, #tpu.memory_space<hbm>>
      %dma_wait3A_1512 = tpu.memref_squeeze %dma_wait3A_1511 : memref<1x64xf32, #tpu.memory_space<hbm>> -> memref<64xf32, #tpu.memory_space<hbm>>
      tpu.wait_dma2 semaphore(%run_scoped3A_1494 : memref<!tpu.dma_semaphore, #tpu.memory_space<semaphore_mem>>) src(%dma_wait3A_1512 : memref<64xf32, #tpu.memory_space<hbm>>) dst(%dma_wait3A_1510 : memref<64xf32, #tpu.memory_space<vmem>>)
      tpu.yield
    }) : () -> ()
    %run_scoped3A_12 = arith.constant 5 : i32
    %run_scoped3A_13 = arith.constant 5 : i32
    "tpu.region"() ({
      %run_scoped3A_1494 = tpu.sem_alloc : memref<!tpu.dma_semaphore, #tpu.memory_space<semaphore_mem>>
      %dma_start3A = arith.constant 0 : i32
      %dma_start3A_1495 = tpu.memref_slice %arg4[%run_scoped3A_13, %dma_start3A] : memref<8x64xf32, #tpu.memory_space<vmem>> -> memref<1x64xf32, #tpu.memory_space<vmem>>
      %dma_start3A_1496 = tpu.memref_squeeze %dma_start3A_1495 : memref<1x64xf32, #tpu.memory_space<vmem>> -> memref<64xf32, #tpu.memory_space<vmem>>
      %dma_start3A_1497 = tpu.memref_slice %arg2[%run_scoped3A_12, %mul3A_2] : memref<8x2048xf32, #tpu.memory_space<hbm>> -> memref<1x64xf32, #tpu.memory_space<hbm>>
      %dma_start3A_1498 = tpu.memref_squeeze %dma_start3A_1497 : memref<1x64xf32, #tpu.memory_space<hbm>> -> memref<64xf32, #tpu.memory_space<hbm>>
      %dma_start3A_1499 = arith.constant 0 : i32
      %dma_start3A_1500 = tpu.memref_slice %arg4[%run_scoped3A_13, %dma_start3A_1499] : memref<8x64xf32, #tpu.memory_space<vmem>> -> memref<1x64xf32, #tpu.memory_space<vmem>>
      %dma_start3A_1501 = tpu.memref_squeeze %dma_start3A_1500 : memref<1x64xf32, #tpu.memory_space<vmem>> -> memref<64xf32, #tpu.memory_space<vmem>>
      %dma_start3A_1502 = tpu.memref_slice %arg2[%run_scoped3A_12, %mul3A_2] : memref<8x2048xf32, #tpu.memory_space<hbm>> -> memref<1x64xf32, #tpu.memory_space<hbm>>
      %dma_start3A_1503 = tpu.memref_squeeze %dma_start3A_1502 : memref<1x64xf32, #tpu.memory_space<hbm>> -> memref<64xf32, #tpu.memory_space<hbm>>
      tpu.enqueue_dma source(%dma_start3A_1503 : memref<64xf32, #tpu.memory_space<hbm>>) target(%dma_start3A_1501 : memref<64xf32, #tpu.memory_space<vmem>>) target_semaphore(%run_scoped3A_1494 : memref<!tpu.dma_semaphore, #tpu.memory_space<semaphore_mem>>)
      %dma_wait3A = arith.constant 0 : i32
      %dma_wait3A_1504 = tpu.memref_slice %arg4[%run_scoped3A_13, %dma_wait3A] : memref<8x64xf32, #tpu.memory_space<vmem>> -> memref<1x64xf32, #tpu.memory_space<vmem>>
      %dma_wait3A_1505 = tpu.memref_squeeze %dma_wait3A_1504 : memref<1x64xf32, #tpu.memory_space<vmem>> -> memref<64xf32, #tpu.memory_space<vmem>>
      %dma_wait3A_1506 = tpu.memref_slice %arg2[%run_scoped3A_12, %mul3A_2] : memref<8x2048xf32, #tpu.memory_space<hbm>> -> memref<1x64xf32, #tpu.memory_space<hbm>>
      %dma_wait3A_1507 = tpu.memref_squeeze %dma_wait3A_1506 : memref<1x64xf32, #tpu.memory_space<hbm>> -> memref<64xf32, #tpu.memory_space<hbm>>
      %dma_wait3A_1508 = arith.constant 0 : i32
      %dma_wait3A_1509 = tpu.memref_slice %arg4[%run_scoped3A_13, %dma_wait3A_1508] : memref<8x64xf32, #tpu.memory_space<vmem>> -> memref<1x64xf32, #tpu.memory_space<vmem>>
      %dma_wait3A_1510 = tpu.memref_squeeze %dma_wait3A_1509 : memref<1x64xf32, #tpu.memory_space<vmem>> -> memref<64xf32, #tpu.memory_space<vmem>>
      %dma_wait3A_1511 = tpu.memref_slice %arg2[%run_scoped3A_12, %mul3A_2] : memref<8x2048xf32, #tpu.memory_space<hbm>> -> memref<1x64xf32, #tpu.memory_space<hbm>>
      %dma_wait3A_1512 = tpu.memref_squeeze %dma_wait3A_1511 : memref<1x64xf32, #tpu.memory_space<hbm>> -> memref<64xf32, #tpu.memory_space<hbm>>
      tpu.wait_dma2 semaphore(%run_scoped3A_1494 : memref<!tpu.dma_semaphore, #tpu.memory_space<semaphore_mem>>) src(%dma_wait3A_1512 : memref<64xf32, #tpu.memory_space<hbm>>) dst(%dma_wait3A_1510 : memref<64xf32, #tpu.memory_space<vmem>>)
      tpu.yield
    }) : () -> ()
    %run_scoped3A_14 = arith.constant 6 : i32
    %run_scoped3A_15 = arith.constant 6 : i32
    "tpu.region"() ({
      %run_scoped3A_1494 = tpu.sem_alloc : memref<!tpu.dma_semaphore, #tpu.memory_space<semaphore_mem>>
      %dma_start3A = arith.constant 0 : i32
      %dma_start3A_1495 = tpu.memref_slice %arg4[%run_scoped3A_15, %dma_start3A] : memref<8x64xf32, #tpu.memory_space<vmem>> -> memref<1x64xf32, #tpu.memory_space<vmem>>
      %dma_start3A_1496 = tpu.memref_squeeze %dma_start3A_1495 : memref<1x64xf32, #tpu.memory_space<vmem>> -> memref<64xf32, #tpu.memory_space<vmem>>
      %dma_start3A_1497 = tpu.memref_slice %arg2[%run_scoped3A_14, %mul3A_2] : memref<8x2048xf32, #tpu.memory_space<hbm>> -> memref<1x64xf32, #tpu.memory_space<hbm>>
      %dma_start3A_1498 = tpu.memref_squeeze %dma_start3A_1497 : memref<1x64xf32, #tpu.memory_space<hbm>> -> memref<64xf32, #tpu.memory_space<hbm>>
      %dma_start3A_1499 = arith.constant 0 : i32
      %dma_start3A_1500 = tpu.memref_slice %arg4[%run_scoped3A_15, %dma_start3A_1499] : memref<8x64xf32, #tpu.memory_space<vmem>> -> memref<1x64xf32, #tpu.memory_space<vmem>>
      %dma_start3A_1501 = tpu.memref_squeeze %dma_start3A_1500 : memref<1x64xf32, #tpu.memory_space<vmem>> -> memref<64xf32, #tpu.memory_space<vmem>>
      %dma_start3A_1502 = tpu.memref_slice %arg2[%run_scoped3A_14, %mul3A_2] : memref<8x2048xf32, #tpu.memory_space<hbm>> -> memref<1x64xf32, #tpu.memory_space<hbm>>
      %dma_start3A_1503 = tpu.memref_squeeze %dma_start3A_1502 : memref<1x64xf32, #tpu.memory_space<hbm>> -> memref<64xf32, #tpu.memory_space<hbm>>
      tpu.enqueue_dma source(%dma_start3A_1503 : memref<64xf32, #tpu.memory_space<hbm>>) target(%dma_start3A_1501 : memref<64xf32, #tpu.memory_space<vmem>>) target_semaphore(%run_scoped3A_1494 : memref<!tpu.dma_semaphore, #tpu.memory_space<semaphore_mem>>)
      %dma_wait3A = arith.constant 0 : i32
      %dma_wait3A_1504 = tpu.memref_slice %arg4[%run_scoped3A_15, %dma_wait3A] : memref<8x64xf32, #tpu.memory_space<vmem>> -> memref<1x64xf32, #tpu.memory_space<vmem>>
      %dma_wait3A_1505 = tpu.memref_squeeze %dma_wait3A_1504 : memref<1x64xf32, #tpu.memory_space<vmem>> -> memref<64xf32, #tpu.memory_space<vmem>>
      %dma_wait3A_1506 = tpu.memref_slice %arg2[%run_scoped3A_14, %mul3A_2] : memref<8x2048xf32, #tpu.memory_space<hbm>> -> memref<1x64xf32, #tpu.memory_space<hbm>>
      %dma_wait3A_1507 = tpu.memref_squeeze %dma_wait3A_1506 : memref<1x64xf32, #tpu.memory_space<hbm>> -> memref<64xf32, #tpu.memory_space<hbm>>
      %dma_wait3A_1508 = arith.constant 0 : i32
      %dma_wait3A_1509 = tpu.memref_slice %arg4[%run_scoped3A_15, %dma_wait3A_1508] : memref<8x64xf32, #tpu.memory_space<vmem>> -> memref<1x64xf32, #tpu.memory_space<vmem>>
      %dma_wait3A_1510 = tpu.memref_squeeze %dma_wait3A_1509 : memref<1x64xf32, #tpu.memory_space<vmem>> -> memref<64xf32, #tpu.memory_space<vmem>>
      %dma_wait3A_1511 = tpu.memref_slice %arg2[%run_scoped3A_14, %mul3A_2] : memref<8x2048xf32, #tpu.memory_space<hbm>> -> memref<1x64xf32, #tpu.memory_space<hbm>>
      %dma_wait3A_1512 = tpu.memref_squeeze %dma_wait3A_1511 : memref<1x64xf32, #tpu.memory_space<hbm>> -> memref<64xf32, #tpu.memory_space<hbm>>
      tpu.wait_dma2 semaphore(%run_scoped3A_1494 : memref<!tpu.dma_semaphore, #tpu.memory_space<semaphore_mem>>) src(%dma_wait3A_1512 : memref<64xf32, #tpu.memory_space<hbm>>) dst(%dma_wait3A_1510 : memref<64xf32, #tpu.memory_space<vmem>>)
      tpu.yield
    }) : () -> ()
    %run_scoped3A_16 = arith.constant 7 : i32
    %run_scoped3A_17 = arith.constant 7 : i32
    "tpu.region"() ({
      %run_scoped3A_1494 = tpu.sem_alloc : memref<!tpu.dma_semaphore, #tpu.memory_space<semaphore_mem>>
      %dma_start3A = arith.constant 0 : i32
      %dma_start3A_1495 = tpu.memref_slice %arg4[%run_scoped3A_17, %dma_start3A] : memref<8x64xf32, #tpu.memory_space<vmem>> -> memref<1x64xf32, #tpu.memory_space<vmem>>
      %dma_start3A_1496 = tpu.memref_squeeze %dma_start3A_1495 : memref<1x64xf32, #tpu.memory_space<vmem>> -> memref<64xf32, #tpu.memory_space<vmem>>
      %dma_start3A_1497 = tpu.memref_slice %arg2[%run_scoped3A_16, %mul3A_2] : memref<8x2048xf32, #tpu.memory_space<hbm>> -> memref<1x64xf32, #tpu.memory_space<hbm>>
      %dma_start3A_1498 = tpu.memref_squeeze %dma_start3A_1497 : memref<1x64xf32, #tpu.memory_space<hbm>> -> memref<64xf32, #tpu.memory_space<hbm>>
      %dma_start3A_1499 = arith.constant 0 : i32
      %dma_start3A_1500 = tpu.memref_slice %arg4[%run_scoped3A_17, %dma_start3A_1499] : memref<8x64xf32, #tpu.memory_space<vmem>> -> memref<1x64xf32, #tpu.memory_space<vmem>>
      %dma_start3A_1501 = tpu.memref_squeeze %dma_start3A_1500 : memref<1x64xf32, #tpu.memory_space<vmem>> -> memref<64xf32, #tpu.memory_space<vmem>>
      %dma_start3A_1502 = tpu.memref_slice %arg2[%run_scoped3A_16, %mul3A_2] : memref<8x2048xf32, #tpu.memory_space<hbm>> -> memref<1x64xf32, #tpu.memory_space<hbm>>
      %dma_start3A_1503 = tpu.memref_squeeze %dma_start3A_1502 : memref<1x64xf32, #tpu.memory_space<hbm>> -> memref<64xf32, #tpu.memory_space<hbm>>
      tpu.enqueue_dma source(%dma_start3A_1503 : memref<64xf32, #tpu.memory_space<hbm>>) target(%dma_start3A_1501 : memref<64xf32, #tpu.memory_space<vmem>>) target_semaphore(%run_scoped3A_1494 : memref<!tpu.dma_semaphore, #tpu.memory_space<semaphore_mem>>)
      %dma_wait3A = arith.constant 0 : i32
      %dma_wait3A_1504 = tpu.memref_slice %arg4[%run_scoped3A_17, %dma_wait3A] : memref<8x64xf32, #tpu.memory_space<vmem>> -> memref<1x64xf32, #tpu.memory_space<vmem>>
      %dma_wait3A_1505 = tpu.memref_squeeze %dma_wait3A_1504 : memref<1x64xf32, #tpu.memory_space<vmem>> -> memref<64xf32, #tpu.memory_space<vmem>>
      %dma_wait3A_1506 = tpu.memref_slice %arg2[%run_scoped3A_16, %mul3A_2] : memref<8x2048xf32, #tpu.memory_space<hbm>> -> memref<1x64xf32, #tpu.memory_space<hbm>>
      %dma_wait3A_1507 = tpu.memref_squeeze %dma_wait3A_1506 : memref<1x64xf32, #tpu.memory_space<hbm>> -> memref<64xf32, #tpu.memory_space<hbm>>
      %dma_wait3A_1508 = arith.constant 0 : i32
      %dma_wait3A_1509 = tpu.memref_slice %arg4[%run_scoped3A_17, %dma_wait3A_1508] : memref<8x64xf32, #tpu.memory_space<vmem>> -> memref<1x64xf32, #tpu.memory_space<vmem>>
      %dma_wait3A_1510 = tpu.memref_squeeze %dma_wait3A_1509 : memref<1x64xf32, #tpu.memory_space<vmem>> -> memref<64xf32, #tpu.memory_space<vmem>>
      %dma_wait3A_1511 = tpu.memref_slice %arg2[%run_scoped3A_16, %mul3A_2] : memref<8x2048xf32, #tpu.memory_space<hbm>> -> memref<1x64xf32, #tpu.memory_space<hbm>>
      %dma_wait3A_1512 = tpu.memref_squeeze %dma_wait3A_1511 : memref<1x64xf32, #tpu.memory_space<hbm>> -> memref<64xf32, #tpu.memory_space<hbm>>
      tpu.wait_dma2 semaphore(%run_scoped3A_1494 : memref<!tpu.dma_semaphore, #tpu.memory_space<semaphore_mem>>) src(%dma_wait3A_1512 : memref<64xf32, #tpu.memory_space<hbm>>) dst(%dma_wait3A_1510 : memref<64xf32, #tpu.memory_space<vmem>>)
      tpu.yield
    }) : () -> ()
    %get3A = arith.constant 0 : i32
    %get3A_18 = arith.index_cast %get3A : i32 to index
    %get3A_19 = arith.constant 0 : index
    %get3A_20 = tpu.vector_load %arg4[%get3A_18, %get3A_19] {strides = array<i32>} : memref<8x64xf32, #tpu.memory_space<vmem>>, vector<1x16xf32>,
    %get3A_21 = vector.shape_cast %get3A_20 : vector<1x16xf32> to vector<16xf32>
    %get3A_22 = arith.constant 1 : i32
    %get3A_23 = arith.index_cast %get3A_22 : i32 to index
    %get3A_24 = arith.constant 0 : index
    %get3A_25 = tpu.vector_load %arg4[%get3A_23, %get3A_24] {strides = array<i32>} : memref<8x64xf32, #tpu.memory_space<vmem>>, vector<1x16xf32>,
    %get3A_26 = vector.shape_cast %get3A_25 : vector<1x16xf32> to vector<16xf32>
    %get3A_27 = arith.constant 2 : i32
    %get3A_28 = arith.index_cast %get3A_27 : i32 to index
    %get3A_29 = arith.constant 0 : index
    %get3A_30 = tpu.vector_load %arg4[%get3A_28, %get3A_29] {strides = array<i32>} : memref<8x64xf32, #tpu.memory_space<vmem>>, vector<1x16xf32>,
    %get3A_31 = vector.shape_cast %get3A_30 : vector<1x16xf32> to vector<16xf32>
    %get3A_32 = arith.constant 3 : i32
    %get3A_33 = arith.index_cast %get3A_32 : i32 to index
    %get3A_34 = arith.constant 0 : index
    %get3A_35 = tpu.vector_load %arg4[%get3A_33, %get3A_34] {strides = array<i32>} : memref<8x64xf32, #tpu.memory_space<vmem>>, vector<1x16xf32>,
    %get3A_36 = vector.shape_cast %get3A_35 : vector<1x16xf32> to vector<16xf32>
    %get3A_37 = arith.constant 4 : i32
    %get3A_38 = arith.index_cast %get3A_37 : i32 to index
    %get3A_39 = arith.constant 0 : index
    %get3A_40 = tpu.vector_load %arg4[%get3A_38, %get3A_39] {strides = array<i32>} : memref<8x64xf32, #tpu.memory_space<vmem>>, vector<1x16xf32>,
    %get3A_41 = vector.shape_cast %get3A_40 : vector<1x16xf32> to vector<16xf32>
    %get3A_42 = arith.constant 5 : i32
    %get3A_43 = arith.index_cast %get3A_42 : i32 to index
    %get3A_44 = arith.constant 0 : index
    %get3A_45 = tpu.vector_load %arg4[%get3A_43, %get3A_44] {strides = array<i32>} : memref<8x64xf32, #tpu.memory_space<vmem>>, vector<1x16xf32>,
    %get3A_46 = vector.shape_cast %get3A_45 : vector<1x16xf32> to vector<16xf32>
    %get3A_47 = arith.constant 6 : i32
    %get3A_48 = arith.index_cast %get3A_47 : i32 to index
    %get3A_49 = arith.constant 0 : index
    %get3A_50 = tpu.vector_load %arg4[%get3A_48, %get3A_49] {strides = array<i32>} : memref<8x64xf32, #tpu.memory_space<vmem>>, vector<1x16xf32>,
    %get3A_51 = vector.shape_cast %get3A_50 : vector<1x16xf32> to vector<16xf32>
    %get3A_52 = arith.constant 7 : i32
    %get3A_53 = arith.index_cast %get3A_52 : i32 to index
    %get3A_54 = arith.constant 0 : index
    %get3A_55 = tpu.vector_load %arg4[%get3A_53, %get3A_54] {strides = array<i32>} : memref<8x64xf32, #tpu.memory_space<vmem>>, vector<1x16xf32>,
    %get3A_56 = vector.shape_cast %get3A_55 : vector<1x16xf32> to vector<16xf32>
    %max3A = arith.maximumf %get3A_21, %get3A_26 : vector<16xf32>
    %max3A_57 = arith.maximumf %max3A, %get3A_31 : vector<16xf32>
    %max3A_58 = arith.maximumf %max3A_57, %get3A_36 : vector<16xf32>
    %max3A_59 = arith.maximumf %max3A_58, %get3A_41 : vector<16xf32>
    %max3A_60 = arith.maximumf %max3A_59, %get3A_46 : vector<16xf32>
    %max3A_61 = arith.maximumf %max3A_60, %get3A_51 : vector<16xf32>
    %max3A_62 = arith.maximumf %max3A_61, %get3A_56 : vector<16xf32>
    %broadcast_in_dim3A = arith.constant 8 : i32
    %broadcast_in_dim3A_63 = vector.broadcast %broadcast_in_dim3A : i32 to vector<16xi32>
    %eq3A = arith.cmpf oeq, %get3A_56, %max3A_62 : vector<16xf32>
    %jit3A = arith.constant 7 : i32
    %broadcast_in_dim3A_64 = vector.broadcast %jit3A : i32 to vector<16xi32>
    %select_n3A = arith.select %eq3A, %broadcast_in_dim3A_64, %broadcast_in_dim3A_63 : vector<16xi1>, vector<16xi32>
    %eq3A_65 = arith.cmpf oeq, %get3A_51, %max3A_62 : vector<16xf32>
    %jit3A_66 = arith.constant 6 : i32
    %broadcast_in_dim3A_67 = vector.broadcast %jit3A_66 : i32 to vector<16xi32>
    %select_n3A_68 = arith.select %eq3A_65, %broadcast_in_dim3A_67, %select_n3A : vector<16xi1>, vector<16xi32>
    %eq3A_69 = arith.cmpf oeq, %get3A_46, %max3A_62 : vector<16xf32>
    %jit3A_70 = arith.constant 5 : i32
    %broadcast_in_dim3A_71 = vector.broadcast %jit3A_70 : i32 to vector<16xi32>
    %select_n3A_72 = arith.select %eq3A_69, %broadcast_in_dim3A_71, %select_n3A_68 : vector<16xi1>, vector<16xi32>
    %eq3A_73 = arith.cmpf oeq, %get3A_41, %max3A_62 : vector<16xf32>
    %jit3A_74 = arith.constant 4 : i32
    %broadcast_in_dim3A_75 = vector.broadcast %jit3A_74 : i32 to vector<16xi32>
    %select_n3A_76 = arith.select %eq3A_73, %broadcast_in_dim3A_75, %select_n3A_72 : vector<16xi1>, vector<16xi32>
    %eq3A_77 = arith.cmpf oeq, %get3A_36, %max3A_62 : vector<16xf32>
    %jit3A_78 = arith.constant 3 : i32
    %broadcast_in_dim3A_79 = vector.broadcast %jit3A_78 : i32 to vector<16xi32>
    %select_n3A_80 = arith.select %eq3A_77, %broadcast_in_dim3A_79, %select_n3A_76 : vector<16xi1>, vector<16xi32>
    %eq3A_81 = arith.cmpf oeq, %get3A_31, %max3A_62 : vector<16xf32>
    %jit3A_82 = arith.constant 2 : i32
    %broadcast_in_dim3A_83 = vector.broadcast %jit3A_82 : i32 to vector<16xi32>
    %select_n3A_84 = arith.select %eq3A_81, %broadcast_in_dim3A_83, %select_n3A_80 : vector<16xi1>, vector<16xi32>
    %eq3A_85 = arith.cmpf oeq, %get3A_26, %max3A_62 : vector<16xf32>
    %jit3A_86 = arith.constant 1 : i32
    %broadcast_in_dim3A_87 = vector.broadcast %jit3A_86 : i32 to vector<16xi32>
    %select_n3A_88 = arith.select %eq3A_85, %broadcast_in_dim3A_87, %select_n3A_84 : vector<16xi1>, vector<16xi32>
    %eq3A_89 = arith.cmpf oeq, %get3A_21, %max3A_62 : vector<16xf32>
    %jit3A_90 = arith.constant 0 : i32
    %broadcast_in_dim3A_91 = vector.broadcast %jit3A_90 : i32 to vector<16xi32>
    %select_n3A_92 = arith.select %eq3A_89, %broadcast_in_dim3A_91, %select_n3A_88 : vector<16xi1>, vector<16xi32>
    %broadcast_in_dim3A_93 = arith.constant -1.000000e+09 : f32
    %broadcast_in_dim3A_94 = vector.broadcast %broadcast_in_dim3A_93 : f32 to vector<16xf32>
    %eq3A_95 = arith.constant 0 : i32
    %eq3A_96 = vector.broadcast %eq3A_95 : i32 to vector<16xi32>
    %eq3A_97 = arith.cmpi eq, %select_n3A_92, %eq3A_96 : vector<16xi32>
    %jit3A_98 = arith.constant -1.000000e+09 : f32
    %broadcast_in_dim3A_99 = vector.broadcast %jit3A_98 : f32 to vector<16xf32>
    %select_n3A_100 = arith.select %eq3A_97, %broadcast_in_dim3A_99, %get3A_21 : vector<16xi1>, vector<16xf32>
    %max3A_101 = arith.maximumf %broadcast_in_dim3A_94, %select_n3A_100 : vector<16xf32>
    %eq3A_102 = arith.constant 1 : i32
    %eq3A_103 = vector.broadcast %eq3A_102 : i32 to vector<16xi32>
    %eq3A_104 = arith.cmpi eq, %select_n3A_92, %eq3A_103 : vector<16xi32>
    %jit3A_105 = arith.constant -1.000000e+09 : f32
    %broadcast_in_dim3A_106 = vector.broadcast %jit3A_105 : f32 to vector<16xf32>
    %select_n3A_107 = arith.select %eq3A_104, %broadcast_in_dim3A_106, %get3A_26 : vector<16xi1>, vector<16xf32>
    %max3A_108 = arith.maximumf %max3A_101, %select_n3A_107 : vector<16xf32>
    %eq3A_109 = arith.constant 2 : i32
    %eq3A_110 = vector.broadcast %eq3A_109 : i32 to vector<16xi32>
    %eq3A_111 = arith.cmpi eq, %select_n3A_92, %eq3A_110 : vector<16xi32>
    %jit3A_112 = arith.constant -1.000000e+09 : f32
    %broadcast_in_dim3A_113 = vector.broadcast %jit3A_112 : f32 to vector<16xf32>
    %select_n3A_114 = arith.select %eq3A_111, %broadcast_in_dim3A_113, %get3A_31 : vector<16xi1>, vector<16xf32>
    %max3A_115 = arith.maximumf %max3A_108, %select_n3A_114 : vector<16xf32>
    %eq3A_116 = arith.constant 3 : i32
    %eq3A_117 = vector.broadcast %eq3A_116 : i32 to vector<16xi32>
    %eq3A_118 = arith.cmpi eq, %select_n3A_92, %eq3A_117 : vector<16xi32>
    %jit3A_119 = arith.constant -1.000000e+09 : f32
    %broadcast_in_dim3A_120 = vector.broadcast %jit3A_119 : f32 to vector<16xf32>
    %select_n3A_121 = arith.select %eq3A_118, %broadcast_in_dim3A_120, %get3A_36 : vector<16xi1>, vector<16xf32>
    %max3A_122 = arith.maximumf %max3A_115, %select_n3A_121 : vector<16xf32>
    %eq3A_123 = arith.constant 4 : i32
    %eq3A_124 = vector.broadcast %eq3A_123 : i32 to vector<16xi32>
    %eq3A_125 = arith.cmpi eq, %select_n3A_92, %eq3A_124 : vector<16xi32>
    %jit3A_126 = arith.constant -1.000000e+09 : f32
    %broadcast_in_dim3A_127 = vector.broadcast %jit3A_126 : f32 to vector<16xf32>
    %select_n3A_128 = arith.select %eq3A_125, %broadcast_in_dim3A_127, %get3A_41 : vector<16xi1>, vector<16xf32>
    %max3A_129 = arith.maximumf %max3A_122, %select_n3A_128 : vector<16xf32>
    %eq3A_130 = arith.constant 5 : i32
    %eq3A_131 = vector.broadcast %eq3A_130 : i32 to vector<16xi32>
    %eq3A_132 = arith.cmpi eq, %select_n3A_92, %eq3A_131 : vector<16xi32>
    %jit3A_133 = arith.constant -1.000000e+09 : f32
    %broadcast_in_dim3A_134 = vector.broadcast %jit3A_133 : f32 to vector<16xf32>
    %select_n3A_135 = arith.select %eq3A_132, %broadcast_in_dim3A_134, %get3A_46 : vector<16xi1>, vector<16xf32>
    %max3A_136 = arith.maximumf %max3A_129, %select_n3A_135 : vector<16xf32>
    %eq3A_137 = arith.constant 6 : i32
    %eq3A_138 = vector.broadcast %eq3A_137 : i32 to vector<16xi32>
    %eq3A_139 = arith.cmpi eq, %select_n3A_92, %eq3A_138 : vector<16xi32>
    %jit3A_140 = arith.constant -1.000000e+09 : f32
    %broadcast_in_dim3A_141 = vector.broadcast %jit3A_140 : f32 to vector<16xf32>
    %select_n3A_142 = arith.select %eq3A_139, %broadcast_in_dim3A_141, %get3A_51 : vector<16xi1>, vector<16xf32>
    %max3A_143 = arith.maximumf %max3A_136, %select_n3A_142 : vector<16xf32>
    %eq3A_144 = arith.constant 7 : i32
    %eq3A_145 = vector.broadcast %eq3A_144 : i32 to vector<16xi32>
    %eq3A_146 = arith.cmpi eq, %select_n3A_92, %eq3A_145 : vector<16xi32>
    %jit3A_147 = arith.constant -1.000000e+09 : f32
    %broadcast_in_dim3A_148 = vector.broadcast %jit3A_147 : f32 to vector<16xf32>
    %select_n3A_149 = arith.select %eq3A_146, %broadcast_in_dim3A_148, %get3A_56 : vector<16xi1>, vector<16xf32>
    %max3A_150 = arith.maximumf %max3A_143, %select_n3A_149 : vector<16xf32>
    %broadcast_in_dim3A_151 = arith.constant 8 : i32
    %broadcast_in_dim3A_152 = vector.broadcast %broadcast_in_dim3A_151 : i32 to vector<16xi32>
    %eq3A_153 = arith.cmpf oeq, %get3A_56, %max3A_150 : vector<16xf32>
    %ne3A = arith.constant 7 : i32
    %ne3A_154 = vector.broadcast %ne3A : i32 to vector<16xi32>
    %ne3A_155 = arith.cmpi ne, %select_n3A_92, %ne3A_154 : vector<16xi32>
    %and3A = arith.andi %eq3A_153, %ne3A_155 : vector<16xi1>
    %jit3A_156 = arith.constant 7 : i32
    %broadcast_in_dim3A_157 = vector.broadcast %jit3A_156 : i32 to vector<16xi32>
    %select_n3A_158 = arith.select %and3A, %broadcast_in_dim3A_157, %broadcast_in_dim3A_152 : vector<16xi1>, vector<16xi32>
    %eq3A_159 = arith.cmpf oeq, %get3A_51, %max3A_150 : vector<16xf32>
    %ne3A_160 = arith.constant 6 : i32
    %ne3A_161 = vector.broadcast %ne3A_160 : i32 to vector<16xi32>
    %ne3A_162 = arith.cmpi ne, %select_n3A_92, %ne3A_161 : vector<16xi32>
    %and3A_163 = arith.andi %eq3A_159, %ne3A_162 : vector<16xi1>
    %jit3A_164 = arith.constant 6 : i32
    %broadcast_in_dim3A_165 = vector.broadcast %jit3A_164 : i32 to vector<16xi32>
    %select_n3A_166 = arith.select %and3A_163, %broadcast_in_dim3A_165, %select_n3A_158 : vector<16xi1>, vector<16xi32>
    %eq3A_167 = arith.cmpf oeq, %get3A_46, %max3A_150 : vector<16xf32>
    %ne3A_168 = arith.constant 5 : i32
    %ne3A_169 = vector.broadcast %ne3A_168 : i32 to vector<16xi32>
    %ne3A_170 = arith.cmpi ne, %select_n3A_92, %ne3A_169 : vector<16xi32>
    %and3A_171 = arith.andi %eq3A_167, %ne3A_170 : vector<16xi1>
    %jit3A_172 = arith.constant 5 : i32
    %broadcast_in_dim3A_173 = vector.broadcast %jit3A_172 : i32 to vector<16xi32>
    %select_n3A_174 = arith.select %and3A_171, %broadcast_in_dim3A_173, %select_n3A_166 : vector<16xi1>, vector<16xi32>
    %eq3A_175 = arith.cmpf oeq, %get3A_41, %max3A_150 : vector<16xf32>
    %ne3A_176 = arith.constant 4 : i32
    %ne3A_177 = vector.broadcast %ne3A_176 : i32 to vector<16xi32>
    %ne3A_178 = arith.cmpi ne, %select_n3A_92, %ne3A_177 : vector<16xi32>
    %and3A_179 = arith.andi %eq3A_175, %ne3A_178 : vector<16xi1>
    %jit3A_180 = arith.constant 4 : i32
    %broadcast_in_dim3A_181 = vector.broadcast %jit3A_180 : i32 to vector<16xi32>
    %select_n3A_182 = arith.select %and3A_179, %broadcast_in_dim3A_181, %select_n3A_174 : vector<16xi1>, vector<16xi32>
    %eq3A_183 = arith.cmpf oeq, %get3A_36, %max3A_150 : vector<16xf32>
    %ne3A_184 = arith.constant 3 : i32
    %ne3A_185 = vector.broadcast %ne3A_184 : i32 to vector<16xi32>
    %ne3A_186 = arith.cmpi ne, %select_n3A_92, %ne3A_185 : vector<16xi32>
    %and3A_187 = arith.andi %eq3A_183, %ne3A_186 : vector<16xi1>
    %jit3A_188 = arith.constant 3 : i32
    %broadcast_in_dim3A_189 = vector.broadcast %jit3A_188 : i32 to vector<16xi32>
    %select_n3A_190 = arith.select %and3A_187, %broadcast_in_dim3A_189, %select_n3A_182 : vector<16xi1>, vector<16xi32>
    %eq3A_191 = arith.cmpf oeq, %get3A_31, %max3A_150 : vector<16xf32>
    %ne3A_192 = arith.constant 2 : i32
    %ne3A_193 = vector.broadcast %ne3A_192 : i32 to vector<16xi32>
    %ne3A_194 = arith.cmpi ne, %select_n3A_92, %ne3A_193 : vector<16xi32>
    %and3A_195 = arith.andi %eq3A_191, %ne3A_194 : vector<16xi1>
    %jit3A_196 = arith.constant 2 : i32
    %broadcast_in_dim3A_197 = vector.broadcast %jit3A_196 : i32 to vector<16xi32>
    %select_n3A_198 = arith.select %and3A_195, %broadcast_in_dim3A_197, %select_n3A_190 : vector<16xi1>, vector<16xi32>
    %eq3A_199 = arith.cmpf oeq, %get3A_26, %max3A_150 : vector<16xf32>
    %ne3A_200 = arith.constant 1 : i32
    %ne3A_201 = vector.broadcast %ne3A_200 : i32 to vector<16xi32>
    %ne3A_202 = arith.cmpi ne, %select_n3A_92, %ne3A_201 : vector<16xi32>
    %and3A_203 = arith.andi %eq3A_199, %ne3A_202 : vector<16xi1>
    %jit3A_204 = arith.constant 1 : i32
    %broadcast_in_dim3A_205 = vector.broadcast %jit3A_204 : i32 to vector<16xi32>
    %select_n3A_206 = arith.select %and3A_203, %broadcast_in_dim3A_205, %select_n3A_198 : vector<16xi1>, vector<16xi32>
    %eq3A_207 = arith.cmpf oeq, %get3A_21, %max3A_150 : vector<16xf32>
    %ne3A_208 = arith.constant 0 : i32
    %ne3A_209 = vector.broadcast %ne3A_208 : i32 to vector<16xi32>
    %ne3A_210 = arith.cmpi ne, %select_n3A_92, %ne3A_209 : vector<16xi32>
    %and3A_211 = arith.andi %eq3A_207, %ne3A_210 : vector<16xi1>
    %jit3A_212 = arith.constant 0 : i32
    %broadcast_in_dim3A_213 = vector.broadcast %jit3A_212 : i32 to vector<16xi32>
    %select_n3A_214 = arith.select %and3A_211, %broadcast_in_dim3A_213, %select_n3A_206 : vector<16xi1>, vector<16xi32>
    %sub3A = arith.subf %max3A_150, %max3A_62 : vector<16xf32>
    %exp3A = math.exp %sub3A : vector<16xf32>
    %add3A_215 = arith.constant 1.000000e+00 : f32
    %add3A_216 = vector.broadcast %add3A_215 : f32 to vector<16xf32>
    %add3A_217 = arith.addf %add3A_216, %exp3A : vector<16xf32>
    %div3A = arith.constant 1.000000e+00 : f32
    %div3A_218 = vector.broadcast %div3A : f32 to vector<16xf32>
    %div3A_219 = arith.divf %div3A_218, %add3A_217 : vector<16xf32>
    %sub3A_220 = arith.constant 1.000000e+00 : f32
    %sub3A_221 = vector.broadcast %sub3A_220 : f32 to vector<16xf32>
    %sub3A_222 = arith.subf %sub3A_221, %div3A_219 : vector<16xf32>
    %eq3A_223 = arith.constant 0 : i32
    %eq3A_224 = vector.broadcast %eq3A_223 : i32 to vector<16xi32>
    %eq3A_225 = arith.cmpi eq, %select_n3A_92, %eq3A_224 : vector<16xi32>
    %jit3A_226 = arith.constant 0.000000e+00 : f32
    %broadcast_in_dim3A_227 = vector.broadcast %jit3A_226 : f32 to vector<16xf32>
    %select_n3A_228 = arith.select %eq3A_225, %div3A_219, %broadcast_in_dim3A_227 : vector<16xi1>, vector<16xf32>
    %eq3A_229 = arith.constant 0 : i32
    %eq3A_230 = vector.broadcast %eq3A_229 : i32 to vector<16xi32>
    %eq3A_231 = arith.cmpi eq, %select_n3A_214, %eq3A_230 : vector<16xi32>
    %jit3A_232 = arith.constant 0.000000e+00 : f32
    %broadcast_in_dim3A_233 = vector.broadcast %jit3A_232 : f32 to vector<16xf32>
    %select_n3A_234 = arith.select %eq3A_231, %sub3A_222, %broadcast_in_dim3A_233 : vector<16xi1>, vector<16xf32>
    %add3A_235 = arith.addf %select_n3A_228, %select_n3A_234 : vector<16xf32>
    %swap3A = arith.constant 0 : i32
    %swap3A_236 = arith.index_cast %swap3A : i32 to index
    %swap3A_237 = arith.constant 0 : index
    %swap3A_238 = tpu.vector_load %arg5[%swap3A_236, %swap3A_237] {strides = array<i32>} : memref<8x64xf32, #tpu.memory_space<vmem>>, vector<1x16xf32>,
    %swap3A_239 = vector.shape_cast %swap3A_238 : vector<1x16xf32> to vector<16xf32>
    %swap3A_240 = vector.shape_cast %add3A_235 : vector<16xf32> to vector<1x16xf32>
    tpu.vector_store %arg5[%swap3A_236, %swap3A_237], %swap3A_240 {strides = array<i32>} : memref<8x64xf32, #tpu.memory_space<vmem>>, vector<1x16xf32>,
    %eq3A_241 = arith.constant 1 : i32
    %eq3A_242 = vector.broadcast %eq3A_241 : i32 to vector<16xi32>
    %eq3A_243 = arith.cmpi eq, %select_n3A_92, %eq3A_242 : vector<16xi32>
    %jit3A_244 = arith.constant 0.000000e+00 : f32
    %broadcast_in_dim3A_245 = vector.broadcast %jit3A_244 : f32 to vector<16xf32>
    %select_n3A_246 = arith.select %eq3A_243, %div3A_219, %broadcast_in_dim3A_245 : vector<16xi1>, vector<16xf32>
    %eq3A_247 = arith.constant 1 : i32
    %eq3A_248 = vector.broadcast %eq3A_247 : i32 to vector<16xi32>
    %eq3A_249 = arith.cmpi eq, %select_n3A_214, %eq3A_248 : vector<16xi32>
    %jit3A_250 = arith.constant 0.000000e+00 : f32
    %broadcast_in_dim3A_251 = vector.broadcast %jit3A_250 : f32 to vector<16xf32>
    %select_n3A_252 = arith.select %eq3A_249, %sub3A_222, %broadcast_in_dim3A_251 : vector<16xi1>, vector<16xf32>
    %add3A_253 = arith.addf %select_n3A_246, %select_n3A_252 : vector<16xf32>
    %swap3A_254 = arith.constant 1 : i32
    %swap3A_255 = arith.index_cast %swap3A_254 : i32 to index
    %swap3A_256 = arith.constant 0 : index
    %swap3A_257 = tpu.vector_load %arg5[%swap3A_255, %swap3A_256] {strides = array<i32>} : memref<8x64xf32, #tpu.memory_space<vmem>>, vector<1x16xf32>,
    %swap3A_258 = vector.shape_cast %swap3A_257 : vector<1x16xf32> to vector<16xf32>
    %swap3A_259 = vector.shape_cast %add3A_253 : vector<16xf32> to vector<1x16xf32>
    tpu.vector_store %arg5[%swap3A_255, %swap3A_256], %swap3A_259 {strides = array<i32>} : memref<8x64xf32, #tpu.memory_space<vmem>>, vector<1x16xf32>,
    %eq3A_260 = arith.constant 2 : i32
    %eq3A_261 = vector.broadcast %eq3A_260 : i32 to vector<16xi32>
    %eq3A_262 = arith.cmpi eq, %select_n3A_92, %eq3A_261 : vector<16xi32>
    %jit3A_263 = arith.constant 0.000000e+00 : f32
    %broadcast_in_dim3A_264 = vector.broadcast %jit3A_263 : f32 to vector<16xf32>
    %select_n3A_265 = arith.select %eq3A_262, %div3A_219, %broadcast_in_dim3A_264 : vector<16xi1>, vector<16xf32>
    %eq3A_266 = arith.constant 2 : i32
    %eq3A_267 = vector.broadcast %eq3A_266 : i32 to vector<16xi32>
    %eq3A_268 = arith.cmpi eq, %select_n3A_214, %eq3A_267 : vector<16xi32>
    %jit3A_269 = arith.constant 0.000000e+00 : f32
    %broadcast_in_dim3A_270 = vector.broadcast %jit3A_269 : f32 to vector<16xf32>
    %select_n3A_271 = arith.select %eq3A_268, %sub3A_222, %broadcast_in_dim3A_270 : vector<16xi1>, vector<16xf32>
    %add3A_272 = arith.addf %select_n3A_265, %select_n3A_271 : vector<16xf32>
    %swap3A_273 = arith.constant 2 : i32
    %swap3A_274 = arith.index_cast %swap3A_273 : i32 to index
    %swap3A_275 = arith.constant 0 : index
    %swap3A_276 = tpu.vector_load %arg5[%swap3A_274, %swap3A_275] {strides = array<i32>} : memref<8x64xf32, #tpu.memory_space<vmem>>, vector<1x16xf32>,
    %swap3A_277 = vector.shape_cast %swap3A_276 : vector<1x16xf32> to vector<16xf32>
    %swap3A_278 = vector.shape_cast %add3A_272 : vector<16xf32> to vector<1x16xf32>
    tpu.vector_store %arg5[%swap3A_274, %swap3A_275], %swap3A_278 {strides = array<i32>} : memref<8x64xf32, #tpu.memory_space<vmem>>, vector<1x16xf32>,
    %eq3A_279 = arith.constant 3 : i32
    %eq3A_280 = vector.broadcast %eq3A_279 : i32 to vector<16xi32>
    %eq3A_281 = arith.cmpi eq, %select_n3A_92, %eq3A_280 : vector<16xi32>
    %jit3A_282 = arith.constant 0.000000e+00 : f32
    %broadcast_in_dim3A_283 = vector.broadcast %jit3A_282 : f32 to vector<16xf32>
    %select_n3A_284 = arith.select %eq3A_281, %div3A_219, %broadcast_in_dim3A_283 : vector<16xi1>, vector<16xf32>
    %eq3A_285 = arith.constant 3 : i32
    %eq3A_286 = vector.broadcast %eq3A_285 : i32 to vector<16xi32>
    %eq3A_287 = arith.cmpi eq, %select_n3A_214, %eq3A_286 : vector<16xi32>
    %jit3A_288 = arith.constant 0.000000e+00 : f32
    %broadcast_in_dim3A_289 = vector.broadcast %jit3A_288 : f32 to vector<16xf32>
    %select_n3A_290 = arith.select %eq3A_287, %sub3A_222, %broadcast_in_dim3A_289 : vector<16xi1>, vector<16xf32>
    %add3A_291 = arith.addf %select_n3A_284, %select_n3A_290 : vector<16xf32>
    %swap3A_292 = arith.constant 3 : i32
    %swap3A_293 = arith.index_cast %swap3A_292 : i32 to index
    %swap3A_294 = arith.constant 0 : index
    %swap3A_295 = tpu.vector_load %arg5[%swap3A_293, %swap3A_294] {strides = array<i32>} : memref<8x64xf32, #tpu.memory_space<vmem>>, vector<1x16xf32>,
    %swap3A_296 = vector.shape_cast %swap3A_295 : vector<1x16xf32> to vector<16xf32>
    %swap3A_297 = vector.shape_cast %add3A_291 : vector<16xf32> to vector<1x16xf32>
    tpu.vector_store %arg5[%swap3A_293, %swap3A_294], %swap3A_297 {strides = array<i32>} : memref<8x64xf32, #tpu.memory_space<vmem>>, vector<1x16xf32>,
    %eq3A_298 = arith.constant 4 : i32
    %eq3A_299 = vector.broadcast %eq3A_298 : i32 to vector<16xi32>
    %eq3A_300 = arith.cmpi eq, %select_n3A_92, %eq3A_299 : vector<16xi32>
    %jit3A_301 = arith.constant 0.000000e+00 : f32
    %broadcast_in_dim3A_302 = vector.broadcast %jit3A_301 : f32 to vector<16xf32>
    %select_n3A_303 = arith.select %eq3A_300, %div3A_219, %broadcast_in_dim3A_302 : vector<16xi1>, vector<16xf32>
    %eq3A_304 = arith.constant 4 : i32
    %eq3A_305 = vector.broadcast %eq3A_304 : i32 to vector<16xi32>
    %eq3A_306 = arith.cmpi eq, %select_n3A_214, %eq3A_305 : vector<16xi32>
    %jit3A_307 = arith.constant 0.000000e+00 : f32
    %broadcast_in_dim3A_308 = vector.broadcast %jit3A_307 : f32 to vector<16xf32>
    %select_n3A_309 = arith.select %eq3A_306, %sub3A_222, %broadcast_in_dim3A_308 : vector<16xi1>, vector<16xf32>
    %add3A_310 = arith.addf %select_n3A_303, %select_n3A_309 : vector<16xf32>
    %swap3A_311 = arith.constant 4 : i32
    %swap3A_312 = arith.index_cast %swap3A_311 : i32 to index
    %swap3A_313 = arith.constant 0 : index
    %swap3A_314 = tpu.vector_load %arg5[%swap3A_312, %swap3A_313] {strides = array<i32>} : memref<8x64xf32, #tpu.memory_space<vmem>>, vector<1x16xf32>,
    %swap3A_315 = vector.shape_cast %swap3A_314 : vector<1x16xf32> to vector<16xf32>
    %swap3A_316 = vector.shape_cast %add3A_310 : vector<16xf32> to vector<1x16xf32>
    tpu.vector_store %arg5[%swap3A_312, %swap3A_313], %swap3A_316 {strides = array<i32>} : memref<8x64xf32, #tpu.memory_space<vmem>>, vector<1x16xf32>,
    %eq3A_317 = arith.constant 5 : i32
    %eq3A_318 = vector.broadcast %eq3A_317 : i32 to vector<16xi32>
    %eq3A_319 = arith.cmpi eq, %select_n3A_92, %eq3A_318 : vector<16xi32>
    %jit3A_320 = arith.constant 0.000000e+00 : f32
    %broadcast_in_dim3A_321 = vector.broadcast %jit3A_320 : f32 to vector<16xf32>
    %select_n3A_322 = arith.select %eq3A_319, %div3A_219, %broadcast_in_dim3A_321 : vector<16xi1>, vector<16xf32>
    %eq3A_323 = arith.constant 5 : i32
    %eq3A_324 = vector.broadcast %eq3A_323 : i32 to vector<16xi32>
    %eq3A_325 = arith.cmpi eq, %select_n3A_214, %eq3A_324 : vector<16xi32>
    %jit3A_326 = arith.constant 0.000000e+00 : f32
    %broadcast_in_dim3A_327 = vector.broadcast %jit3A_326 : f32 to vector<16xf32>
    %select_n3A_328 = arith.select %eq3A_325, %sub3A_222, %broadcast_in_dim3A_327 : vector<16xi1>, vector<16xf32>
    %add3A_329 = arith.addf %select_n3A_322, %select_n3A_328 : vector<16xf32>
    %swap3A_330 = arith.constant 5 : i32
    %swap3A_331 = arith.index_cast %swap3A_330 : i32 to index
    %swap3A_332 = arith.constant 0 : index
    %swap3A_333 = tpu.vector_load %arg5[%swap3A_331, %swap3A_332] {strides = array<i32>} : memref<8x64xf32, #tpu.memory_space<vmem>>, vector<1x16xf32>,
    %swap3A_334 = vector.shape_cast %swap3A_333 : vector<1x16xf32> to vector<16xf32>
    %swap3A_335 = vector.shape_cast %add3A_329 : vector<16xf32> to vector<1x16xf32>
    tpu.vector_store %arg5[%swap3A_331, %swap3A_332], %swap3A_335 {strides = array<i32>} : memref<8x64xf32, #tpu.memory_space<vmem>>, vector<1x16xf32>,
    %eq3A_336 = arith.constant 6 : i32
    %eq3A_337 = vector.broadcast %eq3A_336 : i32 to vector<16xi32>
    %eq3A_338 = arith.cmpi eq, %select_n3A_92, %eq3A_337 : vector<16xi32>
    %jit3A_339 = arith.constant 0.000000e+00 : f32
    %broadcast_in_dim3A_340 = vector.broadcast %jit3A_339 : f32 to vector<16xf32>
    %select_n3A_341 = arith.select %eq3A_338, %div3A_219, %broadcast_in_dim3A_340 : vector<16xi1>, vector<16xf32>
    %eq3A_342 = arith.constant 6 : i32
    %eq3A_343 = vector.broadcast %eq3A_342 : i32 to vector<16xi32>
    %eq3A_344 = arith.cmpi eq, %select_n3A_214, %eq3A_343 : vector<16xi32>
    %jit3A_345 = arith.constant 0.000000e+00 : f32
    %broadcast_in_dim3A_346 = vector.broadcast %jit3A_345 : f32 to vector<16xf32>
    %select_n3A_347 = arith.select %eq3A_344, %sub3A_222, %broadcast_in_dim3A_346 : vector<16xi1>, vector<16xf32>
    %add3A_348 = arith.addf %select_n3A_341, %select_n3A_347 : vector<16xf32>
    %swap3A_349 = arith.constant 6 : i32
    %swap3A_350 = arith.index_cast %swap3A_349 : i32 to index
    %swap3A_351 = arith.constant 0 : index
    %swap3A_352 = tpu.vector_load %arg5[%swap3A_350, %swap3A_351] {strides = array<i32>} : memref<8x64xf32, #tpu.memory_space<vmem>>, vector<1x16xf32>,
    %swap3A_353 = vector.shape_cast %swap3A_352 : vector<1x16xf32> to vector<16xf32>
    %swap3A_354 = vector.shape_cast %add3A_348 : vector<16xf32> to vector<1x16xf32>
    tpu.vector_store %arg5[%swap3A_350, %swap3A_351], %swap3A_354 {strides = array<i32>} : memref<8x64xf32, #tpu.memory_space<vmem>>, vector<1x16xf32>,
    %eq3A_355 = arith.constant 7 : i32
    %eq3A_356 = vector.broadcast %eq3A_355 : i32 to vector<16xi32>
    %eq3A_357 = arith.cmpi eq, %select_n3A_92, %eq3A_356 : vector<16xi32>
    %jit3A_358 = arith.constant 0.000000e+00 : f32
    %broadcast_in_dim3A_359 = vector.broadcast %jit3A_358 : f32 to vector<16xf32>
    %select_n3A_360 = arith.select %eq3A_357, %div3A_219, %broadcast_in_dim3A_359 : vector<16xi1>, vector<16xf32>
    %eq3A_361 = arith.constant 7 : i32
    %eq3A_362 = vector.broadcast %eq3A_361 : i32 to vector<16xi32>
    %eq3A_363 = arith.cmpi eq, %select_n3A_214, %eq3A_362 : vector<16xi32>
    %jit3A_364 = arith.constant 0.000000e+00 : f32
    %broadcast_in_dim3A_365 = vector.broadcast %jit3A_364 : f32 to vector<16xf32>
    %select_n3A_366 = arith.select %eq3A_363, %sub3A_222, %broadcast_in_dim3A_365 : vector<16xi1>, vector<16xf32>
    %add3A_367 = arith.addf %select_n3A_360, %select_n3A_366 : vector<16xf32>
    %swap3A_368 = arith.constant 7 : i32
    %swap3A_369 = arith.index_cast %swap3A_368 : i32 to index
    %swap3A_370 = arith.constant 0 : index
    %swap3A_371 = tpu.vector_load %arg5[%swap3A_369, %swap3A_370] {strides = array<i32>} : memref<8x64xf32, #tpu.memory_space<vmem>>, vector<1x16xf32>,
    %swap3A_372 = vector.shape_cast %swap3A_371 : vector<1x16xf32> to vector<16xf32>
    %swap3A_373 = vector.shape_cast %add3A_367 : vector<16xf32> to vector<1x16xf32>
    tpu.vector_store %arg5[%swap3A_369, %swap3A_370], %swap3A_373 {strides = array<i32>} : memref<8x64xf32, #tpu.memory_space<vmem>>, vector<1x16xf32>,
    %get3A_374 = arith.constant 0 : i32
    %get3A_375 = arith.index_cast %get3A_374 : i32 to index
    %get3A_376 = arith.constant 16 : index
    %get3A_377 = tpu.vector_load %arg4[%get3A_375, %get3A_376] {strides = array<i32>} : memref<8x64xf32, #tpu.memory_space<vmem>>, vector<1x16xf32>,
    %get3A_378 = vector.shape_cast %get3A_377 : vector<1x16xf32> to vector<16xf32>
    %get3A_379 = arith.constant 1 : i32
    %get3A_380 = arith.index_cast %get3A_379 : i32 to index
    %get3A_381 = arith.constant 16 : index
    %get3A_382 = tpu.vector_load %arg4[%get3A_380, %get3A_381] {strides = array<i32>} : memref<8x64xf32, #tpu.memory_space<vmem>>, vector<1x16xf32>,
    %get3A_383 = vector.shape_cast %get3A_382 : vector<1x16xf32> to vector<16xf32>
    %get3A_384 = arith.constant 2 : i32
    %get3A_385 = arith.index_cast %get3A_384 : i32 to index
    %get3A_386 = arith.constant 16 : index
    %get3A_387 = tpu.vector_load %arg4[%get3A_385, %get3A_386] {strides = array<i32>} : memref<8x64xf32, #tpu.memory_space<vmem>>, vector<1x16xf32>,
    %get3A_388 = vector.shape_cast %get3A_387 : vector<1x16xf32> to vector<16xf32>
    %get3A_389 = arith.constant 3 : i32
    %get3A_390 = arith.index_cast %get3A_389 : i32 to index
    %get3A_391 = arith.constant 16 : index
    %get3A_392 = tpu.vector_load %arg4[%get3A_390, %get3A_391] {strides = array<i32>} : memref<8x64xf32, #tpu.memory_space<vmem>>, vector<1x16xf32>,
    %get3A_393 = vector.shape_cast %get3A_392 : vector<1x16xf32> to vector<16xf32>
    %get3A_394 = arith.constant 4 : i32
    %get3A_395 = arith.index_cast %get3A_394 : i32 to index
    %get3A_396 = arith.constant 16 : index
    %get3A_397 = tpu.vector_load %arg4[%get3A_395, %get3A_396] {strides = array<i32>} : memref<8x64xf32, #tpu.memory_space<vmem>>, vector<1x16xf32>,
    %get3A_398 = vector.shape_cast %get3A_397 : vector<1x16xf32> to vector<16xf32>
    %get3A_399 = arith.constant 5 : i32
    %get3A_400 = arith.index_cast %get3A_399 : i32 to index
    %get3A_401 = arith.constant 16 : index
    %get3A_402 = tpu.vector_load %arg4[%get3A_400, %get3A_401] {strides = array<i32>} : memref<8x64xf32, #tpu.memory_space<vmem>>, vector<1x16xf32>,
    %get3A_403 = vector.shape_cast %get3A_402 : vector<1x16xf32> to vector<16xf32>
    %get3A_404 = arith.constant 6 : i32
    %get3A_405 = arith.index_cast %get3A_404 : i32 to index
    %get3A_406 = arith.constant 16 : index
    %get3A_407 = tpu.vector_load %arg4[%get3A_405, %get3A_406] {strides = array<i32>} : memref<8x64xf32, #tpu.memory_space<vmem>>, vector<1x16xf32>,
    %get3A_408 = vector.shape_cast %get3A_407 : vector<1x16xf32> to vector<16xf32>
    %get3A_409 = arith.constant 7 : i32
    %get3A_410 = arith.index_cast %get3A_409 : i32 to index
    %get3A_411 = arith.constant 16 : index
    %get3A_412 = tpu.vector_load %arg4[%get3A_410, %get3A_411] {strides = array<i32>} : memref<8x64xf32, #tpu.memory_space<vmem>>, vector<1x16xf32>,
    %get3A_413 = vector.shape_cast %get3A_412 : vector<1x16xf32> to vector<16xf32>
    %max3A_414 = arith.maximumf %get3A_378, %get3A_383 : vector<16xf32>
    %max3A_415 = arith.maximumf %max3A_414, %get3A_388 : vector<16xf32>
    %max3A_416 = arith.maximumf %max3A_415, %get3A_393 : vector<16xf32>
    %max3A_417 = arith.maximumf %max3A_416, %get3A_398 : vector<16xf32>
    %max3A_418 = arith.maximumf %max3A_417, %get3A_403 : vector<16xf32>
    %max3A_419 = arith.maximumf %max3A_418, %get3A_408 : vector<16xf32>
    %max3A_420 = arith.maximumf %max3A_419, %get3A_413 : vector<16xf32>
    %broadcast_in_dim3A_421 = arith.constant 8 : i32
    %broadcast_in_dim3A_422 = vector.broadcast %broadcast_in_dim3A_421 : i32 to vector<16xi32>
    %eq3A_423 = arith.cmpf oeq, %get3A_413, %max3A_420 : vector<16xf32>
    %jit3A_424 = arith.constant 7 : i32
    %broadcast_in_dim3A_425 = vector.broadcast %jit3A_424 : i32 to vector<16xi32>
    %select_n3A_426 = arith.select %eq3A_423, %broadcast_in_dim3A_425, %broadcast_in_dim3A_422 : vector<16xi1>, vector<16xi32>
    %eq3A_427 = arith.cmpf oeq, %get3A_408, %max3A_420 : vector<16xf32>
    %jit3A_428 = arith.constant 6 : i32
    %broadcast_in_dim3A_429 = vector.broadcast %jit3A_428 : i32 to vector<16xi32>
    %select_n3A_430 = arith.select %eq3A_427, %broadcast_in_dim3A_429, %select_n3A_426 : vector<16xi1>, vector<16xi32>
    %eq3A_431 = arith.cmpf oeq, %get3A_403, %max3A_420 : vector<16xf32>
    %jit3A_432 = arith.constant 5 : i32
    %broadcast_in_dim3A_433 = vector.broadcast %jit3A_432 : i32 to vector<16xi32>
    %select_n3A_434 = arith.select %eq3A_431, %broadcast_in_dim3A_433, %select_n3A_430 : vector<16xi1>, vector<16xi32>
    %eq3A_435 = arith.cmpf oeq, %get3A_398, %max3A_420 : vector<16xf32>
    %jit3A_436 = arith.constant 4 : i32
    %broadcast_in_dim3A_437 = vector.broadcast %jit3A_436 : i32 to vector<16xi32>
    %select_n3A_438 = arith.select %eq3A_435, %broadcast_in_dim3A_437, %select_n3A_434 : vector<16xi1>, vector<16xi32>
    %eq3A_439 = arith.cmpf oeq, %get3A_393, %max3A_420 : vector<16xf32>
    %jit3A_440 = arith.constant 3 : i32
    %broadcast_in_dim3A_441 = vector.broadcast %jit3A_440 : i32 to vector<16xi32>
    %select_n3A_442 = arith.select %eq3A_439, %broadcast_in_dim3A_441, %select_n3A_438 : vector<16xi1>, vector<16xi32>
    %eq3A_443 = arith.cmpf oeq, %get3A_388, %max3A_420 : vector<16xf32>
    %jit3A_444 = arith.constant 2 : i32
    %broadcast_in_dim3A_445 = vector.broadcast %jit3A_444 : i32 to vector<16xi32>
    %select_n3A_446 = arith.select %eq3A_443, %broadcast_in_dim3A_445, %select_n3A_442 : vector<16xi1>, vector<16xi32>
    %eq3A_447 = arith.cmpf oeq, %get3A_383, %max3A_420 : vector<16xf32>
    %jit3A_448 = arith.constant 1 : i32
    %broadcast_in_dim3A_449 = vector.broadcast %jit3A_448 : i32 to vector<16xi32>
    %select_n3A_450 = arith.select %eq3A_447, %broadcast_in_dim3A_449, %select_n3A_446 : vector<16xi1>, vector<16xi32>
    %eq3A_451 = arith.cmpf oeq, %get3A_378, %max3A_420 : vector<16xf32>
    %jit3A_452 = arith.constant 0 : i32
    %broadcast_in_dim3A_453 = vector.broadcast %jit3A_452 : i32 to vector<16xi32>
    %select_n3A_454 = arith.select %eq3A_451, %broadcast_in_dim3A_453, %select_n3A_450 : vector<16xi1>, vector<16xi32>
    %broadcast_in_dim3A_455 = arith.constant -1.000000e+09 : f32
    %broadcast_in_dim3A_456 = vector.broadcast %broadcast_in_dim3A_455 : f32 to vector<16xf32>
    %eq3A_457 = arith.constant 0 : i32
    %eq3A_458 = vector.broadcast %eq3A_457 : i32 to vector<16xi32>
    %eq3A_459 = arith.cmpi eq, %select_n3A_454, %eq3A_458 : vector<16xi32>
    %jit3A_460 = arith.constant -1.000000e+09 : f32
    %broadcast_in_dim3A_461 = vector.broadcast %jit3A_460 : f32 to vector<16xf32>
    %select_n3A_462 = arith.select %eq3A_459, %broadcast_in_dim3A_461, %get3A_378 : vector<16xi1>, vector<16xf32>
    %max3A_463 = arith.maximumf %broadcast_in_dim3A_456, %select_n3A_462 : vector<16xf32>
    %eq3A_464 = arith.constant 1 : i32
    %eq3A_465 = vector.broadcast %eq3A_464 : i32 to vector<16xi32>
    %eq3A_466 = arith.cmpi eq, %select_n3A_454, %eq3A_465 : vector<16xi32>
    %jit3A_467 = arith.constant -1.000000e+09 : f32
    %broadcast_in_dim3A_468 = vector.broadcast %jit3A_467 : f32 to vector<16xf32>
    %select_n3A_469 = arith.select %eq3A_466, %broadcast_in_dim3A_468, %get3A_383 : vector<16xi1>, vector<16xf32>
    %max3A_470 = arith.maximumf %max3A_463, %select_n3A_469 : vector<16xf32>
    %eq3A_471 = arith.constant 2 : i32
    %eq3A_472 = vector.broadcast %eq3A_471 : i32 to vector<16xi32>
    %eq3A_473 = arith.cmpi eq, %select_n3A_454, %eq3A_472 : vector<16xi32>
    %jit3A_474 = arith.constant -1.000000e+09 : f32
    %broadcast_in_dim3A_475 = vector.broadcast %jit3A_474 : f32 to vector<16xf32>
    %select_n3A_476 = arith.select %eq3A_473, %broadcast_in_dim3A_475, %get3A_388 : vector<16xi1>, vector<16xf32>
    %max3A_477 = arith.maximumf %max3A_470, %select_n3A_476 : vector<16xf32>
    %eq3A_478 = arith.constant 3 : i32
    %eq3A_479 = vector.broadcast %eq3A_478 : i32 to vector<16xi32>
    %eq3A_480 = arith.cmpi eq, %select_n3A_454, %eq3A_479 : vector<16xi32>
    %jit3A_481 = arith.constant -1.000000e+09 : f32
    %broadcast_in_dim3A_482 = vector.broadcast %jit3A_481 : f32 to vector<16xf32>
    %select_n3A_483 = arith.select %eq3A_480, %broadcast_in_dim3A_482, %get3A_393 : vector<16xi1>, vector<16xf32>
    %max3A_484 = arith.maximumf %max3A_477, %select_n3A_483 : vector<16xf32>
    %eq3A_485 = arith.constant 4 : i32
    %eq3A_486 = vector.broadcast %eq3A_485 : i32 to vector<16xi32>
    %eq3A_487 = arith.cmpi eq, %select_n3A_454, %eq3A_486 : vector<16xi32>
    %jit3A_488 = arith.constant -1.000000e+09 : f32
    %broadcast_in_dim3A_489 = vector.broadcast %jit3A_488 : f32 to vector<16xf32>
    %select_n3A_490 = arith.select %eq3A_487, %broadcast_in_dim3A_489, %get3A_398 : vector<16xi1>, vector<16xf32>
    %max3A_491 = arith.maximumf %max3A_484, %select_n3A_490 : vector<16xf32>
    %eq3A_492 = arith.constant 5 : i32
    %eq3A_493 = vector.broadcast %eq3A_492 : i32 to vector<16xi32>
    %eq3A_494 = arith.cmpi eq, %select_n3A_454, %eq3A_493 : vector<16xi32>
    %jit3A_495 = arith.constant -1.000000e+09 : f32
    %broadcast_in_dim3A_496 = vector.broadcast %jit3A_495 : f32 to vector<16xf32>
    %select_n3A_497 = arith.select %eq3A_494, %broadcast_in_dim3A_496, %get3A_403 : vector<16xi1>, vector<16xf32>
    %max3A_498 = arith.maximumf %max3A_491, %select_n3A_497 : vector<16xf32>
    %eq3A_499 = arith.constant 6 : i32
    %eq3A_500 = vector.broadcast %eq3A_499 : i32 to vector<16xi32>
    %eq3A_501 = arith.cmpi eq, %select_n3A_454, %eq3A_500 : vector<16xi32>
    %jit3A_502 = arith.constant -1.000000e+09 : f32
    %broadcast_in_dim3A_503 = vector.broadcast %jit3A_502 : f32 to vector<16xf32>
    %select_n3A_504 = arith.select %eq3A_501, %broadcast_in_dim3A_503, %get3A_408 : vector<16xi1>, vector<16xf32>
    %max3A_505 = arith.maximumf %max3A_498, %select_n3A_504 : vector<16xf32>
    %eq3A_506 = arith.constant 7 : i32
    %eq3A_507 = vector.broadcast %eq3A_506 : i32 to vector<16xi32>
    %eq3A_508 = arith.cmpi eq, %select_n3A_454, %eq3A_507 : vector<16xi32>
    %jit3A_509 = arith.constant -1.000000e+09 : f32
    %broadcast_in_dim3A_510 = vector.broadcast %jit3A_509 : f32 to vector<16xf32>
    %select_n3A_511 = arith.select %eq3A_508, %broadcast_in_dim3A_510, %get3A_413 : vector<16xi1>, vector<16xf32>
    %max3A_512 = arith.maximumf %max3A_505, %select_n3A_511 : vector<16xf32>
    %broadcast_in_dim3A_513 = arith.constant 8 : i32
    %broadcast_in_dim3A_514 = vector.broadcast %broadcast_in_dim3A_513 : i32 to vector<16xi32>
    %eq3A_515 = arith.cmpf oeq, %get3A_413, %max3A_512 : vector<16xf32>
    %ne3A_516 = arith.constant 7 : i32
    %ne3A_517 = vector.broadcast %ne3A_516 : i32 to vector<16xi32>
    %ne3A_518 = arith.cmpi ne, %select_n3A_454, %ne3A_517 : vector<16xi32>
    %and3A_519 = arith.andi %eq3A_515, %ne3A_518 : vector<16xi1>
    %jit3A_520 = arith.constant 7 : i32
    %broadcast_in_dim3A_521 = vector.broadcast %jit3A_520 : i32 to vector<16xi32>
    %select_n3A_522 = arith.select %and3A_519, %broadcast_in_dim3A_521, %broadcast_in_dim3A_514 : vector<16xi1>, vector<16xi32>
    %eq3A_523 = arith.cmpf oeq, %get3A_408, %max3A_512 : vector<16xf32>
    %ne3A_524 = arith.constant 6 : i32
    %ne3A_525 = vector.broadcast %ne3A_524 : i32 to vector<16xi32>
    %ne3A_526 = arith.cmpi ne, %select_n3A_454, %ne3A_525 : vector<16xi32>
    %and3A_527 = arith.andi %eq3A_523, %ne3A_526 : vector<16xi1>
    %jit3A_528 = arith.constant 6 : i32
    %broadcast_in_dim3A_529 = vector.broadcast %jit3A_528 : i32 to vector<16xi32>
    %select_n3A_530 = arith.select %and3A_527, %broadcast_in_dim3A_529, %select_n3A_522 : vector<16xi1>, vector<16xi32>
    %eq3A_531 = arith.cmpf oeq, %get3A_403, %max3A_512 : vector<16xf32>
    %ne3A_532 = arith.constant 5 : i32
    %ne3A_533 = vector.broadcast %ne3A_532 : i32 to vector<16xi32>
    %ne3A_534 = arith.cmpi ne, %select_n3A_454, %ne3A_533 : vector<16xi32>
    %and3A_535 = arith.andi %eq3A_531, %ne3A_534 : vector<16xi1>
    %jit3A_536 = arith.constant 5 : i32
    %broadcast_in_dim3A_537 = vector.broadcast %jit3A_536 : i32 to vector<16xi32>
    %select_n3A_538 = arith.select %and3A_535, %broadcast_in_dim3A_537, %select_n3A_530 : vector<16xi1>, vector<16xi32>
    %eq3A_539 = arith.cmpf oeq, %get3A_398, %max3A_512 : vector<16xf32>
    %ne3A_540 = arith.constant 4 : i32
    %ne3A_541 = vector.broadcast %ne3A_540 : i32 to vector<16xi32>
    %ne3A_542 = arith.cmpi ne, %select_n3A_454, %ne3A_541 : vector<16xi32>
    %and3A_543 = arith.andi %eq3A_539, %ne3A_542 : vector<16xi1>
    %jit3A_544 = arith.constant 4 : i32
    %broadcast_in_dim3A_545 = vector.broadcast %jit3A_544 : i32 to vector<16xi32>
    %select_n3A_546 = arith.select %and3A_543, %broadcast_in_dim3A_545, %select_n3A_538 : vector<16xi1>, vector<16xi32>
    %eq3A_547 = arith.cmpf oeq, %get3A_393, %max3A_512 : vector<16xf32>
    %ne3A_548 = arith.constant 3 : i32
    %ne3A_549 = vector.broadcast %ne3A_548 : i32 to vector<16xi32>
    %ne3A_550 = arith.cmpi ne, %select_n3A_454, %ne3A_549 : vector<16xi32>
    %and3A_551 = arith.andi %eq3A_547, %ne3A_550 : vector<16xi1>
    %jit3A_552 = arith.constant 3 : i32
    %broadcast_in_dim3A_553 = vector.broadcast %jit3A_552 : i32 to vector<16xi32>
    %select_n3A_554 = arith.select %and3A_551, %broadcast_in_dim3A_553, %select_n3A_546 : vector<16xi1>, vector<16xi32>
    %eq3A_555 = arith.cmpf oeq, %get3A_388, %max3A_512 : vector<16xf32>
    %ne3A_556 = arith.constant 2 : i32
    %ne3A_557 = vector.broadcast %ne3A_556 : i32 to vector<16xi32>
    %ne3A_558 = arith.cmpi ne, %select_n3A_454, %ne3A_557 : vector<16xi32>
    %and3A_559 = arith.andi %eq3A_555, %ne3A_558 : vector<16xi1>
    %jit3A_560 = arith.constant 2 : i32
    %broadcast_in_dim3A_561 = vector.broadcast %jit3A_560 : i32 to vector<16xi32>
    %select_n3A_562 = arith.select %and3A_559, %broadcast_in_dim3A_561, %select_n3A_554 : vector<16xi1>, vector<16xi32>
    %eq3A_563 = arith.cmpf oeq, %get3A_383, %max3A_512 : vector<16xf32>
    %ne3A_564 = arith.constant 1 : i32
    %ne3A_565 = vector.broadcast %ne3A_564 : i32 to vector<16xi32>
    %ne3A_566 = arith.cmpi ne, %select_n3A_454, %ne3A_565 : vector<16xi32>
    %and3A_567 = arith.andi %eq3A_563, %ne3A_566 : vector<16xi1>
    %jit3A_568 = arith.constant 1 : i32
    %broadcast_in_dim3A_569 = vector.broadcast %jit3A_568 : i32 to vector<16xi32>
    %select_n3A_570 = arith.select %and3A_567, %broadcast_in_dim3A_569, %select_n3A_562 : vector<16xi1>, vector<16xi32>
    %eq3A_571 = arith.cmpf oeq, %get3A_378, %max3A_512 : vector<16xf32>
    %ne3A_572 = arith.constant 0 : i32
    %ne3A_573 = vector.broadcast %ne3A_572 : i32 to vector<16xi32>
    %ne3A_574 = arith.cmpi ne, %select_n3A_454, %ne3A_573 : vector<16xi32>
    %and3A_575 = arith.andi %eq3A_571, %ne3A_574 : vector<16xi1>
    %jit3A_576 = arith.constant 0 : i32
    %broadcast_in_dim3A_577 = vector.broadcast %jit3A_576 : i32 to vector<16xi32>
    %select_n3A_578 = arith.select %and3A_575, %broadcast_in_dim3A_577, %select_n3A_570 : vector<16xi1>, vector<16xi32>
    %sub3A_579 = arith.subf %max3A_512, %max3A_420 : vector<16xf32>
    %exp3A_580 = math.exp %sub3A_579 : vector<16xf32>
    %add3A_581 = arith.constant 1.000000e+00 : f32
    %add3A_582 = vector.broadcast %add3A_581 : f32 to vector<16xf32>
    %add3A_583 = arith.addf %add3A_582, %exp3A_580 : vector<16xf32>
    %div3A_584 = arith.constant 1.000000e+00 : f32
    %div3A_585 = vector.broadcast %div3A_584 : f32 to vector<16xf32>
    %div3A_586 = arith.divf %div3A_585, %add3A_583 : vector<16xf32>
    %sub3A_587 = arith.constant 1.000000e+00 : f32
    %sub3A_588 = vector.broadcast %sub3A_587 : f32 to vector<16xf32>
    %sub3A_589 = arith.subf %sub3A_588, %div3A_586 : vector<16xf32>
    %eq3A_590 = arith.constant 0 : i32
    %eq3A_591 = vector.broadcast %eq3A_590 : i32 to vector<16xi32>
    %eq3A_592 = arith.cmpi eq, %select_n3A_454, %eq3A_591 : vector<16xi32>
    %jit3A_593 = arith.constant 0.000000e+00 : f32
    %broadcast_in_dim3A_594 = vector.broadcast %jit3A_593 : f32 to vector<16xf32>
    %select_n3A_595 = arith.select %eq3A_592, %div3A_586, %broadcast_in_dim3A_594 : vector<16xi1>, vector<16xf32>
    %eq3A_596 = arith.constant 0 : i32
    %eq3A_597 = vector.broadcast %eq3A_596 : i32 to vector<16xi32>
    %eq3A_598 = arith.cmpi eq, %select_n3A_578, %eq3A_597 : vector<16xi32>
    %jit3A_599 = arith.constant 0.000000e+00 : f32
    %broadcast_in_dim3A_600 = vector.broadcast %jit3A_599 : f32 to vector<16xf32>
    %select_n3A_601 = arith.select %eq3A_598, %sub3A_589, %broadcast_in_dim3A_600 : vector<16xi1>, vector<16xf32>
    %add3A_602 = arith.addf %select_n3A_595, %select_n3A_601 : vector<16xf32>
    %swap3A_603 = arith.constant 0 : i32
    %swap3A_604 = arith.index_cast %swap3A_603 : i32 to index
    %swap3A_605 = arith.constant 16 : index
    %swap3A_606 = tpu.vector_load %arg5[%swap3A_604, %swap3A_605] {strides = array<i32>} : memref<8x64xf32, #tpu.memory_space<vmem>>, vector<1x16xf32>,
    %swap3A_607 = vector.shape_cast %swap3A_606 : vector<1x16xf32> to vector<16xf32>
    %swap3A_608 = vector.shape_cast %add3A_602 : vector<16xf32> to vector<1x16xf32>
    tpu.vector_store %arg5[%swap3A_604, %swap3A_605], %swap3A_608 {strides = array<i32>} : memref<8x64xf32, #tpu.memory_space<vmem>>, vector<1x16xf32>,
    %eq3A_609 = arith.constant 1 : i32
    %eq3A_610 = vector.broadcast %eq3A_609 : i32 to vector<16xi32>
    %eq3A_611 = arith.cmpi eq, %select_n3A_454, %eq3A_610 : vector<16xi32>
    %jit3A_612 = arith.constant 0.000000e+00 : f32
    %broadcast_in_dim3A_613 = vector.broadcast %jit3A_612 : f32 to vector<16xf32>
    %select_n3A_614 = arith.select %eq3A_611, %div3A_586, %broadcast_in_dim3A_613 : vector<16xi1>, vector<16xf32>
    %eq3A_615 = arith.constant 1 : i32
    %eq3A_616 = vector.broadcast %eq3A_615 : i32 to vector<16xi32>
    %eq3A_617 = arith.cmpi eq, %select_n3A_578, %eq3A_616 : vector<16xi32>
    %jit3A_618 = arith.constant 0.000000e+00 : f32
    %broadcast_in_dim3A_619 = vector.broadcast %jit3A_618 : f32 to vector<16xf32>
    %select_n3A_620 = arith.select %eq3A_617, %sub3A_589, %broadcast_in_dim3A_619 : vector<16xi1>, vector<16xf32>
    %add3A_621 = arith.addf %select_n3A_614, %select_n3A_620 : vector<16xf32>
    %swap3A_622 = arith.constant 1 : i32
    %swap3A_623 = arith.index_cast %swap3A_622 : i32 to index
    %swap3A_624 = arith.constant 16 : index
    %swap3A_625 = tpu.vector_load %arg5[%swap3A_623, %swap3A_624] {strides = array<i32>} : memref<8x64xf32, #tpu.memory_space<vmem>>, vector<1x16xf32>,
    %swap3A_626 = vector.shape_cast %swap3A_625 : vector<1x16xf32> to vector<16xf32>
    %swap3A_627 = vector.shape_cast %add3A_621 : vector<16xf32> to vector<1x16xf32>
    tpu.vector_store %arg5[%swap3A_623, %swap3A_624], %swap3A_627 {strides = array<i32>} : memref<8x64xf32, #tpu.memory_space<vmem>>, vector<1x16xf32>,
    %eq3A_628 = arith.constant 2 : i32
    %eq3A_629 = vector.broadcast %eq3A_628 : i32 to vector<16xi32>
    %eq3A_630 = arith.cmpi eq, %select_n3A_454, %eq3A_629 : vector<16xi32>
    %jit3A_631 = arith.constant 0.000000e+00 : f32
    %broadcast_in_dim3A_632 = vector.broadcast %jit3A_631 : f32 to vector<16xf32>
    %select_n3A_633 = arith.select %eq3A_630, %div3A_586, %broadcast_in_dim3A_632 : vector<16xi1>, vector<16xf32>
    %eq3A_634 = arith.constant 2 : i32
    %eq3A_635 = vector.broadcast %eq3A_634 : i32 to vector<16xi32>
    %eq3A_636 = arith.cmpi eq, %select_n3A_578, %eq3A_635 : vector<16xi32>
    %jit3A_637 = arith.constant 0.000000e+00 : f32
    %broadcast_in_dim3A_638 = vector.broadcast %jit3A_637 : f32 to vector<16xf32>
    %select_n3A_639 = arith.select %eq3A_636, %sub3A_589, %broadcast_in_dim3A_638 : vector<16xi1>, vector<16xf32>
    %add3A_640 = arith.addf %select_n3A_633, %select_n3A_639 : vector<16xf32>
    %swap3A_641 = arith.constant 2 : i32
    %swap3A_642 = arith.index_cast %swap3A_641 : i32 to index
    %swap3A_643 = arith.constant 16 : index
    %swap3A_644 = tpu.vector_load %arg5[%swap3A_642, %swap3A_643] {strides = array<i32>} : memref<8x64xf32, #tpu.memory_space<vmem>>, vector<1x16xf32>,
    %swap3A_645 = vector.shape_cast %swap3A_644 : vector<1x16xf32> to vector<16xf32>
    %swap3A_646 = vector.shape_cast %add3A_640 : vector<16xf32> to vector<1x16xf32>
    tpu.vector_store %arg5[%swap3A_642, %swap3A_643], %swap3A_646 {strides = array<i32>} : memref<8x64xf32, #tpu.memory_space<vmem>>, vector<1x16xf32>,
    %eq3A_647 = arith.constant 3 : i32
    %eq3A_648 = vector.broadcast %eq3A_647 : i32 to vector<16xi32>
    %eq3A_649 = arith.cmpi eq, %select_n3A_454, %eq3A_648 : vector<16xi32>
    %jit3A_650 = arith.constant 0.000000e+00 : f32
    %broadcast_in_dim3A_651 = vector.broadcast %jit3A_650 : f32 to vector<16xf32>
    %select_n3A_652 = arith.select %eq3A_649, %div3A_586, %broadcast_in_dim3A_651 : vector<16xi1>, vector<16xf32>
    %eq3A_653 = arith.constant 3 : i32
    %eq3A_654 = vector.broadcast %eq3A_653 : i32 to vector<16xi32>
    %eq3A_655 = arith.cmpi eq, %select_n3A_578, %eq3A_654 : vector<16xi32>
    %jit3A_656 = arith.constant 0.000000e+00 : f32
    %broadcast_in_dim3A_657 = vector.broadcast %jit3A_656 : f32 to vector<16xf32>
    %select_n3A_658 = arith.select %eq3A_655, %sub3A_589, %broadcast_in_dim3A_657 : vector<16xi1>, vector<16xf32>
    %add3A_659 = arith.addf %select_n3A_652, %select_n3A_658 : vector<16xf32>
    %swap3A_660 = arith.constant 3 : i32
    %swap3A_661 = arith.index_cast %swap3A_660 : i32 to index
    %swap3A_662 = arith.constant 16 : index
    %swap3A_663 = tpu.vector_load %arg5[%swap3A_661, %swap3A_662] {strides = array<i32>} : memref<8x64xf32, #tpu.memory_space<vmem>>, vector<1x16xf32>,
    %swap3A_664 = vector.shape_cast %swap3A_663 : vector<1x16xf32> to vector<16xf32>
    %swap3A_665 = vector.shape_cast %add3A_659 : vector<16xf32> to vector<1x16xf32>
    tpu.vector_store %arg5[%swap3A_661, %swap3A_662], %swap3A_665 {strides = array<i32>} : memref<8x64xf32, #tpu.memory_space<vmem>>, vector<1x16xf32>,
    %eq3A_666 = arith.constant 4 : i32
    %eq3A_667 = vector.broadcast %eq3A_666 : i32 to vector<16xi32>
    %eq3A_668 = arith.cmpi eq, %select_n3A_454, %eq3A_667 : vector<16xi32>
    %jit3A_669 = arith.constant 0.000000e+00 : f32
    %broadcast_in_dim3A_670 = vector.broadcast %jit3A_669 : f32 to vector<16xf32>
    %select_n3A_671 = arith.select %eq3A_668, %div3A_586, %broadcast_in_dim3A_670 : vector<16xi1>, vector<16xf32>
    %eq3A_672 = arith.constant 4 : i32
    %eq3A_673 = vector.broadcast %eq3A_672 : i32 to vector<16xi32>
    %eq3A_674 = arith.cmpi eq, %select_n3A_578, %eq3A_673 : vector<16xi32>
    %jit3A_675 = arith.constant 0.000000e+00 : f32
    %broadcast_in_dim3A_676 = vector.broadcast %jit3A_675 : f32 to vector<16xf32>
    %select_n3A_677 = arith.select %eq3A_674, %sub3A_589, %broadcast_in_dim3A_676 : vector<16xi1>, vector<16xf32>
    %add3A_678 = arith.addf %select_n3A_671, %select_n3A_677 : vector<16xf32>
    %swap3A_679 = arith.constant 4 : i32
    %swap3A_680 = arith.index_cast %swap3A_679 : i32 to index
    %swap3A_681 = arith.constant 16 : index
    %swap3A_682 = tpu.vector_load %arg5[%swap3A_680, %swap3A_681] {strides = array<i32>} : memref<8x64xf32, #tpu.memory_space<vmem>>, vector<1x16xf32>,
    %swap3A_683 = vector.shape_cast %swap3A_682 : vector<1x16xf32> to vector<16xf32>
    %swap3A_684 = vector.shape_cast %add3A_678 : vector<16xf32> to vector<1x16xf32>
    tpu.vector_store %arg5[%swap3A_680, %swap3A_681], %swap3A_684 {strides = array<i32>} : memref<8x64xf32, #tpu.memory_space<vmem>>, vector<1x16xf32>,
    %eq3A_685 = arith.constant 5 : i32
    %eq3A_686 = vector.broadcast %eq3A_685 : i32 to vector<16xi32>
    %eq3A_687 = arith.cmpi eq, %select_n3A_454, %eq3A_686 : vector<16xi32>
    %jit3A_688 = arith.constant 0.000000e+00 : f32
    %broadcast_in_dim3A_689 = vector.broadcast %jit3A_688 : f32 to vector<16xf32>
    %select_n3A_690 = arith.select %eq3A_687, %div3A_586, %broadcast_in_dim3A_689 : vector<16xi1>, vector<16xf32>
    %eq3A_691 = arith.constant 5 : i32
    %eq3A_692 = vector.broadcast %eq3A_691 : i32 to vector<16xi32>
    %eq3A_693 = arith.cmpi eq, %select_n3A_578, %eq3A_692 : vector<16xi32>
    %jit3A_694 = arith.constant 0.000000e+00 : f32
    %broadcast_in_dim3A_695 = vector.broadcast %jit3A_694 : f32 to vector<16xf32>
    %select_n3A_696 = arith.select %eq3A_693, %sub3A_589, %broadcast_in_dim3A_695 : vector<16xi1>, vector<16xf32>
    %add3A_697 = arith.addf %select_n3A_690, %select_n3A_696 : vector<16xf32>
    %swap3A_698 = arith.constant 5 : i32
    %swap3A_699 = arith.index_cast %swap3A_698 : i32 to index
    %swap3A_700 = arith.constant 16 : index
    %swap3A_701 = tpu.vector_load %arg5[%swap3A_699, %swap3A_700] {strides = array<i32>} : memref<8x64xf32, #tpu.memory_space<vmem>>, vector<1x16xf32>,
    %swap3A_702 = vector.shape_cast %swap3A_701 : vector<1x16xf32> to vector<16xf32>
    %swap3A_703 = vector.shape_cast %add3A_697 : vector<16xf32> to vector<1x16xf32>
    tpu.vector_store %arg5[%swap3A_699, %swap3A_700], %swap3A_703 {strides = array<i32>} : memref<8x64xf32, #tpu.memory_space<vmem>>, vector<1x16xf32>,
    %eq3A_704 = arith.constant 6 : i32
    %eq3A_705 = vector.broadcast %eq3A_704 : i32 to vector<16xi32>
    %eq3A_706 = arith.cmpi eq, %select_n3A_454, %eq3A_705 : vector<16xi32>
    %jit3A_707 = arith.constant 0.000000e+00 : f32
    %broadcast_in_dim3A_708 = vector.broadcast %jit3A_707 : f32 to vector<16xf32>
    %select_n3A_709 = arith.select %eq3A_706, %div3A_586, %broadcast_in_dim3A_708 : vector<16xi1>, vector<16xf32>
    %eq3A_710 = arith.constant 6 : i32
    %eq3A_711 = vector.broadcast %eq3A_710 : i32 to vector<16xi32>
    %eq3A_712 = arith.cmpi eq, %select_n3A_578, %eq3A_711 : vector<16xi32>
    %jit3A_713 = arith.constant 0.000000e+00 : f32
    %broadcast_in_dim3A_714 = vector.broadcast %jit3A_713 : f32 to vector<16xf32>
    %select_n3A_715 = arith.select %eq3A_712, %sub3A_589, %broadcast_in_dim3A_714 : vector<16xi1>, vector<16xf32>
    %add3A_716 = arith.addf %select_n3A_709, %select_n3A_715 : vector<16xf32>
    %swap3A_717 = arith.constant 6 : i32
    %swap3A_718 = arith.index_cast %swap3A_717 : i32 to index
    %swap3A_719 = arith.constant 16 : index
    %swap3A_720 = tpu.vector_load %arg5[%swap3A_718, %swap3A_719] {strides = array<i32>} : memref<8x64xf32, #tpu.memory_space<vmem>>, vector<1x16xf32>,
    %swap3A_721 = vector.shape_cast %swap3A_720 : vector<1x16xf32> to vector<16xf32>
    %swap3A_722 = vector.shape_cast %add3A_716 : vector<16xf32> to vector<1x16xf32>
    tpu.vector_store %arg5[%swap3A_718, %swap3A_719], %swap3A_722 {strides = array<i32>} : memref<8x64xf32, #tpu.memory_space<vmem>>, vector<1x16xf32>,
    %eq3A_723 = arith.constant 7 : i32
    %eq3A_724 = vector.broadcast %eq3A_723 : i32 to vector<16xi32>
    %eq3A_725 = arith.cmpi eq, %select_n3A_454, %eq3A_724 : vector<16xi32>
    %jit3A_726 = arith.constant 0.000000e+00 : f32
    %broadcast_in_dim3A_727 = vector.broadcast %jit3A_726 : f32 to vector<16xf32>
    %select_n3A_728 = arith.select %eq3A_725, %div3A_586, %broadcast_in_dim3A_727 : vector<16xi1>, vector<16xf32>
    %eq3A_729 = arith.constant 7 : i32
    %eq3A_730 = vector.broadcast %eq3A_729 : i32 to vector<16xi32>
    %eq3A_731 = arith.cmpi eq, %select_n3A_578, %eq3A_730 : vector<16xi32>
    %jit3A_732 = arith.constant 0.000000e+00 : f32
    %broadcast_in_dim3A_733 = vector.broadcast %jit3A_732 : f32 to vector<16xf32>
    %select_n3A_734 = arith.select %eq3A_731, %sub3A_589, %broadcast_in_dim3A_733 : vector<16xi1>, vector<16xf32>
    %add3A_735 = arith.addf %select_n3A_728, %select_n3A_734 : vector<16xf32>
    %swap3A_736 = arith.constant 7 : i32
    %swap3A_737 = arith.index_cast %swap3A_736 : i32 to index
    %swap3A_738 = arith.constant 16 : index
    %swap3A_739 = tpu.vector_load %arg5[%swap3A_737, %swap3A_738] {strides = array<i32>} : memref<8x64xf32, #tpu.memory_space<vmem>>, vector<1x16xf32>,
    %swap3A_740 = vector.shape_cast %swap3A_739 : vector<1x16xf32> to vector<16xf32>
    %swap3A_741 = vector.shape_cast %add3A_735 : vector<16xf32> to vector<1x16xf32>
    tpu.vector_store %arg5[%swap3A_737, %swap3A_738], %swap3A_741 {strides = array<i32>} : memref<8x64xf32, #tpu.memory_space<vmem>>, vector<1x16xf32>,
    %get3A_742 = arith.constant 0 : i32
    %get3A_743 = arith.index_cast %get3A_742 : i32 to index
    %get3A_744 = arith.constant 32 : index
    %get3A_745 = tpu.vector_load %arg4[%get3A_743, %get3A_744] {strides = array<i32>} : memref<8x64xf32, #tpu.memory_space<vmem>>, vector<1x16xf32>,
    %get3A_746 = vector.shape_cast %get3A_745 : vector<1x16xf32> to vector<16xf32>
    %get3A_747 = arith.constant 1 : i32
    %get3A_748 = arith.index_cast %get3A_747 : i32 to index
    %get3A_749 = arith.constant 32 : index
    %get3A_750 = tpu.vector_load %arg4[%get3A_748, %get3A_749] {strides = array<i32>} : memref<8x64xf32, #tpu.memory_space<vmem>>, vector<1x16xf32>,
    %get3A_751 = vector.shape_cast %get3A_750 : vector<1x16xf32> to vector<16xf32>
    %get3A_752 = arith.constant 2 : i32
    %get3A_753 = arith.index_cast %get3A_752 : i32 to index
    %get3A_754 = arith.constant 32 : index
    %get3A_755 = tpu.vector_load %arg4[%get3A_753, %get3A_754] {strides = array<i32>} : memref<8x64xf32, #tpu.memory_space<vmem>>, vector<1x16xf32>,
    %get3A_756 = vector.shape_cast %get3A_755 : vector<1x16xf32> to vector<16xf32>
    %get3A_757 = arith.constant 3 : i32
    %get3A_758 = arith.index_cast %get3A_757 : i32 to index
    %get3A_759 = arith.constant 32 : index
    %get3A_760 = tpu.vector_load %arg4[%get3A_758, %get3A_759] {strides = array<i32>} : memref<8x64xf32, #tpu.memory_space<vmem>>, vector<1x16xf32>,
    %get3A_761 = vector.shape_cast %get3A_760 : vector<1x16xf32> to vector<16xf32>
    %get3A_762 = arith.constant 4 : i32
    %get3A_763 = arith.index_cast %get3A_762 : i32 to index
    %get3A_764 = arith.constant 32 : index
    %get3A_765 = tpu.vector_load %arg4[%get3A_763, %get3A_764] {strides = array<i32>} : memref<8x64xf32, #tpu.memory_space<vmem>>, vector<1x16xf32>,
    %get3A_766 = vector.shape_cast %get3A_765 : vector<1x16xf32> to vector<16xf32>
    %get3A_767 = arith.constant 5 : i32
    %get3A_768 = arith.index_cast %get3A_767 : i32 to index
    %get3A_769 = arith.constant 32 : index
    %get3A_770 = tpu.vector_load %arg4[%get3A_768, %get3A_769] {strides = array<i32>} : memref<8x64xf32, #tpu.memory_space<vmem>>, vector<1x16xf32>,
    %get3A_771 = vector.shape_cast %get3A_770 : vector<1x16xf32> to vector<16xf32>
    %get3A_772 = arith.constant 6 : i32
    %get3A_773 = arith.index_cast %get3A_772 : i32 to index
    %get3A_774 = arith.constant 32 : index
    %get3A_775 = tpu.vector_load %arg4[%get3A_773, %get3A_774] {strides = array<i32>} : memref<8x64xf32, #tpu.memory_space<vmem>>, vector<1x16xf32>,
    %get3A_776 = vector.shape_cast %get3A_775 : vector<1x16xf32> to vector<16xf32>
    %get3A_777 = arith.constant 7 : i32
    %get3A_778 = arith.index_cast %get3A_777 : i32 to index
    %get3A_779 = arith.constant 32 : index
    %get3A_780 = tpu.vector_load %arg4[%get3A_778, %get3A_779] {strides = array<i32>} : memref<8x64xf32, #tpu.memory_space<vmem>>, vector<1x16xf32>,
    %get3A_781 = vector.shape_cast %get3A_780 : vector<1x16xf32> to vector<16xf32>
    %max3A_782 = arith.maximumf %get3A_746, %get3A_751 : vector<16xf32>
    %max3A_783 = arith.maximumf %max3A_782, %get3A_756 : vector<16xf32>
    %max3A_784 = arith.maximumf %max3A_783, %get3A_761 : vector<16xf32>
    %max3A_785 = arith.maximumf %max3A_784, %get3A_766 : vector<16xf32>
    %max3A_786 = arith.maximumf %max3A_785, %get3A_771 : vector<16xf32>
    %max3A_787 = arith.maximumf %max3A_786, %get3A_776 : vector<16xf32>
    %max3A_788 = arith.maximumf %max3A_787, %get3A_781 : vector<16xf32>
    %broadcast_in_dim3A_789 = arith.constant 8 : i32
    %broadcast_in_dim3A_790 = vector.broadcast %broadcast_in_dim3A_789 : i32 to vector<16xi32>
    %eq3A_791 = arith.cmpf oeq, %get3A_781, %max3A_788 : vector<16xf32>
    %jit3A_792 = arith.constant 7 : i32
    %broadcast_in_dim3A_793 = vector.broadcast %jit3A_792 : i32 to vector<16xi32>
    %select_n3A_794 = arith.select %eq3A_791, %broadcast_in_dim3A_793, %broadcast_in_dim3A_790 : vector<16xi1>, vector<16xi32>
    %eq3A_795 = arith.cmpf oeq, %get3A_776, %max3A_788 : vector<16xf32>
    %jit3A_796 = arith.constant 6 : i32
    %broadcast_in_dim3A_797 = vector.broadcast %jit3A_796 : i32 to vector<16xi32>
    %select_n3A_798 = arith.select %eq3A_795, %broadcast_in_dim3A_797, %select_n3A_794 : vector<16xi1>, vector<16xi32>
    %eq3A_799 = arith.cmpf oeq, %get3A_771, %max3A_788 : vector<16xf32>
    %jit3A_800 = arith.constant 5 : i32
    %broadcast_in_dim3A_801 = vector.broadcast %jit3A_800 : i32 to vector<16xi32>
    %select_n3A_802 = arith.select %eq3A_799, %broadcast_in_dim3A_801, %select_n3A_798 : vector<16xi1>, vector<16xi32>
    %eq3A_803 = arith.cmpf oeq, %get3A_766, %max3A_788 : vector<16xf32>
    %jit3A_804 = arith.constant 4 : i32
    %broadcast_in_dim3A_805 = vector.broadcast %jit3A_804 : i32 to vector<16xi32>
    %select_n3A_806 = arith.select %eq3A_803, %broadcast_in_dim3A_805, %select_n3A_802 : vector<16xi1>, vector<16xi32>
    %eq3A_807 = arith.cmpf oeq, %get3A_761, %max3A_788 : vector<16xf32>
    %jit3A_808 = arith.constant 3 : i32
    %broadcast_in_dim3A_809 = vector.broadcast %jit3A_808 : i32 to vector<16xi32>
    %select_n3A_810 = arith.select %eq3A_807, %broadcast_in_dim3A_809, %select_n3A_806 : vector<16xi1>, vector<16xi32>
    %eq3A_811 = arith.cmpf oeq, %get3A_756, %max3A_788 : vector<16xf32>
    %jit3A_812 = arith.constant 2 : i32
    %broadcast_in_dim3A_813 = vector.broadcast %jit3A_812 : i32 to vector<16xi32>
    %select_n3A_814 = arith.select %eq3A_811, %broadcast_in_dim3A_813, %select_n3A_810 : vector<16xi1>, vector<16xi32>
    %eq3A_815 = arith.cmpf oeq, %get3A_751, %max3A_788 : vector<16xf32>
    %jit3A_816 = arith.constant 1 : i32
    %broadcast_in_dim3A_817 = vector.broadcast %jit3A_816 : i32 to vector<16xi32>
    %select_n3A_818 = arith.select %eq3A_815, %broadcast_in_dim3A_817, %select_n3A_814 : vector<16xi1>, vector<16xi32>
    %eq3A_819 = arith.cmpf oeq, %get3A_746, %max3A_788 : vector<16xf32>
    %jit3A_820 = arith.constant 0 : i32
    %broadcast_in_dim3A_821 = vector.broadcast %jit3A_820 : i32 to vector<16xi32>
    %select_n3A_822 = arith.select %eq3A_819, %broadcast_in_dim3A_821, %select_n3A_818 : vector<16xi1>, vector<16xi32>
    %broadcast_in_dim3A_823 = arith.constant -1.000000e+09 : f32
    %broadcast_in_dim3A_824 = vector.broadcast %broadcast_in_dim3A_823 : f32 to vector<16xf32>
    %eq3A_825 = arith.constant 0 : i32
    %eq3A_826 = vector.broadcast %eq3A_825 : i32 to vector<16xi32>
    %eq3A_827 = arith.cmpi eq, %select_n3A_822, %eq3A_826 : vector<16xi32>
    %jit3A_828 = arith.constant -1.000000e+09 : f32
    %broadcast_in_dim3A_829 = vector.broadcast %jit3A_828 : f32 to vector<16xf32>
    %select_n3A_830 = arith.select %eq3A_827, %broadcast_in_dim3A_829, %get3A_746 : vector<16xi1>, vector<16xf32>
    %max3A_831 = arith.maximumf %broadcast_in_dim3A_824, %select_n3A_830 : vector<16xf32>
    %eq3A_832 = arith.constant 1 : i32
    %eq3A_833 = vector.broadcast %eq3A_832 : i32 to vector<16xi32>
    %eq3A_834 = arith.cmpi eq, %select_n3A_822, %eq3A_833 : vector<16xi32>
    %jit3A_835 = arith.constant -1.000000e+09 : f32
    %broadcast_in_dim3A_836 = vector.broadcast %jit3A_835 : f32 to vector<16xf32>
    %select_n3A_837 = arith.select %eq3A_834, %broadcast_in_dim3A_836, %get3A_751 : vector<16xi1>, vector<16xf32>
    %max3A_838 = arith.maximumf %max3A_831, %select_n3A_837 : vector<16xf32>
    %eq3A_839 = arith.constant 2 : i32
    %eq3A_840 = vector.broadcast %eq3A_839 : i32 to vector<16xi32>
    %eq3A_841 = arith.cmpi eq, %select_n3A_822, %eq3A_840 : vector<16xi32>
    %jit3A_842 = arith.constant -1.000000e+09 : f32
    %broadcast_in_dim3A_843 = vector.broadcast %jit3A_842 : f32 to vector<16xf32>
    %select_n3A_844 = arith.select %eq3A_841, %broadcast_in_dim3A_843, %get3A_756 : vector<16xi1>, vector<16xf32>
    %max3A_845 = arith.maximumf %max3A_838, %select_n3A_844 : vector<16xf32>
    %eq3A_846 = arith.constant 3 : i32
    %eq3A_847 = vector.broadcast %eq3A_846 : i32 to vector<16xi32>
    %eq3A_848 = arith.cmpi eq, %select_n3A_822, %eq3A_847 : vector<16xi32>
    %jit3A_849 = arith.constant -1.000000e+09 : f32
    %broadcast_in_dim3A_850 = vector.broadcast %jit3A_849 : f32 to vector<16xf32>
    %select_n3A_851 = arith.select %eq3A_848, %broadcast_in_dim3A_850, %get3A_761 : vector<16xi1>, vector<16xf32>
    %max3A_852 = arith.maximumf %max3A_845, %select_n3A_851 : vector<16xf32>
    %eq3A_853 = arith.constant 4 : i32
    %eq3A_854 = vector.broadcast %eq3A_853 : i32 to vector<16xi32>
    %eq3A_855 = arith.cmpi eq, %select_n3A_822, %eq3A_854 : vector<16xi32>
    %jit3A_856 = arith.constant -1.000000e+09 : f32
    %broadcast_in_dim3A_857 = vector.broadcast %jit3A_856 : f32 to vector<16xf32>
    %select_n3A_858 = arith.select %eq3A_855, %broadcast_in_dim3A_857, %get3A_766 : vector<16xi1>, vector<16xf32>
    %max3A_859 = arith.maximumf %max3A_852, %select_n3A_858 : vector<16xf32>
    %eq3A_860 = arith.constant 5 : i32
    %eq3A_861 = vector.broadcast %eq3A_860 : i32 to vector<16xi32>
    %eq3A_862 = arith.cmpi eq, %select_n3A_822, %eq3A_861 : vector<16xi32>
    %jit3A_863 = arith.constant -1.000000e+09 : f32
    %broadcast_in_dim3A_864 = vector.broadcast %jit3A_863 : f32 to vector<16xf32>
    %select_n3A_865 = arith.select %eq3A_862, %broadcast_in_dim3A_864, %get3A_771 : vector<16xi1>, vector<16xf32>
    %max3A_866 = arith.maximumf %max3A_859, %select_n3A_865 : vector<16xf32>
    %eq3A_867 = arith.constant 6 : i32
    %eq3A_868 = vector.broadcast %eq3A_867 : i32 to vector<16xi32>
    %eq3A_869 = arith.cmpi eq, %select_n3A_822, %eq3A_868 : vector<16xi32>
    %jit3A_870 = arith.constant -1.000000e+09 : f32
    %broadcast_in_dim3A_871 = vector.broadcast %jit3A_870 : f32 to vector<16xf32>
    %select_n3A_872 = arith.select %eq3A_869, %broadcast_in_dim3A_871, %get3A_776 : vector<16xi1>, vector<16xf32>
    %max3A_873 = arith.maximumf %max3A_866, %select_n3A_872 : vector<16xf32>
    %eq3A_874 = arith.constant 7 : i32
    %eq3A_875 = vector.broadcast %eq3A_874 : i32 to vector<16xi32>
    %eq3A_876 = arith.cmpi eq, %select_n3A_822, %eq3A_875 : vector<16xi32>
    %jit3A_877 = arith.constant -1.000000e+09 : f32
    %broadcast_in_dim3A_878 = vector.broadcast %jit3A_877 : f32 to vector<16xf32>
    %select_n3A_879 = arith.select %eq3A_876, %broadcast_in_dim3A_878, %get3A_781 : vector<16xi1>, vector<16xf32>
    %max3A_880 = arith.maximumf %max3A_873, %select_n3A_879 : vector<16xf32>
    %broadcast_in_dim3A_881 = arith.constant 8 : i32
    %broadcast_in_dim3A_882 = vector.broadcast %broadcast_in_dim3A_881 : i32 to vector<16xi32>
    %eq3A_883 = arith.cmpf oeq, %get3A_781, %max3A_880 : vector<16xf32>
    %ne3A_884 = arith.constant 7 : i32
    %ne3A_885 = vector.broadcast %ne3A_884 : i32 to vector<16xi32>
    %ne3A_886 = arith.cmpi ne, %select_n3A_822, %ne3A_885 : vector<16xi32>
    %and3A_887 = arith.andi %eq3A_883, %ne3A_886 : vector<16xi1>
    %jit3A_888 = arith.constant 7 : i32
    %broadcast_in_dim3A_889 = vector.broadcast %jit3A_888 : i32 to vector<16xi32>
    %select_n3A_890 = arith.select %and3A_887, %broadcast_in_dim3A_889, %broadcast_in_dim3A_882 : vector<16xi1>, vector<16xi32>
    %eq3A_891 = arith.cmpf oeq, %get3A_776, %max3A_880 : vector<16xf32>
    %ne3A_892 = arith.constant 6 : i32
    %ne3A_893 = vector.broadcast %ne3A_892 : i32 to vector<16xi32>
    %ne3A_894 = arith.cmpi ne, %select_n3A_822, %ne3A_893 : vector<16xi32>
    %and3A_895 = arith.andi %eq3A_891, %ne3A_894 : vector<16xi1>
    %jit3A_896 = arith.constant 6 : i32
    %broadcast_in_dim3A_897 = vector.broadcast %jit3A_896 : i32 to vector<16xi32>
    %select_n3A_898 = arith.select %and3A_895, %broadcast_in_dim3A_897, %select_n3A_890 : vector<16xi1>, vector<16xi32>
    %eq3A_899 = arith.cmpf oeq, %get3A_771, %max3A_880 : vector<16xf32>
    %ne3A_900 = arith.constant 5 : i32
    %ne3A_901 = vector.broadcast %ne3A_900 : i32 to vector<16xi32>
    %ne3A_902 = arith.cmpi ne, %select_n3A_822, %ne3A_901 : vector<16xi32>
    %and3A_903 = arith.andi %eq3A_899, %ne3A_902 : vector<16xi1>
    %jit3A_904 = arith.constant 5 : i32
    %broadcast_in_dim3A_905 = vector.broadcast %jit3A_904 : i32 to vector<16xi32>
    %select_n3A_906 = arith.select %and3A_903, %broadcast_in_dim3A_905, %select_n3A_898 : vector<16xi1>, vector<16xi32>
    %eq3A_907 = arith.cmpf oeq, %get3A_766, %max3A_880 : vector<16xf32>
    %ne3A_908 = arith.constant 4 : i32
    %ne3A_909 = vector.broadcast %ne3A_908 : i32 to vector<16xi32>
    %ne3A_910 = arith.cmpi ne, %select_n3A_822, %ne3A_909 : vector<16xi32>
    %and3A_911 = arith.andi %eq3A_907, %ne3A_910 : vector<16xi1>
    %jit3A_912 = arith.constant 4 : i32
    %broadcast_in_dim3A_913 = vector.broadcast %jit3A_912 : i32 to vector<16xi32>
    %select_n3A_914 = arith.select %and3A_911, %broadcast_in_dim3A_913, %select_n3A_906 : vector<16xi1>, vector<16xi32>
    %eq3A_915 = arith.cmpf oeq, %get3A_761, %max3A_880 : vector<16xf32>
    %ne3A_916 = arith.constant 3 : i32
    %ne3A_917 = vector.broadcast %ne3A_916 : i32 to vector<16xi32>
    %ne3A_918 = arith.cmpi ne, %select_n3A_822, %ne3A_917 : vector<16xi32>
    %and3A_919 = arith.andi %eq3A_915, %ne3A_918 : vector<16xi1>
    %jit3A_920 = arith.constant 3 : i32
    %broadcast_in_dim3A_921 = vector.broadcast %jit3A_920 : i32 to vector<16xi32>
    %select_n3A_922 = arith.select %and3A_919, %broadcast_in_dim3A_921, %select_n3A_914 : vector<16xi1>, vector<16xi32>
    %eq3A_923 = arith.cmpf oeq, %get3A_756, %max3A_880 : vector<16xf32>
    %ne3A_924 = arith.constant 2 : i32
    %ne3A_925 = vector.broadcast %ne3A_924 : i32 to vector<16xi32>
    %ne3A_926 = arith.cmpi ne, %select_n3A_822, %ne3A_925 : vector<16xi32>
    %and3A_927 = arith.andi %eq3A_923, %ne3A_926 : vector<16xi1>
    %jit3A_928 = arith.constant 2 : i32
    %broadcast_in_dim3A_929 = vector.broadcast %jit3A_928 : i32 to vector<16xi32>
    %select_n3A_930 = arith.select %and3A_927, %broadcast_in_dim3A_929, %select_n3A_922 : vector<16xi1>, vector<16xi32>
    %eq3A_931 = arith.cmpf oeq, %get3A_751, %max3A_880 : vector<16xf32>
    %ne3A_932 = arith.constant 1 : i32
    %ne3A_933 = vector.broadcast %ne3A_932 : i32 to vector<16xi32>
    %ne3A_934 = arith.cmpi ne, %select_n3A_822, %ne3A_933 : vector<16xi32>
    %and3A_935 = arith.andi %eq3A_931, %ne3A_934 : vector<16xi1>
    %jit3A_936 = arith.constant 1 : i32
    %broadcast_in_dim3A_937 = vector.broadcast %jit3A_936 : i32 to vector<16xi32>
    %select_n3A_938 = arith.select %and3A_935, %broadcast_in_dim3A_937, %select_n3A_930 : vector<16xi1>, vector<16xi32>
    %eq3A_939 = arith.cmpf oeq, %get3A_746, %max3A_880 : vector<16xf32>
    %ne3A_940 = arith.constant 0 : i32
    %ne3A_941 = vector.broadcast %ne3A_940 : i32 to vector<16xi32>
    %ne3A_942 = arith.cmpi ne, %select_n3A_822, %ne3A_941 : vector<16xi32>
    %and3A_943 = arith.andi %eq3A_939, %ne3A_942 : vector<16xi1>
    %jit3A_944 = arith.constant 0 : i32
    %broadcast_in_dim3A_945 = vector.broadcast %jit3A_944 : i32 to vector<16xi32>
    %select_n3A_946 = arith.select %and3A_943, %broadcast_in_dim3A_945, %select_n3A_938 : vector<16xi1>, vector<16xi32>
    %sub3A_947 = arith.subf %max3A_880, %max3A_788 : vector<16xf32>
    %exp3A_948 = math.exp %sub3A_947 : vector<16xf32>
    %add3A_949 = arith.constant 1.000000e+00 : f32
    %add3A_950 = vector.broadcast %add3A_949 : f32 to vector<16xf32>
    %add3A_951 = arith.addf %add3A_950, %exp3A_948 : vector<16xf32>
    %div3A_952 = arith.constant 1.000000e+00 : f32
    %div3A_953 = vector.broadcast %div3A_952 : f32 to vector<16xf32>
    %div3A_954 = arith.divf %div3A_953, %add3A_951 : vector<16xf32>
    %sub3A_955 = arith.constant 1.000000e+00 : f32
    %sub3A_956 = vector.broadcast %sub3A_955 : f32 to vector<16xf32>
    %sub3A_957 = arith.subf %sub3A_956, %div3A_954 : vector<16xf32>
    %eq3A_958 = arith.constant 0 : i32
    %eq3A_959 = vector.broadcast %eq3A_958 : i32 to vector<16xi32>
    %eq3A_960 = arith.cmpi eq, %select_n3A_822, %eq3A_959 : vector<16xi32>
    %jit3A_961 = arith.constant 0.000000e+00 : f32
    %broadcast_in_dim3A_962 = vector.broadcast %jit3A_961 : f32 to vector<16xf32>
    %select_n3A_963 = arith.select %eq3A_960, %div3A_954, %broadcast_in_dim3A_962 : vector<16xi1>, vector<16xf32>
    %eq3A_964 = arith.constant 0 : i32
    %eq3A_965 = vector.broadcast %eq3A_964 : i32 to vector<16xi32>
    %eq3A_966 = arith.cmpi eq, %select_n3A_946, %eq3A_965 : vector<16xi32>
    %jit3A_967 = arith.constant 0.000000e+00 : f32
    %broadcast_in_dim3A_968 = vector.broadcast %jit3A_967 : f32 to vector<16xf32>
    %select_n3A_969 = arith.select %eq3A_966, %sub3A_957, %broadcast_in_dim3A_968 : vector<16xi1>, vector<16xf32>
    %add3A_970 = arith.addf %select_n3A_963, %select_n3A_969 : vector<16xf32>
    %swap3A_971 = arith.constant 0 : i32
    %swap3A_972 = arith.index_cast %swap3A_971 : i32 to index
    %swap3A_973 = arith.constant 32 : index
    %swap3A_974 = tpu.vector_load %arg5[%swap3A_972, %swap3A_973] {strides = array<i32>} : memref<8x64xf32, #tpu.memory_space<vmem>>, vector<1x16xf32>,
    %swap3A_975 = vector.shape_cast %swap3A_974 : vector<1x16xf32> to vector<16xf32>
    %swap3A_976 = vector.shape_cast %add3A_970 : vector<16xf32> to vector<1x16xf32>
    tpu.vector_store %arg5[%swap3A_972, %swap3A_973], %swap3A_976 {strides = array<i32>} : memref<8x64xf32, #tpu.memory_space<vmem>>, vector<1x16xf32>,
    %eq3A_977 = arith.constant 1 : i32
    %eq3A_978 = vector.broadcast %eq3A_977 : i32 to vector<16xi32>
    %eq3A_979 = arith.cmpi eq, %select_n3A_822, %eq3A_978 : vector<16xi32>
    %jit3A_980 = arith.constant 0.000000e+00 : f32
    %broadcast_in_dim3A_981 = vector.broadcast %jit3A_980 : f32 to vector<16xf32>
    %select_n3A_982 = arith.select %eq3A_979, %div3A_954, %broadcast_in_dim3A_981 : vector<16xi1>, vector<16xf32>
    %eq3A_983 = arith.constant 1 : i32
    %eq3A_984 = vector.broadcast %eq3A_983 : i32 to vector<16xi32>
    %eq3A_985 = arith.cmpi eq, %select_n3A_946, %eq3A_984 : vector<16xi32>
    %jit3A_986 = arith.constant 0.000000e+00 : f32
    %broadcast_in_dim3A_987 = vector.broadcast %jit3A_986 : f32 to vector<16xf32>
    %select_n3A_988 = arith.select %eq3A_985, %sub3A_957, %broadcast_in_dim3A_987 : vector<16xi1>, vector<16xf32>
    %add3A_989 = arith.addf %select_n3A_982, %select_n3A_988 : vector<16xf32>
    %swap3A_990 = arith.constant 1 : i32
    %swap3A_991 = arith.index_cast %swap3A_990 : i32 to index
    %swap3A_992 = arith.constant 32 : index
    %swap3A_993 = tpu.vector_load %arg5[%swap3A_991, %swap3A_992] {strides = array<i32>} : memref<8x64xf32, #tpu.memory_space<vmem>>, vector<1x16xf32>,
    %swap3A_994 = vector.shape_cast %swap3A_993 : vector<1x16xf32> to vector<16xf32>
    %swap3A_995 = vector.shape_cast %add3A_989 : vector<16xf32> to vector<1x16xf32>
    tpu.vector_store %arg5[%swap3A_991, %swap3A_992], %swap3A_995 {strides = array<i32>} : memref<8x64xf32, #tpu.memory_space<vmem>>, vector<1x16xf32>,
    %eq3A_996 = arith.constant 2 : i32
    %eq3A_997 = vector.broadcast %eq3A_996 : i32 to vector<16xi32>
    %eq3A_998 = arith.cmpi eq, %select_n3A_822, %eq3A_997 : vector<16xi32>
    %jit3A_999 = arith.constant 0.000000e+00 : f32
    %broadcast_in_dim3A_1000 = vector.broadcast %jit3A_999 : f32 to vector<16xf32>
    %select_n3A_1001 = arith.select %eq3A_998, %div3A_954, %broadcast_in_dim3A_1000 : vector<16xi1>, vector<16xf32>
    %eq3A_1002 = arith.constant 2 : i32
    %eq3A_1003 = vector.broadcast %eq3A_1002 : i32 to vector<16xi32>
    %eq3A_1004 = arith.cmpi eq, %select_n3A_946, %eq3A_1003 : vector<16xi32>
    %jit3A_1005 = arith.constant 0.000000e+00 : f32
    %broadcast_in_dim3A_1006 = vector.broadcast %jit3A_1005 : f32 to vector<16xf32>
    %select_n3A_1007 = arith.select %eq3A_1004, %sub3A_957, %broadcast_in_dim3A_1006 : vector<16xi1>, vector<16xf32>
    %add3A_1008 = arith.addf %select_n3A_1001, %select_n3A_1007 : vector<16xf32>
    %swap3A_1009 = arith.constant 2 : i32
    %swap3A_1010 = arith.index_cast %swap3A_1009 : i32 to index
    %swap3A_1011 = arith.constant 32 : index
    %swap3A_1012 = tpu.vector_load %arg5[%swap3A_1010, %swap3A_1011] {strides = array<i32>} : memref<8x64xf32, #tpu.memory_space<vmem>>, vector<1x16xf32>,
    %swap3A_1013 = vector.shape_cast %swap3A_1012 : vector<1x16xf32> to vector<16xf32>
    %swap3A_1014 = vector.shape_cast %add3A_1008 : vector<16xf32> to vector<1x16xf32>
    tpu.vector_store %arg5[%swap3A_1010, %swap3A_1011], %swap3A_1014 {strides = array<i32>} : memref<8x64xf32, #tpu.memory_space<vmem>>, vector<1x16xf32>,
    %eq3A_1015 = arith.constant 3 : i32
    %eq3A_1016 = vector.broadcast %eq3A_1015 : i32 to vector<16xi32>
    %eq3A_1017 = arith.cmpi eq, %select_n3A_822, %eq3A_1016 : vector<16xi32>
    %jit3A_1018 = arith.constant 0.000000e+00 : f32
    %broadcast_in_dim3A_1019 = vector.broadcast %jit3A_1018 : f32 to vector<16xf32>
    %select_n3A_1020 = arith.select %eq3A_1017, %div3A_954, %broadcast_in_dim3A_1019 : vector<16xi1>, vector<16xf32>
    %eq3A_1021 = arith.constant 3 : i32
    %eq3A_1022 = vector.broadcast %eq3A_1021 : i32 to vector<16xi32>
    %eq3A_1023 = arith.cmpi eq, %select_n3A_946, %eq3A_1022 : vector<16xi32>
    %jit3A_1024 = arith.constant 0.000000e+00 : f32
    %broadcast_in_dim3A_1025 = vector.broadcast %jit3A_1024 : f32 to vector<16xf32>
    %select_n3A_1026 = arith.select %eq3A_1023, %sub3A_957, %broadcast_in_dim3A_1025 : vector<16xi1>, vector<16xf32>
    %add3A_1027 = arith.addf %select_n3A_1020, %select_n3A_1026 : vector<16xf32>
    %swap3A_1028 = arith.constant 3 : i32
    %swap3A_1029 = arith.index_cast %swap3A_1028 : i32 to index
    %swap3A_1030 = arith.constant 32 : index
    %swap3A_1031 = tpu.vector_load %arg5[%swap3A_1029, %swap3A_1030] {strides = array<i32>} : memref<8x64xf32, #tpu.memory_space<vmem>>, vector<1x16xf32>,
    %swap3A_1032 = vector.shape_cast %swap3A_1031 : vector<1x16xf32> to vector<16xf32>
    %swap3A_1033 = vector.shape_cast %add3A_1027 : vector<16xf32> to vector<1x16xf32>
    tpu.vector_store %arg5[%swap3A_1029, %swap3A_1030], %swap3A_1033 {strides = array<i32>} : memref<8x64xf32, #tpu.memory_space<vmem>>, vector<1x16xf32>,
    %eq3A_1034 = arith.constant 4 : i32
    %eq3A_1035 = vector.broadcast %eq3A_1034 : i32 to vector<16xi32>
    %eq3A_1036 = arith.cmpi eq, %select_n3A_822, %eq3A_1035 : vector<16xi32>
    %jit3A_1037 = arith.constant 0.000000e+00 : f32
    %broadcast_in_dim3A_1038 = vector.broadcast %jit3A_1037 : f32 to vector<16xf32>
    %select_n3A_1039 = arith.select %eq3A_1036, %div3A_954, %broadcast_in_dim3A_1038 : vector<16xi1>, vector<16xf32>
    %eq3A_1040 = arith.constant 4 : i32
    %eq3A_1041 = vector.broadcast %eq3A_1040 : i32 to vector<16xi32>
    %eq3A_1042 = arith.cmpi eq, %select_n3A_946, %eq3A_1041 : vector<16xi32>
    %jit3A_1043 = arith.constant 0.000000e+00 : f32
    %broadcast_in_dim3A_1044 = vector.broadcast %jit3A_1043 : f32 to vector<16xf32>
    %select_n3A_1045 = arith.select %eq3A_1042, %sub3A_957, %broadcast_in_dim3A_1044 : vector<16xi1>, vector<16xf32>
    %add3A_1046 = arith.addf %select_n3A_1039, %select_n3A_1045 : vector<16xf32>
    %swap3A_1047 = arith.constant 4 : i32
    %swap3A_1048 = arith.index_cast %swap3A_1047 : i32 to index
    %swap3A_1049 = arith.constant 32 : index
    %swap3A_1050 = tpu.vector_load %arg5[%swap3A_1048, %swap3A_1049] {strides = array<i32>} : memref<8x64xf32, #tpu.memory_space<vmem>>, vector<1x16xf32>,
    %swap3A_1051 = vector.shape_cast %swap3A_1050 : vector<1x16xf32> to vector<16xf32>
    %swap3A_1052 = vector.shape_cast %add3A_1046 : vector<16xf32> to vector<1x16xf32>
    tpu.vector_store %arg5[%swap3A_1048, %swap3A_1049], %swap3A_1052 {strides = array<i32>} : memref<8x64xf32, #tpu.memory_space<vmem>>, vector<1x16xf32>,
    %eq3A_1053 = arith.constant 5 : i32
    %eq3A_1054 = vector.broadcast %eq3A_1053 : i32 to vector<16xi32>
    %eq3A_1055 = arith.cmpi eq, %select_n3A_822, %eq3A_1054 : vector<16xi32>
    %jit3A_1056 = arith.constant 0.000000e+00 : f32
    %broadcast_in_dim3A_1057 = vector.broadcast %jit3A_1056 : f32 to vector<16xf32>
    %select_n3A_1058 = arith.select %eq3A_1055, %div3A_954, %broadcast_in_dim3A_1057 : vector<16xi1>, vector<16xf32>
    %eq3A_1059 = arith.constant 5 : i32
    %eq3A_1060 = vector.broadcast %eq3A_1059 : i32 to vector<16xi32>
    %eq3A_1061 = arith.cmpi eq, %select_n3A_946, %eq3A_1060 : vector<16xi32>
    %jit3A_1062 = arith.constant 0.000000e+00 : f32
    %broadcast_in_dim3A_1063 = vector.broadcast %jit3A_1062 : f32 to vector<16xf32>
    %select_n3A_1064 = arith.select %eq3A_1061, %sub3A_957, %broadcast_in_dim3A_1063 : vector<16xi1>, vector<16xf32>
    %add3A_1065 = arith.addf %select_n3A_1058, %select_n3A_1064 : vector<16xf32>
    %swap3A_1066 = arith.constant 5 : i32
    %swap3A_1067 = arith.index_cast %swap3A_1066 : i32 to index
    %swap3A_1068 = arith.constant 32 : index
    %swap3A_1069 = tpu.vector_load %arg5[%swap3A_1067, %swap3A_1068] {strides = array<i32>} : memref<8x64xf32, #tpu.memory_space<vmem>>, vector<1x16xf32>,
    %swap3A_1070 = vector.shape_cast %swap3A_1069 : vector<1x16xf32> to vector<16xf32>
    %swap3A_1071 = vector.shape_cast %add3A_1065 : vector<16xf32> to vector<1x16xf32>
    tpu.vector_store %arg5[%swap3A_1067, %swap3A_1068], %swap3A_1071 {strides = array<i32>} : memref<8x64xf32, #tpu.memory_space<vmem>>, vector<1x16xf32>,
    %eq3A_1072 = arith.constant 6 : i32
    %eq3A_1073 = vector.broadcast %eq3A_1072 : i32 to vector<16xi32>
    %eq3A_1074 = arith.cmpi eq, %select_n3A_822, %eq3A_1073 : vector<16xi32>
    %jit3A_1075 = arith.constant 0.000000e+00 : f32
    %broadcast_in_dim3A_1076 = vector.broadcast %jit3A_1075 : f32 to vector<16xf32>
    %select_n3A_1077 = arith.select %eq3A_1074, %div3A_954, %broadcast_in_dim3A_1076 : vector<16xi1>, vector<16xf32>
    %eq3A_1078 = arith.constant 6 : i32
    %eq3A_1079 = vector.broadcast %eq3A_1078 : i32 to vector<16xi32>
    %eq3A_1080 = arith.cmpi eq, %select_n3A_946, %eq3A_1079 : vector<16xi32>
    %jit3A_1081 = arith.constant 0.000000e+00 : f32
    %broadcast_in_dim3A_1082 = vector.broadcast %jit3A_1081 : f32 to vector<16xf32>
    %select_n3A_1083 = arith.select %eq3A_1080, %sub3A_957, %broadcast_in_dim3A_1082 : vector<16xi1>, vector<16xf32>
    %add3A_1084 = arith.addf %select_n3A_1077, %select_n3A_1083 : vector<16xf32>
    %swap3A_1085 = arith.constant 6 : i32
    %swap3A_1086 = arith.index_cast %swap3A_1085 : i32 to index
    %swap3A_1087 = arith.constant 32 : index
    %swap3A_1088 = tpu.vector_load %arg5[%swap3A_1086, %swap3A_1087] {strides = array<i32>} : memref<8x64xf32, #tpu.memory_space<vmem>>, vector<1x16xf32>,
    %swap3A_1089 = vector.shape_cast %swap3A_1088 : vector<1x16xf32> to vector<16xf32>
    %swap3A_1090 = vector.shape_cast %add3A_1084 : vector<16xf32> to vector<1x16xf32>
    tpu.vector_store %arg5[%swap3A_1086, %swap3A_1087], %swap3A_1090 {strides = array<i32>} : memref<8x64xf32, #tpu.memory_space<vmem>>, vector<1x16xf32>,
    %eq3A_1091 = arith.constant 7 : i32
    %eq3A_1092 = vector.broadcast %eq3A_1091 : i32 to vector<16xi32>
    %eq3A_1093 = arith.cmpi eq, %select_n3A_822, %eq3A_1092 : vector<16xi32>
    %jit3A_1094 = arith.constant 0.000000e+00 : f32
    %broadcast_in_dim3A_1095 = vector.broadcast %jit3A_1094 : f32 to vector<16xf32>
    %select_n3A_1096 = arith.select %eq3A_1093, %div3A_954, %broadcast_in_dim3A_1095 : vector<16xi1>, vector<16xf32>
    %eq3A_1097 = arith.constant 7 : i32
    %eq3A_1098 = vector.broadcast %eq3A_1097 : i32 to vector<16xi32>
    %eq3A_1099 = arith.cmpi eq, %select_n3A_946, %eq3A_1098 : vector<16xi32>
    %jit3A_1100 = arith.constant 0.000000e+00 : f32
    %broadcast_in_dim3A_1101 = vector.broadcast %jit3A_1100 : f32 to vector<16xf32>
    %select_n3A_1102 = arith.select %eq3A_1099, %sub3A_957, %broadcast_in_dim3A_1101 : vector<16xi1>, vector<16xf32>
    %add3A_1103 = arith.addf %select_n3A_1096, %select_n3A_1102 : vector<16xf32>
    %swap3A_1104 = arith.constant 7 : i32
    %swap3A_1105 = arith.index_cast %swap3A_1104 : i32 to index
    %swap3A_1106 = arith.constant 32 : index
    %swap3A_1107 = tpu.vector_load %arg5[%swap3A_1105, %swap3A_1106] {strides = array<i32>} : memref<8x64xf32, #tpu.memory_space<vmem>>, vector<1x16xf32>,
    %swap3A_1108 = vector.shape_cast %swap3A_1107 : vector<1x16xf32> to vector<16xf32>
    %swap3A_1109 = vector.shape_cast %add3A_1103 : vector<16xf32> to vector<1x16xf32>
    tpu.vector_store %arg5[%swap3A_1105, %swap3A_1106], %swap3A_1109 {strides = array<i32>} : memref<8x64xf32, #tpu.memory_space<vmem>>, vector<1x16xf32>,
    %get3A_1110 = arith.constant 0 : i32
    %get3A_1111 = arith.index_cast %get3A_1110 : i32 to index
    %get3A_1112 = arith.constant 48 : index
    %get3A_1113 = tpu.vector_load %arg4[%get3A_1111, %get3A_1112] {strides = array<i32>} : memref<8x64xf32, #tpu.memory_space<vmem>>, vector<1x16xf32>,
    %get3A_1114 = vector.shape_cast %get3A_1113 : vector<1x16xf32> to vector<16xf32>
    %get3A_1115 = arith.constant 1 : i32
    %get3A_1116 = arith.index_cast %get3A_1115 : i32 to index
    %get3A_1117 = arith.constant 48 : index
    %get3A_1118 = tpu.vector_load %arg4[%get3A_1116, %get3A_1117] {strides = array<i32>} : memref<8x64xf32, #tpu.memory_space<vmem>>, vector<1x16xf32>,
    %get3A_1119 = vector.shape_cast %get3A_1118 : vector<1x16xf32> to vector<16xf32>
    %get3A_1120 = arith.constant 2 : i32
    %get3A_1121 = arith.index_cast %get3A_1120 : i32 to index
    %get3A_1122 = arith.constant 48 : index
    %get3A_1123 = tpu.vector_load %arg4[%get3A_1121, %get3A_1122] {strides = array<i32>} : memref<8x64xf32, #tpu.memory_space<vmem>>, vector<1x16xf32>,
    %get3A_1124 = vector.shape_cast %get3A_1123 : vector<1x16xf32> to vector<16xf32>
    %get3A_1125 = arith.constant 3 : i32
    %get3A_1126 = arith.index_cast %get3A_1125 : i32 to index
    %get3A_1127 = arith.constant 48 : index
    %get3A_1128 = tpu.vector_load %arg4[%get3A_1126, %get3A_1127] {strides = array<i32>} : memref<8x64xf32, #tpu.memory_space<vmem>>, vector<1x16xf32>,
    %get3A_1129 = vector.shape_cast %get3A_1128 : vector<1x16xf32> to vector<16xf32>
    %get3A_1130 = arith.constant 4 : i32
    %get3A_1131 = arith.index_cast %get3A_1130 : i32 to index
    %get3A_1132 = arith.constant 48 : index
    %get3A_1133 = tpu.vector_load %arg4[%get3A_1131, %get3A_1132] {strides = array<i32>} : memref<8x64xf32, #tpu.memory_space<vmem>>, vector<1x16xf32>,
    %get3A_1134 = vector.shape_cast %get3A_1133 : vector<1x16xf32> to vector<16xf32>
    %get3A_1135 = arith.constant 5 : i32
    %get3A_1136 = arith.index_cast %get3A_1135 : i32 to index
    %get3A_1137 = arith.constant 48 : index
    %get3A_1138 = tpu.vector_load %arg4[%get3A_1136, %get3A_1137] {strides = array<i32>} : memref<8x64xf32, #tpu.memory_space<vmem>>, vector<1x16xf32>,
    %get3A_1139 = vector.shape_cast %get3A_1138 : vector<1x16xf32> to vector<16xf32>
    %get3A_1140 = arith.constant 6 : i32
    %get3A_1141 = arith.index_cast %get3A_1140 : i32 to index
    %get3A_1142 = arith.constant 48 : index
    %get3A_1143 = tpu.vector_load %arg4[%get3A_1141, %get3A_1142] {strides = array<i32>} : memref<8x64xf32, #tpu.memory_space<vmem>>, vector<1x16xf32>,
    %get3A_1144 = vector.shape_cast %get3A_1143 : vector<1x16xf32> to vector<16xf32>
    %get3A_1145 = arith.constant 7 : i32
    %get3A_1146 = arith.index_cast %get3A_1145 : i32 to index
    %get3A_1147 = arith.constant 48 : index
    %get3A_1148 = tpu.vector_load %arg4[%get3A_1146, %get3A_1147] {strides = array<i32>} : memref<8x64xf32, #tpu.memory_space<vmem>>, vector<1x16xf32>,
    %get3A_1149 = vector.shape_cast %get3A_1148 : vector<1x16xf32> to vector<16xf32>
    %max3A_1150 = arith.maximumf %get3A_1114, %get3A_1119 : vector<16xf32>
    %max3A_1151 = arith.maximumf %max3A_1150, %get3A_1124 : vector<16xf32>
    %max3A_1152 = arith.maximumf %max3A_1151, %get3A_1129 : vector<16xf32>
    %max3A_1153 = arith.maximumf %max3A_1152, %get3A_1134 : vector<16xf32>
    %max3A_1154 = arith.maximumf %max3A_1153, %get3A_1139 : vector<16xf32>
    %max3A_1155 = arith.maximumf %max3A_1154, %get3A_1144 : vector<16xf32>
    %max3A_1156 = arith.maximumf %max3A_1155, %get3A_1149 : vector<16xf32>
    %broadcast_in_dim3A_1157 = arith.constant 8 : i32
    %broadcast_in_dim3A_1158 = vector.broadcast %broadcast_in_dim3A_1157 : i32 to vector<16xi32>
    %eq3A_1159 = arith.cmpf oeq, %get3A_1149, %max3A_1156 : vector<16xf32>
    %jit3A_1160 = arith.constant 7 : i32
    %broadcast_in_dim3A_1161 = vector.broadcast %jit3A_1160 : i32 to vector<16xi32>
    %select_n3A_1162 = arith.select %eq3A_1159, %broadcast_in_dim3A_1161, %broadcast_in_dim3A_1158 : vector<16xi1>, vector<16xi32>
    %eq3A_1163 = arith.cmpf oeq, %get3A_1144, %max3A_1156 : vector<16xf32>
    %jit3A_1164 = arith.constant 6 : i32
    %broadcast_in_dim3A_1165 = vector.broadcast %jit3A_1164 : i32 to vector<16xi32>
    %select_n3A_1166 = arith.select %eq3A_1163, %broadcast_in_dim3A_1165, %select_n3A_1162 : vector<16xi1>, vector<16xi32>
    %eq3A_1167 = arith.cmpf oeq, %get3A_1139, %max3A_1156 : vector<16xf32>
    %jit3A_1168 = arith.constant 5 : i32
    %broadcast_in_dim3A_1169 = vector.broadcast %jit3A_1168 : i32 to vector<16xi32>
    %select_n3A_1170 = arith.select %eq3A_1167, %broadcast_in_dim3A_1169, %select_n3A_1166 : vector<16xi1>, vector<16xi32>
    %eq3A_1171 = arith.cmpf oeq, %get3A_1134, %max3A_1156 : vector<16xf32>
    %jit3A_1172 = arith.constant 4 : i32
    %broadcast_in_dim3A_1173 = vector.broadcast %jit3A_1172 : i32 to vector<16xi32>
    %select_n3A_1174 = arith.select %eq3A_1171, %broadcast_in_dim3A_1173, %select_n3A_1170 : vector<16xi1>, vector<16xi32>
    %eq3A_1175 = arith.cmpf oeq, %get3A_1129, %max3A_1156 : vector<16xf32>
    %jit3A_1176 = arith.constant 3 : i32
    %broadcast_in_dim3A_1177 = vector.broadcast %jit3A_1176 : i32 to vector<16xi32>
    %select_n3A_1178 = arith.select %eq3A_1175, %broadcast_in_dim3A_1177, %select_n3A_1174 : vector<16xi1>, vector<16xi32>
    %eq3A_1179 = arith.cmpf oeq, %get3A_1124, %max3A_1156 : vector<16xf32>
    %jit3A_1180 = arith.constant 2 : i32
    %broadcast_in_dim3A_1181 = vector.broadcast %jit3A_1180 : i32 to vector<16xi32>
    %select_n3A_1182 = arith.select %eq3A_1179, %broadcast_in_dim3A_1181, %select_n3A_1178 : vector<16xi1>, vector<16xi32>
    %eq3A_1183 = arith.cmpf oeq, %get3A_1119, %max3A_1156 : vector<16xf32>
    %jit3A_1184 = arith.constant 1 : i32
    %broadcast_in_dim3A_1185 = vector.broadcast %jit3A_1184 : i32 to vector<16xi32>
    %select_n3A_1186 = arith.select %eq3A_1183, %broadcast_in_dim3A_1185, %select_n3A_1182 : vector<16xi1>, vector<16xi32>
    %eq3A_1187 = arith.cmpf oeq, %get3A_1114, %max3A_1156 : vector<16xf32>
    %jit3A_1188 = arith.constant 0 : i32
    %broadcast_in_dim3A_1189 = vector.broadcast %jit3A_1188 : i32 to vector<16xi32>
    %select_n3A_1190 = arith.select %eq3A_1187, %broadcast_in_dim3A_1189, %select_n3A_1186 : vector<16xi1>, vector<16xi32>
    %broadcast_in_dim3A_1191 = arith.constant -1.000000e+09 : f32
    %broadcast_in_dim3A_1192 = vector.broadcast %broadcast_in_dim3A_1191 : f32 to vector<16xf32>
    %eq3A_1193 = arith.constant 0 : i32
    %eq3A_1194 = vector.broadcast %eq3A_1193 : i32 to vector<16xi32>
    %eq3A_1195 = arith.cmpi eq, %select_n3A_1190, %eq3A_1194 : vector<16xi32>
    %jit3A_1196 = arith.constant -1.000000e+09 : f32
    %broadcast_in_dim3A_1197 = vector.broadcast %jit3A_1196 : f32 to vector<16xf32>
    %select_n3A_1198 = arith.select %eq3A_1195, %broadcast_in_dim3A_1197, %get3A_1114 : vector<16xi1>, vector<16xf32>
    %max3A_1199 = arith.maximumf %broadcast_in_dim3A_1192, %select_n3A_1198 : vector<16xf32>
    %eq3A_1200 = arith.constant 1 : i32
    %eq3A_1201 = vector.broadcast %eq3A_1200 : i32 to vector<16xi32>
    %eq3A_1202 = arith.cmpi eq, %select_n3A_1190, %eq3A_1201 : vector<16xi32>
    %jit3A_1203 = arith.constant -1.000000e+09 : f32
    %broadcast_in_dim3A_1204 = vector.broadcast %jit3A_1203 : f32 to vector<16xf32>
    %select_n3A_1205 = arith.select %eq3A_1202, %broadcast_in_dim3A_1204, %get3A_1119 : vector<16xi1>, vector<16xf32>
    %max3A_1206 = arith.maximumf %max3A_1199, %select_n3A_1205 : vector<16xf32>
    %eq3A_1207 = arith.constant 2 : i32
    %eq3A_1208 = vector.broadcast %eq3A_1207 : i32 to vector<16xi32>
    %eq3A_1209 = arith.cmpi eq, %select_n3A_1190, %eq3A_1208 : vector<16xi32>
    %jit3A_1210 = arith.constant -1.000000e+09 : f32
    %broadcast_in_dim3A_1211 = vector.broadcast %jit3A_1210 : f32 to vector<16xf32>
    %select_n3A_1212 = arith.select %eq3A_1209, %broadcast_in_dim3A_1211, %get3A_1124 : vector<16xi1>, vector<16xf32>
    %max3A_1213 = arith.maximumf %max3A_1206, %select_n3A_1212 : vector<16xf32>
    %eq3A_1214 = arith.constant 3 : i32
    %eq3A_1215 = vector.broadcast %eq3A_1214 : i32 to vector<16xi32>
    %eq3A_1216 = arith.cmpi eq, %select_n3A_1190, %eq3A_1215 : vector<16xi32>
    %jit3A_1217 = arith.constant -1.000000e+09 : f32
    %broadcast_in_dim3A_1218 = vector.broadcast %jit3A_1217 : f32 to vector<16xf32>
    %select_n3A_1219 = arith.select %eq3A_1216, %broadcast_in_dim3A_1218, %get3A_1129 : vector<16xi1>, vector<16xf32>
    %max3A_1220 = arith.maximumf %max3A_1213, %select_n3A_1219 : vector<16xf32>
    %eq3A_1221 = arith.constant 4 : i32
    %eq3A_1222 = vector.broadcast %eq3A_1221 : i32 to vector<16xi32>
    %eq3A_1223 = arith.cmpi eq, %select_n3A_1190, %eq3A_1222 : vector<16xi32>
    %jit3A_1224 = arith.constant -1.000000e+09 : f32
    %broadcast_in_dim3A_1225 = vector.broadcast %jit3A_1224 : f32 to vector<16xf32>
    %select_n3A_1226 = arith.select %eq3A_1223, %broadcast_in_dim3A_1225, %get3A_1134 : vector<16xi1>, vector<16xf32>
    %max3A_1227 = arith.maximumf %max3A_1220, %select_n3A_1226 : vector<16xf32>
    %eq3A_1228 = arith.constant 5 : i32
    %eq3A_1229 = vector.broadcast %eq3A_1228 : i32 to vector<16xi32>
    %eq3A_1230 = arith.cmpi eq, %select_n3A_1190, %eq3A_1229 : vector<16xi32>
    %jit3A_1231 = arith.constant -1.000000e+09 : f32
    %broadcast_in_dim3A_1232 = vector.broadcast %jit3A_1231 : f32 to vector<16xf32>
    %select_n3A_1233 = arith.select %eq3A_1230, %broadcast_in_dim3A_1232, %get3A_1139 : vector<16xi1>, vector<16xf32>
    %max3A_1234 = arith.maximumf %max3A_1227, %select_n3A_1233 : vector<16xf32>
    %eq3A_1235 = arith.constant 6 : i32
    %eq3A_1236 = vector.broadcast %eq3A_1235 : i32 to vector<16xi32>
    %eq3A_1237 = arith.cmpi eq, %select_n3A_1190, %eq3A_1236 : vector<16xi32>
    %jit3A_1238 = arith.constant -1.000000e+09 : f32
    %broadcast_in_dim3A_1239 = vector.broadcast %jit3A_1238 : f32 to vector<16xf32>
    %select_n3A_1240 = arith.select %eq3A_1237, %broadcast_in_dim3A_1239, %get3A_1144 : vector<16xi1>, vector<16xf32>
    %max3A_1241 = arith.maximumf %max3A_1234, %select_n3A_1240 : vector<16xf32>
    %eq3A_1242 = arith.constant 7 : i32
    %eq3A_1243 = vector.broadcast %eq3A_1242 : i32 to vector<16xi32>
    %eq3A_1244 = arith.cmpi eq, %select_n3A_1190, %eq3A_1243 : vector<16xi32>
    %jit3A_1245 = arith.constant -1.000000e+09 : f32
    %broadcast_in_dim3A_1246 = vector.broadcast %jit3A_1245 : f32 to vector<16xf32>
    %select_n3A_1247 = arith.select %eq3A_1244, %broadcast_in_dim3A_1246, %get3A_1149 : vector<16xi1>, vector<16xf32>
    %max3A_1248 = arith.maximumf %max3A_1241, %select_n3A_1247 : vector<16xf32>
    %broadcast_in_dim3A_1249 = arith.constant 8 : i32
    %broadcast_in_dim3A_1250 = vector.broadcast %broadcast_in_dim3A_1249 : i32 to vector<16xi32>
    %eq3A_1251 = arith.cmpf oeq, %get3A_1149, %max3A_1248 : vector<16xf32>
    %ne3A_1252 = arith.constant 7 : i32
    %ne3A_1253 = vector.broadcast %ne3A_1252 : i32 to vector<16xi32>
    %ne3A_1254 = arith.cmpi ne, %select_n3A_1190, %ne3A_1253 : vector<16xi32>
    %and3A_1255 = arith.andi %eq3A_1251, %ne3A_1254 : vector<16xi1>
    %jit3A_1256 = arith.constant 7 : i32
    %broadcast_in_dim3A_1257 = vector.broadcast %jit3A_1256 : i32 to vector<16xi32>
    %select_n3A_1258 = arith.select %and3A_1255, %broadcast_in_dim3A_1257, %broadcast_in_dim3A_1250 : vector<16xi1>, vector<16xi32>
    %eq3A_1259 = arith.cmpf oeq, %get3A_1144, %max3A_1248 : vector<16xf32>
    %ne3A_1260 = arith.constant 6 : i32
    %ne3A_1261 = vector.broadcast %ne3A_1260 : i32 to vector<16xi32>
    %ne3A_1262 = arith.cmpi ne, %select_n3A_1190, %ne3A_1261 : vector<16xi32>
    %and3A_1263 = arith.andi %eq3A_1259, %ne3A_1262 : vector<16xi1>
    %jit3A_1264 = arith.constant 6 : i32
    %broadcast_in_dim3A_1265 = vector.broadcast %jit3A_1264 : i32 to vector<16xi32>
    %select_n3A_1266 = arith.select %and3A_1263, %broadcast_in_dim3A_1265, %select_n3A_1258 : vector<16xi1>, vector<16xi32>
    %eq3A_1267 = arith.cmpf oeq, %get3A_1139, %max3A_1248 : vector<16xf32>
    %ne3A_1268 = arith.constant 5 : i32
    %ne3A_1269 = vector.broadcast %ne3A_1268 : i32 to vector<16xi32>
    %ne3A_1270 = arith.cmpi ne, %select_n3A_1190, %ne3A_1269 : vector<16xi32>
    %and3A_1271 = arith.andi %eq3A_1267, %ne3A_1270 : vector<16xi1>
    %jit3A_1272 = arith.constant 5 : i32
    %broadcast_in_dim3A_1273 = vector.broadcast %jit3A_1272 : i32 to vector<16xi32>
    %select_n3A_1274 = arith.select %and3A_1271, %broadcast_in_dim3A_1273, %select_n3A_1266 : vector<16xi1>, vector<16xi32>
    %eq3A_1275 = arith.cmpf oeq, %get3A_1134, %max3A_1248 : vector<16xf32>
    %ne3A_1276 = arith.constant 4 : i32
    %ne3A_1277 = vector.broadcast %ne3A_1276 : i32 to vector<16xi32>
    %ne3A_1278 = arith.cmpi ne, %select_n3A_1190, %ne3A_1277 : vector<16xi32>
    %and3A_1279 = arith.andi %eq3A_1275, %ne3A_1278 : vector<16xi1>
    %jit3A_1280 = arith.constant 4 : i32
    %broadcast_in_dim3A_1281 = vector.broadcast %jit3A_1280 : i32 to vector<16xi32>
    %select_n3A_1282 = arith.select %and3A_1279, %broadcast_in_dim3A_1281, %select_n3A_1274 : vector<16xi1>, vector<16xi32>
    %eq3A_1283 = arith.cmpf oeq, %get3A_1129, %max3A_1248 : vector<16xf32>
    %ne3A_1284 = arith.constant 3 : i32
    %ne3A_1285 = vector.broadcast %ne3A_1284 : i32 to vector<16xi32>
    %ne3A_1286 = arith.cmpi ne, %select_n3A_1190, %ne3A_1285 : vector<16xi32>
    %and3A_1287 = arith.andi %eq3A_1283, %ne3A_1286 : vector<16xi1>
    %jit3A_1288 = arith.constant 3 : i32
    %broadcast_in_dim3A_1289 = vector.broadcast %jit3A_1288 : i32 to vector<16xi32>
    %select_n3A_1290 = arith.select %and3A_1287, %broadcast_in_dim3A_1289, %select_n3A_1282 : vector<16xi1>, vector<16xi32>
    %eq3A_1291 = arith.cmpf oeq, %get3A_1124, %max3A_1248 : vector<16xf32>
    %ne3A_1292 = arith.constant 2 : i32
    %ne3A_1293 = vector.broadcast %ne3A_1292 : i32 to vector<16xi32>
    %ne3A_1294 = arith.cmpi ne, %select_n3A_1190, %ne3A_1293 : vector<16xi32>
    %and3A_1295 = arith.andi %eq3A_1291, %ne3A_1294 : vector<16xi1>
    %jit3A_1296 = arith.constant 2 : i32
    %broadcast_in_dim3A_1297 = vector.broadcast %jit3A_1296 : i32 to vector<16xi32>
    %select_n3A_1298 = arith.select %and3A_1295, %broadcast_in_dim3A_1297, %select_n3A_1290 : vector<16xi1>, vector<16xi32>
    %eq3A_1299 = arith.cmpf oeq, %get3A_1119, %max3A_1248 : vector<16xf32>
    %ne3A_1300 = arith.constant 1 : i32
    %ne3A_1301 = vector.broadcast %ne3A_1300 : i32 to vector<16xi32>
    %ne3A_1302 = arith.cmpi ne, %select_n3A_1190, %ne3A_1301 : vector<16xi32>
    %and3A_1303 = arith.andi %eq3A_1299, %ne3A_1302 : vector<16xi1>
    %jit3A_1304 = arith.constant 1 : i32
    %broadcast_in_dim3A_1305 = vector.broadcast %jit3A_1304 : i32 to vector<16xi32>
    %select_n3A_1306 = arith.select %and3A_1303, %broadcast_in_dim3A_1305, %select_n3A_1298 : vector<16xi1>, vector<16xi32>
    %eq3A_1307 = arith.cmpf oeq, %get3A_1114, %max3A_1248 : vector<16xf32>
    %ne3A_1308 = arith.constant 0 : i32
    %ne3A_1309 = vector.broadcast %ne3A_1308 : i32 to vector<16xi32>
    %ne3A_1310 = arith.cmpi ne, %select_n3A_1190, %ne3A_1309 : vector<16xi32>
    %and3A_1311 = arith.andi %eq3A_1307, %ne3A_1310 : vector<16xi1>
    %jit3A_1312 = arith.constant 0 : i32
    %broadcast_in_dim3A_1313 = vector.broadcast %jit3A_1312 : i32 to vector<16xi32>
    %select_n3A_1314 = arith.select %and3A_1311, %broadcast_in_dim3A_1313, %select_n3A_1306 : vector<16xi1>, vector<16xi32>
    %sub3A_1315 = arith.subf %max3A_1248, %max3A_1156 : vector<16xf32>
    %exp3A_1316 = math.exp %sub3A_1315 : vector<16xf32>
    %add3A_1317 = arith.constant 1.000000e+00 : f32
    %add3A_1318 = vector.broadcast %add3A_1317 : f32 to vector<16xf32>
    %add3A_1319 = arith.addf %add3A_1318, %exp3A_1316 : vector<16xf32>
    %div3A_1320 = arith.constant 1.000000e+00 : f32
    %div3A_1321 = vector.broadcast %div3A_1320 : f32 to vector<16xf32>
    %div3A_1322 = arith.divf %div3A_1321, %add3A_1319 : vector<16xf32>
    %sub3A_1323 = arith.constant 1.000000e+00 : f32
    %sub3A_1324 = vector.broadcast %sub3A_1323 : f32 to vector<16xf32>
    %sub3A_1325 = arith.subf %sub3A_1324, %div3A_1322 : vector<16xf32>
    %eq3A_1326 = arith.constant 0 : i32
    %eq3A_1327 = vector.broadcast %eq3A_1326 : i32 to vector<16xi32>
    %eq3A_1328 = arith.cmpi eq, %select_n3A_1190, %eq3A_1327 : vector<16xi32>
    %jit3A_1329 = arith.constant 0.000000e+00 : f32
    %broadcast_in_dim3A_1330 = vector.broadcast %jit3A_1329 : f32 to vector<16xf32>
    %select_n3A_1331 = arith.select %eq3A_1328, %div3A_1322, %broadcast_in_dim3A_1330 : vector<16xi1>, vector<16xf32>
    %eq3A_1332 = arith.constant 0 : i32
    %eq3A_1333 = vector.broadcast %eq3A_1332 : i32 to vector<16xi32>
    %eq3A_1334 = arith.cmpi eq, %select_n3A_1314, %eq3A_1333 : vector<16xi32>
    %jit3A_1335 = arith.constant 0.000000e+00 : f32
    %broadcast_in_dim3A_1336 = vector.broadcast %jit3A_1335 : f32 to vector<16xf32>
    %select_n3A_1337 = arith.select %eq3A_1334, %sub3A_1325, %broadcast_in_dim3A_1336 : vector<16xi1>, vector<16xf32>
    %add3A_1338 = arith.addf %select_n3A_1331, %select_n3A_1337 : vector<16xf32>
    %swap3A_1339 = arith.constant 0 : i32
    %swap3A_1340 = arith.index_cast %swap3A_1339 : i32 to index
    %swap3A_1341 = arith.constant 48 : index
    %swap3A_1342 = tpu.vector_load %arg5[%swap3A_1340, %swap3A_1341] {strides = array<i32>} : memref<8x64xf32, #tpu.memory_space<vmem>>, vector<1x16xf32>,
    %swap3A_1343 = vector.shape_cast %swap3A_1342 : vector<1x16xf32> to vector<16xf32>
    %swap3A_1344 = vector.shape_cast %add3A_1338 : vector<16xf32> to vector<1x16xf32>
    tpu.vector_store %arg5[%swap3A_1340, %swap3A_1341], %swap3A_1344 {strides = array<i32>} : memref<8x64xf32, #tpu.memory_space<vmem>>, vector<1x16xf32>,
    %eq3A_1345 = arith.constant 1 : i32
    %eq3A_1346 = vector.broadcast %eq3A_1345 : i32 to vector<16xi32>
    %eq3A_1347 = arith.cmpi eq, %select_n3A_1190, %eq3A_1346 : vector<16xi32>
    %jit3A_1348 = arith.constant 0.000000e+00 : f32
    %broadcast_in_dim3A_1349 = vector.broadcast %jit3A_1348 : f32 to vector<16xf32>
    %select_n3A_1350 = arith.select %eq3A_1347, %div3A_1322, %broadcast_in_dim3A_1349 : vector<16xi1>, vector<16xf32>
    %eq3A_1351 = arith.constant 1 : i32
    %eq3A_1352 = vector.broadcast %eq3A_1351 : i32 to vector<16xi32>
    %eq3A_1353 = arith.cmpi eq, %select_n3A_1314, %eq3A_1352 : vector<16xi32>
    %jit3A_1354 = arith.constant 0.000000e+00 : f32
    %broadcast_in_dim3A_1355 = vector.broadcast %jit3A_1354 : f32 to vector<16xf32>
    %select_n3A_1356 = arith.select %eq3A_1353, %sub3A_1325, %broadcast_in_dim3A_1355 : vector<16xi1>, vector<16xf32>
    %add3A_1357 = arith.addf %select_n3A_1350, %select_n3A_1356 : vector<16xf32>
    %swap3A_1358 = arith.constant 1 : i32
    %swap3A_1359 = arith.index_cast %swap3A_1358 : i32 to index
    %swap3A_1360 = arith.constant 48 : index
    %swap3A_1361 = tpu.vector_load %arg5[%swap3A_1359, %swap3A_1360] {strides = array<i32>} : memref<8x64xf32, #tpu.memory_space<vmem>>, vector<1x16xf32>,
    %swap3A_1362 = vector.shape_cast %swap3A_1361 : vector<1x16xf32> to vector<16xf32>
    %swap3A_1363 = vector.shape_cast %add3A_1357 : vector<16xf32> to vector<1x16xf32>
    tpu.vector_store %arg5[%swap3A_1359, %swap3A_1360], %swap3A_1363 {strides = array<i32>} : memref<8x64xf32, #tpu.memory_space<vmem>>, vector<1x16xf32>,
    %eq3A_1364 = arith.constant 2 : i32
    %eq3A_1365 = vector.broadcast %eq3A_1364 : i32 to vector<16xi32>
    %eq3A_1366 = arith.cmpi eq, %select_n3A_1190, %eq3A_1365 : vector<16xi32>
    %jit3A_1367 = arith.constant 0.000000e+00 : f32
    %broadcast_in_dim3A_1368 = vector.broadcast %jit3A_1367 : f32 to vector<16xf32>
    %select_n3A_1369 = arith.select %eq3A_1366, %div3A_1322, %broadcast_in_dim3A_1368 : vector<16xi1>, vector<16xf32>
    %eq3A_1370 = arith.constant 2 : i32
    %eq3A_1371 = vector.broadcast %eq3A_1370 : i32 to vector<16xi32>
    %eq3A_1372 = arith.cmpi eq, %select_n3A_1314, %eq3A_1371 : vector<16xi32>
    %jit3A_1373 = arith.constant 0.000000e+00 : f32
    %broadcast_in_dim3A_1374 = vector.broadcast %jit3A_1373 : f32 to vector<16xf32>
    %select_n3A_1375 = arith.select %eq3A_1372, %sub3A_1325, %broadcast_in_dim3A_1374 : vector<16xi1>, vector<16xf32>
    %add3A_1376 = arith.addf %select_n3A_1369, %select_n3A_1375 : vector<16xf32>
    %swap3A_1377 = arith.constant 2 : i32
    %swap3A_1378 = arith.index_cast %swap3A_1377 : i32 to index
    %swap3A_1379 = arith.constant 48 : index
    %swap3A_1380 = tpu.vector_load %arg5[%swap3A_1378, %swap3A_1379] {strides = array<i32>} : memref<8x64xf32, #tpu.memory_space<vmem>>, vector<1x16xf32>,
    %swap3A_1381 = vector.shape_cast %swap3A_1380 : vector<1x16xf32> to vector<16xf32>
    %swap3A_1382 = vector.shape_cast %add3A_1376 : vector<16xf32> to vector<1x16xf32>
    tpu.vector_store %arg5[%swap3A_1378, %swap3A_1379], %swap3A_1382 {strides = array<i32>} : memref<8x64xf32, #tpu.memory_space<vmem>>, vector<1x16xf32>,
    %eq3A_1383 = arith.constant 3 : i32
    %eq3A_1384 = vector.broadcast %eq3A_1383 : i32 to vector<16xi32>
    %eq3A_1385 = arith.cmpi eq, %select_n3A_1190, %eq3A_1384 : vector<16xi32>
    %jit3A_1386 = arith.constant 0.000000e+00 : f32
    %broadcast_in_dim3A_1387 = vector.broadcast %jit3A_1386 : f32 to vector<16xf32>
    %select_n3A_1388 = arith.select %eq3A_1385, %div3A_1322, %broadcast_in_dim3A_1387 : vector<16xi1>, vector<16xf32>
    %eq3A_1389 = arith.constant 3 : i32
    %eq3A_1390 = vector.broadcast %eq3A_1389 : i32 to vector<16xi32>
    %eq3A_1391 = arith.cmpi eq, %select_n3A_1314, %eq3A_1390 : vector<16xi32>
    %jit3A_1392 = arith.constant 0.000000e+00 : f32
    %broadcast_in_dim3A_1393 = vector.broadcast %jit3A_1392 : f32 to vector<16xf32>
    %select_n3A_1394 = arith.select %eq3A_1391, %sub3A_1325, %broadcast_in_dim3A_1393 : vector<16xi1>, vector<16xf32>
    %add3A_1395 = arith.addf %select_n3A_1388, %select_n3A_1394 : vector<16xf32>
    %swap3A_1396 = arith.constant 3 : i32
    %swap3A_1397 = arith.index_cast %swap3A_1396 : i32 to index
    %swap3A_1398 = arith.constant 48 : index
    %swap3A_1399 = tpu.vector_load %arg5[%swap3A_1397, %swap3A_1398] {strides = array<i32>} : memref<8x64xf32, #tpu.memory_space<vmem>>, vector<1x16xf32>,
    %swap3A_1400 = vector.shape_cast %swap3A_1399 : vector<1x16xf32> to vector<16xf32>
    %swap3A_1401 = vector.shape_cast %add3A_1395 : vector<16xf32> to vector<1x16xf32>
    tpu.vector_store %arg5[%swap3A_1397, %swap3A_1398], %swap3A_1401 {strides = array<i32>} : memref<8x64xf32, #tpu.memory_space<vmem>>, vector<1x16xf32>,
    %eq3A_1402 = arith.constant 4 : i32
    %eq3A_1403 = vector.broadcast %eq3A_1402 : i32 to vector<16xi32>
    %eq3A_1404 = arith.cmpi eq, %select_n3A_1190, %eq3A_1403 : vector<16xi32>
    %jit3A_1405 = arith.constant 0.000000e+00 : f32
    %broadcast_in_dim3A_1406 = vector.broadcast %jit3A_1405 : f32 to vector<16xf32>
    %select_n3A_1407 = arith.select %eq3A_1404, %div3A_1322, %broadcast_in_dim3A_1406 : vector<16xi1>, vector<16xf32>
    %eq3A_1408 = arith.constant 4 : i32
    %eq3A_1409 = vector.broadcast %eq3A_1408 : i32 to vector<16xi32>
    %eq3A_1410 = arith.cmpi eq, %select_n3A_1314, %eq3A_1409 : vector<16xi32>
    %jit3A_1411 = arith.constant 0.000000e+00 : f32
    %broadcast_in_dim3A_1412 = vector.broadcast %jit3A_1411 : f32 to vector<16xf32>
    %select_n3A_1413 = arith.select %eq3A_1410, %sub3A_1325, %broadcast_in_dim3A_1412 : vector<16xi1>, vector<16xf32>
    %add3A_1414 = arith.addf %select_n3A_1407, %select_n3A_1413 : vector<16xf32>
    %swap3A_1415 = arith.constant 4 : i32
    %swap3A_1416 = arith.index_cast %swap3A_1415 : i32 to index
    %swap3A_1417 = arith.constant 48 : index
    %swap3A_1418 = tpu.vector_load %arg5[%swap3A_1416, %swap3A_1417] {strides = array<i32>} : memref<8x64xf32, #tpu.memory_space<vmem>>, vector<1x16xf32>,
    %swap3A_1419 = vector.shape_cast %swap3A_1418 : vector<1x16xf32> to vector<16xf32>
    %swap3A_1420 = vector.shape_cast %add3A_1414 : vector<16xf32> to vector<1x16xf32>
    tpu.vector_store %arg5[%swap3A_1416, %swap3A_1417], %swap3A_1420 {strides = array<i32>} : memref<8x64xf32, #tpu.memory_space<vmem>>, vector<1x16xf32>,
    %eq3A_1421 = arith.constant 5 : i32
    %eq3A_1422 = vector.broadcast %eq3A_1421 : i32 to vector<16xi32>
    %eq3A_1423 = arith.cmpi eq, %select_n3A_1190, %eq3A_1422 : vector<16xi32>
    %jit3A_1424 = arith.constant 0.000000e+00 : f32
    %broadcast_in_dim3A_1425 = vector.broadcast %jit3A_1424 : f32 to vector<16xf32>
    %select_n3A_1426 = arith.select %eq3A_1423, %div3A_1322, %broadcast_in_dim3A_1425 : vector<16xi1>, vector<16xf32>
    %eq3A_1427 = arith.constant 5 : i32
    %eq3A_1428 = vector.broadcast %eq3A_1427 : i32 to vector<16xi32>
    %eq3A_1429 = arith.cmpi eq, %select_n3A_1314, %eq3A_1428 : vector<16xi32>
    %jit3A_1430 = arith.constant 0.000000e+00 : f32
    %broadcast_in_dim3A_1431 = vector.broadcast %jit3A_1430 : f32 to vector<16xf32>
    %select_n3A_1432 = arith.select %eq3A_1429, %sub3A_1325, %broadcast_in_dim3A_1431 : vector<16xi1>, vector<16xf32>
    %add3A_1433 = arith.addf %select_n3A_1426, %select_n3A_1432 : vector<16xf32>
    %swap3A_1434 = arith.constant 5 : i32
    %swap3A_1435 = arith.index_cast %swap3A_1434 : i32 to index
    %swap3A_1436 = arith.constant 48 : index
    %swap3A_1437 = tpu.vector_load %arg5[%swap3A_1435, %swap3A_1436] {strides = array<i32>} : memref<8x64xf32, #tpu.memory_space<vmem>>, vector<1x16xf32>,
    %swap3A_1438 = vector.shape_cast %swap3A_1437 : vector<1x16xf32> to vector<16xf32>
    %swap3A_1439 = vector.shape_cast %add3A_1433 : vector<16xf32> to vector<1x16xf32>
    tpu.vector_store %arg5[%swap3A_1435, %swap3A_1436], %swap3A_1439 {strides = array<i32>} : memref<8x64xf32, #tpu.memory_space<vmem>>, vector<1x16xf32>,
    %eq3A_1440 = arith.constant 6 : i32
    %eq3A_1441 = vector.broadcast %eq3A_1440 : i32 to vector<16xi32>
    %eq3A_1442 = arith.cmpi eq, %select_n3A_1190, %eq3A_1441 : vector<16xi32>
    %jit3A_1443 = arith.constant 0.000000e+00 : f32
    %broadcast_in_dim3A_1444 = vector.broadcast %jit3A_1443 : f32 to vector<16xf32>
    %select_n3A_1445 = arith.select %eq3A_1442, %div3A_1322, %broadcast_in_dim3A_1444 : vector<16xi1>, vector<16xf32>
    %eq3A_1446 = arith.constant 6 : i32
    %eq3A_1447 = vector.broadcast %eq3A_1446 : i32 to vector<16xi32>
    %eq3A_1448 = arith.cmpi eq, %select_n3A_1314, %eq3A_1447 : vector<16xi32>
    %jit3A_1449 = arith.constant 0.000000e+00 : f32
    %broadcast_in_dim3A_1450 = vector.broadcast %jit3A_1449 : f32 to vector<16xf32>
    %select_n3A_1451 = arith.select %eq3A_1448, %sub3A_1325, %broadcast_in_dim3A_1450 : vector<16xi1>, vector<16xf32>
    %add3A_1452 = arith.addf %select_n3A_1445, %select_n3A_1451 : vector<16xf32>
    %swap3A_1453 = arith.constant 6 : i32
    %swap3A_1454 = arith.index_cast %swap3A_1453 : i32 to index
    %swap3A_1455 = arith.constant 48 : index
    %swap3A_1456 = tpu.vector_load %arg5[%swap3A_1454, %swap3A_1455] {strides = array<i32>} : memref<8x64xf32, #tpu.memory_space<vmem>>, vector<1x16xf32>,
    %swap3A_1457 = vector.shape_cast %swap3A_1456 : vector<1x16xf32> to vector<16xf32>
    %swap3A_1458 = vector.shape_cast %add3A_1452 : vector<16xf32> to vector<1x16xf32>
    tpu.vector_store %arg5[%swap3A_1454, %swap3A_1455], %swap3A_1458 {strides = array<i32>} : memref<8x64xf32, #tpu.memory_space<vmem>>, vector<1x16xf32>,
    %eq3A_1459 = arith.constant 7 : i32
    %eq3A_1460 = vector.broadcast %eq3A_1459 : i32 to vector<16xi32>
    %eq3A_1461 = arith.cmpi eq, %select_n3A_1190, %eq3A_1460 : vector<16xi32>
    %jit3A_1462 = arith.constant 0.000000e+00 : f32
    %broadcast_in_dim3A_1463 = vector.broadcast %jit3A_1462 : f32 to vector<16xf32>
    %select_n3A_1464 = arith.select %eq3A_1461, %div3A_1322, %broadcast_in_dim3A_1463 : vector<16xi1>, vector<16xf32>
    %eq3A_1465 = arith.constant 7 : i32
    %eq3A_1466 = vector.broadcast %eq3A_1465 : i32 to vector<16xi32>
    %eq3A_1467 = arith.cmpi eq, %select_n3A_1314, %eq3A_1466 : vector<16xi32>
    %jit3A_1468 = arith.constant 0.000000e+00 : f32
    %broadcast_in_dim3A_1469 = vector.broadcast %jit3A_1468 : f32 to vector<16xf32>
    %select_n3A_1470 = arith.select %eq3A_1467, %sub3A_1325, %broadcast_in_dim3A_1469 : vector<16xi1>, vector<16xf32>
    %add3A_1471 = arith.addf %select_n3A_1464, %select_n3A_1470 : vector<16xf32>
    %swap3A_1472 = arith.constant 7 : i32
    %swap3A_1473 = arith.index_cast %swap3A_1472 : i32 to index
    %swap3A_1474 = arith.constant 48 : index
    %swap3A_1475 = tpu.vector_load %arg5[%swap3A_1473, %swap3A_1474] {strides = array<i32>} : memref<8x64xf32, #tpu.memory_space<vmem>>, vector<1x16xf32>,
    %swap3A_1476 = vector.shape_cast %swap3A_1475 : vector<1x16xf32> to vector<16xf32>
    %swap3A_1477 = vector.shape_cast %add3A_1471 : vector<16xf32> to vector<1x16xf32>
    tpu.vector_store %arg5[%swap3A_1473, %swap3A_1474], %swap3A_1477 {strides = array<i32>} : memref<8x64xf32, #tpu.memory_space<vmem>>, vector<1x16xf32>,
    %run_scoped3A_1478 = arith.constant 0 : i32
    %run_scoped3A_1479 = arith.constant 0 : i32
    "tpu.region"() ({
      %run_scoped3A_1494 = tpu.sem_alloc : memref<!tpu.dma_semaphore, #tpu.memory_space<semaphore_mem>>
      %dma_start3A = arith.constant 0 : i32
      %dma_start3A_1495 = tpu.memref_slice %arg5[%run_scoped3A_1478, %dma_start3A] : memref<8x64xf32, #tpu.memory_space<vmem>> -> memref<1x64xf32, #tpu.memory_space<vmem>>
      %dma_start3A_1496 = tpu.memref_squeeze %dma_start3A_1495 : memref<1x64xf32, #tpu.memory_space<vmem>> -> memref<64xf32, #tpu.memory_space<vmem>>
      %dma_start3A_1497 = tpu.memref_slice %arg3[%run_scoped3A_1479, %mul3A_2] : memref<8x2048xf32, #tpu.memory_space<hbm>> -> memref<1x64xf32, #tpu.memory_space<hbm>>
      %dma_start3A_1498 = tpu.memref_squeeze %dma_start3A_1497 : memref<1x64xf32, #tpu.memory_space<hbm>> -> memref<64xf32, #tpu.memory_space<hbm>>
      %dma_start3A_1499 = tpu.memref_slice %arg3[%run_scoped3A_1479, %mul3A_2] : memref<8x2048xf32, #tpu.memory_space<hbm>> -> memref<1x64xf32, #tpu.memory_space<hbm>>
      %dma_start3A_1500 = tpu.memref_squeeze %dma_start3A_1499 : memref<1x64xf32, #tpu.memory_space<hbm>> -> memref<64xf32, #tpu.memory_space<hbm>>
      %dma_start3A_1501 = arith.constant 0 : i32
      %dma_start3A_1502 = tpu.memref_slice %arg5[%run_scoped3A_1478, %dma_start3A_1501] : memref<8x64xf32, #tpu.memory_space<vmem>> -> memref<1x64xf32, #tpu.memory_space<vmem>>
      %dma_start3A_1503 = tpu.memref_squeeze %dma_start3A_1502 : memref<1x64xf32, #tpu.memory_space<vmem>> -> memref<64xf32, #tpu.memory_space<vmem>>
      tpu.enqueue_dma source(%dma_start3A_1503 : memref<64xf32, #tpu.memory_space<vmem>>) target(%dma_start3A_1500 : memref<64xf32, #tpu.memory_space<hbm>>) target_semaphore(%run_scoped3A_1494 : memref<!tpu.dma_semaphore, #tpu.memory_space<semaphore_mem>>)
      %dma_wait3A = arith.constant 0 : i32
      %dma_wait3A_1504 = tpu.memref_slice %arg5[%run_scoped3A_1478, %dma_wait3A] : memref<8x64xf32, #tpu.memory_space<vmem>> -> memref<1x64xf32, #tpu.memory_space<vmem>>
      %dma_wait3A_1505 = tpu.memref_squeeze %dma_wait3A_1504 : memref<1x64xf32, #tpu.memory_space<vmem>> -> memref<64xf32, #tpu.memory_space<vmem>>
      %dma_wait3A_1506 = tpu.memref_slice %arg3[%run_scoped3A_1479, %mul3A_2] : memref<8x2048xf32, #tpu.memory_space<hbm>> -> memref<1x64xf32, #tpu.memory_space<hbm>>
      %dma_wait3A_1507 = tpu.memref_squeeze %dma_wait3A_1506 : memref<1x64xf32, #tpu.memory_space<hbm>> -> memref<64xf32, #tpu.memory_space<hbm>>
      %dma_wait3A_1508 = tpu.memref_slice %arg3[%run_scoped3A_1479, %mul3A_2] : memref<8x2048xf32, #tpu.memory_space<hbm>> -> memref<1x64xf32, #tpu.memory_space<hbm>>
      %dma_wait3A_1509 = tpu.memref_squeeze %dma_wait3A_1508 : memref<1x64xf32, #tpu.memory_space<hbm>> -> memref<64xf32, #tpu.memory_space<hbm>>
      %dma_wait3A_1510 = arith.constant 0 : i32
      %dma_wait3A_1511 = tpu.memref_slice %arg5[%run_scoped3A_1478, %dma_wait3A_1510] : memref<8x64xf32, #tpu.memory_space<vmem>> -> memref<1x64xf32, #tpu.memory_space<vmem>>
      %dma_wait3A_1512 = tpu.memref_squeeze %dma_wait3A_1511 : memref<1x64xf32, #tpu.memory_space<vmem>> -> memref<64xf32, #tpu.memory_space<vmem>>
      tpu.wait_dma2 semaphore(%run_scoped3A_1494 : memref<!tpu.dma_semaphore, #tpu.memory_space<semaphore_mem>>) src(%dma_wait3A_1512 : memref<64xf32, #tpu.memory_space<vmem>>) dst(%dma_wait3A_1509 : memref<64xf32, #tpu.memory_space<hbm>>)
      tpu.yield
    }) : () -> ()
    %run_scoped3A_1480 = arith.constant 1 : i32
    %run_scoped3A_1481 = arith.constant 1 : i32
    "tpu.region"() ({
      %run_scoped3A_1494 = tpu.sem_alloc : memref<!tpu.dma_semaphore, #tpu.memory_space<semaphore_mem>>
      %dma_start3A = arith.constant 0 : i32
      %dma_start3A_1495 = tpu.memref_slice %arg5[%run_scoped3A_1480, %dma_start3A] : memref<8x64xf32, #tpu.memory_space<vmem>> -> memref<1x64xf32, #tpu.memory_space<vmem>>
      %dma_start3A_1496 = tpu.memref_squeeze %dma_start3A_1495 : memref<1x64xf32, #tpu.memory_space<vmem>> -> memref<64xf32, #tpu.memory_space<vmem>>
      %dma_start3A_1497 = tpu.memref_slice %arg3[%run_scoped3A_1481, %mul3A_2] : memref<8x2048xf32, #tpu.memory_space<hbm>> -> memref<1x64xf32, #tpu.memory_space<hbm>>
      %dma_start3A_1498 = tpu.memref_squeeze %dma_start3A_1497 : memref<1x64xf32, #tpu.memory_space<hbm>> -> memref<64xf32, #tpu.memory_space<hbm>>
      %dma_start3A_1499 = tpu.memref_slice %arg3[%run_scoped3A_1481, %mul3A_2] : memref<8x2048xf32, #tpu.memory_space<hbm>> -> memref<1x64xf32, #tpu.memory_space<hbm>>
      %dma_start3A_1500 = tpu.memref_squeeze %dma_start3A_1499 : memref<1x64xf32, #tpu.memory_space<hbm>> -> memref<64xf32, #tpu.memory_space<hbm>>
      %dma_start3A_1501 = arith.constant 0 : i32
      %dma_start3A_1502 = tpu.memref_slice %arg5[%run_scoped3A_1480, %dma_start3A_1501] : memref<8x64xf32, #tpu.memory_space<vmem>> -> memref<1x64xf32, #tpu.memory_space<vmem>>
      %dma_start3A_1503 = tpu.memref_squeeze %dma_start3A_1502 : memref<1x64xf32, #tpu.memory_space<vmem>> -> memref<64xf32, #tpu.memory_space<vmem>>
      tpu.enqueue_dma source(%dma_start3A_1503 : memref<64xf32, #tpu.memory_space<vmem>>) target(%dma_start3A_1500 : memref<64xf32, #tpu.memory_space<hbm>>) target_semaphore(%run_scoped3A_1494 : memref<!tpu.dma_semaphore, #tpu.memory_space<semaphore_mem>>)
      %dma_wait3A = arith.constant 0 : i32
      %dma_wait3A_1504 = tpu.memref_slice %arg5[%run_scoped3A_1480, %dma_wait3A] : memref<8x64xf32, #tpu.memory_space<vmem>> -> memref<1x64xf32, #tpu.memory_space<vmem>>
      %dma_wait3A_1505 = tpu.memref_squeeze %dma_wait3A_1504 : memref<1x64xf32, #tpu.memory_space<vmem>> -> memref<64xf32, #tpu.memory_space<vmem>>
      %dma_wait3A_1506 = tpu.memref_slice %arg3[%run_scoped3A_1481, %mul3A_2] : memref<8x2048xf32, #tpu.memory_space<hbm>> -> memref<1x64xf32, #tpu.memory_space<hbm>>
      %dma_wait3A_1507 = tpu.memref_squeeze %dma_wait3A_1506 : memref<1x64xf32, #tpu.memory_space<hbm>> -> memref<64xf32, #tpu.memory_space<hbm>>
      %dma_wait3A_1508 = tpu.memref_slice %arg3[%run_scoped3A_1481, %mul3A_2] : memref<8x2048xf32, #tpu.memory_space<hbm>> -> memref<1x64xf32, #tpu.memory_space<hbm>>
      %dma_wait3A_1509 = tpu.memref_squeeze %dma_wait3A_1508 : memref<1x64xf32, #tpu.memory_space<hbm>> -> memref<64xf32, #tpu.memory_space<hbm>>
      %dma_wait3A_1510 = arith.constant 0 : i32
      %dma_wait3A_1511 = tpu.memref_slice %arg5[%run_scoped3A_1480, %dma_wait3A_1510] : memref<8x64xf32, #tpu.memory_space<vmem>> -> memref<1x64xf32, #tpu.memory_space<vmem>>
      %dma_wait3A_1512 = tpu.memref_squeeze %dma_wait3A_1511 : memref<1x64xf32, #tpu.memory_space<vmem>> -> memref<64xf32, #tpu.memory_space<vmem>>
      tpu.wait_dma2 semaphore(%run_scoped3A_1494 : memref<!tpu.dma_semaphore, #tpu.memory_space<semaphore_mem>>) src(%dma_wait3A_1512 : memref<64xf32, #tpu.memory_space<vmem>>) dst(%dma_wait3A_1509 : memref<64xf32, #tpu.memory_space<hbm>>)
      tpu.yield
    }) : () -> ()
    %run_scoped3A_1482 = arith.constant 2 : i32
    %run_scoped3A_1483 = arith.constant 2 : i32
    "tpu.region"() ({
      %run_scoped3A_1494 = tpu.sem_alloc : memref<!tpu.dma_semaphore, #tpu.memory_space<semaphore_mem>>
      %dma_start3A = arith.constant 0 : i32
      %dma_start3A_1495 = tpu.memref_slice %arg5[%run_scoped3A_1482, %dma_start3A] : memref<8x64xf32, #tpu.memory_space<vmem>> -> memref<1x64xf32, #tpu.memory_space<vmem>>
      %dma_start3A_1496 = tpu.memref_squeeze %dma_start3A_1495 : memref<1x64xf32, #tpu.memory_space<vmem>> -> memref<64xf32, #tpu.memory_space<vmem>>
      %dma_start3A_1497 = tpu.memref_slice %arg3[%run_scoped3A_1483, %mul3A_2] : memref<8x2048xf32, #tpu.memory_space<hbm>> -> memref<1x64xf32, #tpu.memory_space<hbm>>
      %dma_start3A_1498 = tpu.memref_squeeze %dma_start3A_1497 : memref<1x64xf32, #tpu.memory_space<hbm>> -> memref<64xf32, #tpu.memory_space<hbm>>
      %dma_start3A_1499 = tpu.memref_slice %arg3[%run_scoped3A_1483, %mul3A_2] : memref<8x2048xf32, #tpu.memory_space<hbm>> -> memref<1x64xf32, #tpu.memory_space<hbm>>
      %dma_start3A_1500 = tpu.memref_squeeze %dma_start3A_1499 : memref<1x64xf32, #tpu.memory_space<hbm>> -> memref<64xf32, #tpu.memory_space<hbm>>
      %dma_start3A_1501 = arith.constant 0 : i32
      %dma_start3A_1502 = tpu.memref_slice %arg5[%run_scoped3A_1482, %dma_start3A_1501] : memref<8x64xf32, #tpu.memory_space<vmem>> -> memref<1x64xf32, #tpu.memory_space<vmem>>
      %dma_start3A_1503 = tpu.memref_squeeze %dma_start3A_1502 : memref<1x64xf32, #tpu.memory_space<vmem>> -> memref<64xf32, #tpu.memory_space<vmem>>
      tpu.enqueue_dma source(%dma_start3A_1503 : memref<64xf32, #tpu.memory_space<vmem>>) target(%dma_start3A_1500 : memref<64xf32, #tpu.memory_space<hbm>>) target_semaphore(%run_scoped3A_1494 : memref<!tpu.dma_semaphore, #tpu.memory_space<semaphore_mem>>)
      %dma_wait3A = arith.constant 0 : i32
      %dma_wait3A_1504 = tpu.memref_slice %arg5[%run_scoped3A_1482, %dma_wait3A] : memref<8x64xf32, #tpu.memory_space<vmem>> -> memref<1x64xf32, #tpu.memory_space<vmem>>
      %dma_wait3A_1505 = tpu.memref_squeeze %dma_wait3A_1504 : memref<1x64xf32, #tpu.memory_space<vmem>> -> memref<64xf32, #tpu.memory_space<vmem>>
      %dma_wait3A_1506 = tpu.memref_slice %arg3[%run_scoped3A_1483, %mul3A_2] : memref<8x2048xf32, #tpu.memory_space<hbm>> -> memref<1x64xf32, #tpu.memory_space<hbm>>
      %dma_wait3A_1507 = tpu.memref_squeeze %dma_wait3A_1506 : memref<1x64xf32, #tpu.memory_space<hbm>> -> memref<64xf32, #tpu.memory_space<hbm>>
      %dma_wait3A_1508 = tpu.memref_slice %arg3[%run_scoped3A_1483, %mul3A_2] : memref<8x2048xf32, #tpu.memory_space<hbm>> -> memref<1x64xf32, #tpu.memory_space<hbm>>
      %dma_wait3A_1509 = tpu.memref_squeeze %dma_wait3A_1508 : memref<1x64xf32, #tpu.memory_space<hbm>> -> memref<64xf32, #tpu.memory_space<hbm>>
      %dma_wait3A_1510 = arith.constant 0 : i32
      %dma_wait3A_1511 = tpu.memref_slice %arg5[%run_scoped3A_1482, %dma_wait3A_1510] : memref<8x64xf32, #tpu.memory_space<vmem>> -> memref<1x64xf32, #tpu.memory_space<vmem>>
      %dma_wait3A_1512 = tpu.memref_squeeze %dma_wait3A_1511 : memref<1x64xf32, #tpu.memory_space<vmem>> -> memref<64xf32, #tpu.memory_space<vmem>>
      tpu.wait_dma2 semaphore(%run_scoped3A_1494 : memref<!tpu.dma_semaphore, #tpu.memory_space<semaphore_mem>>) src(%dma_wait3A_1512 : memref<64xf32, #tpu.memory_space<vmem>>) dst(%dma_wait3A_1509 : memref<64xf32, #tpu.memory_space<hbm>>)
      tpu.yield
    }) : () -> ()
    %run_scoped3A_1484 = arith.constant 3 : i32
    %run_scoped3A_1485 = arith.constant 3 : i32
    "tpu.region"() ({
      %run_scoped3A_1494 = tpu.sem_alloc : memref<!tpu.dma_semaphore, #tpu.memory_space<semaphore_mem>>
      %dma_start3A = arith.constant 0 : i32
      %dma_start3A_1495 = tpu.memref_slice %arg5[%run_scoped3A_1484, %dma_start3A] : memref<8x64xf32, #tpu.memory_space<vmem>> -> memref<1x64xf32, #tpu.memory_space<vmem>>
      %dma_start3A_1496 = tpu.memref_squeeze %dma_start3A_1495 : memref<1x64xf32, #tpu.memory_space<vmem>> -> memref<64xf32, #tpu.memory_space<vmem>>
      %dma_start3A_1497 = tpu.memref_slice %arg3[%run_scoped3A_1485, %mul3A_2] : memref<8x2048xf32, #tpu.memory_space<hbm>> -> memref<1x64xf32, #tpu.memory_space<hbm>>
      %dma_start3A_1498 = tpu.memref_squeeze %dma_start3A_1497 : memref<1x64xf32, #tpu.memory_space<hbm>> -> memref<64xf32, #tpu.memory_space<hbm>>
      %dma_start3A_1499 = tpu.memref_slice %arg3[%run_scoped3A_1485, %mul3A_2] : memref<8x2048xf32, #tpu.memory_space<hbm>> -> memref<1x64xf32, #tpu.memory_space<hbm>>
      %dma_start3A_1500 = tpu.memref_squeeze %dma_start3A_1499 : memref<1x64xf32, #tpu.memory_space<hbm>> -> memref<64xf32, #tpu.memory_space<hbm>>
      %dma_start3A_1501 = arith.constant 0 : i32
      %dma_start3A_1502 = tpu.memref_slice %arg5[%run_scoped3A_1484, %dma_start3A_1501] : memref<8x64xf32, #tpu.memory_space<vmem>> -> memref<1x64xf32, #tpu.memory_space<vmem>>
      %dma_start3A_1503 = tpu.memref_squeeze %dma_start3A_1502 : memref<1x64xf32, #tpu.memory_space<vmem>> -> memref<64xf32, #tpu.memory_space<vmem>>
      tpu.enqueue_dma source(%dma_start3A_1503 : memref<64xf32, #tpu.memory_space<vmem>>) target(%dma_start3A_1500 : memref<64xf32, #tpu.memory_space<hbm>>) target_semaphore(%run_scoped3A_1494 : memref<!tpu.dma_semaphore, #tpu.memory_space<semaphore_mem>>)
      %dma_wait3A = arith.constant 0 : i32
      %dma_wait3A_1504 = tpu.memref_slice %arg5[%run_scoped3A_1484, %dma_wait3A] : memref<8x64xf32, #tpu.memory_space<vmem>> -> memref<1x64xf32, #tpu.memory_space<vmem>>
      %dma_wait3A_1505 = tpu.memref_squeeze %dma_wait3A_1504 : memref<1x64xf32, #tpu.memory_space<vmem>> -> memref<64xf32, #tpu.memory_space<vmem>>
      %dma_wait3A_1506 = tpu.memref_slice %arg3[%run_scoped3A_1485, %mul3A_2] : memref<8x2048xf32, #tpu.memory_space<hbm>> -> memref<1x64xf32, #tpu.memory_space<hbm>>
      %dma_wait3A_1507 = tpu.memref_squeeze %dma_wait3A_1506 : memref<1x64xf32, #tpu.memory_space<hbm>> -> memref<64xf32, #tpu.memory_space<hbm>>
      %dma_wait3A_1508 = tpu.memref_slice %arg3[%run_scoped3A_1485, %mul3A_2] : memref<8x2048xf32, #tpu.memory_space<hbm>> -> memref<1x64xf32, #tpu.memory_space<hbm>>
      %dma_wait3A_1509 = tpu.memref_squeeze %dma_wait3A_1508 : memref<1x64xf32, #tpu.memory_space<hbm>> -> memref<64xf32, #tpu.memory_space<hbm>>
      %dma_wait3A_1510 = arith.constant 0 : i32
      %dma_wait3A_1511 = tpu.memref_slice %arg5[%run_scoped3A_1484, %dma_wait3A_1510] : memref<8x64xf32, #tpu.memory_space<vmem>> -> memref<1x64xf32, #tpu.memory_space<vmem>>
      %dma_wait3A_1512 = tpu.memref_squeeze %dma_wait3A_1511 : memref<1x64xf32, #tpu.memory_space<vmem>> -> memref<64xf32, #tpu.memory_space<vmem>>
      tpu.wait_dma2 semaphore(%run_scoped3A_1494 : memref<!tpu.dma_semaphore, #tpu.memory_space<semaphore_mem>>) src(%dma_wait3A_1512 : memref<64xf32, #tpu.memory_space<vmem>>) dst(%dma_wait3A_1509 : memref<64xf32, #tpu.memory_space<hbm>>)
      tpu.yield
    }) : () -> ()
    %run_scoped3A_1486 = arith.constant 4 : i32
    %run_scoped3A_1487 = arith.constant 4 : i32
    "tpu.region"() ({
      %run_scoped3A_1494 = tpu.sem_alloc : memref<!tpu.dma_semaphore, #tpu.memory_space<semaphore_mem>>
      %dma_start3A = arith.constant 0 : i32
      %dma_start3A_1495 = tpu.memref_slice %arg5[%run_scoped3A_1486, %dma_start3A] : memref<8x64xf32, #tpu.memory_space<vmem>> -> memref<1x64xf32, #tpu.memory_space<vmem>>
      %dma_start3A_1496 = tpu.memref_squeeze %dma_start3A_1495 : memref<1x64xf32, #tpu.memory_space<vmem>> -> memref<64xf32, #tpu.memory_space<vmem>>
      %dma_start3A_1497 = tpu.memref_slice %arg3[%run_scoped3A_1487, %mul3A_2] : memref<8x2048xf32, #tpu.memory_space<hbm>> -> memref<1x64xf32, #tpu.memory_space<hbm>>
      %dma_start3A_1498 = tpu.memref_squeeze %dma_start3A_1497 : memref<1x64xf32, #tpu.memory_space<hbm>> -> memref<64xf32, #tpu.memory_space<hbm>>
      %dma_start3A_1499 = tpu.memref_slice %arg3[%run_scoped3A_1487, %mul3A_2] : memref<8x2048xf32, #tpu.memory_space<hbm>> -> memref<1x64xf32, #tpu.memory_space<hbm>>
      %dma_start3A_1500 = tpu.memref_squeeze %dma_start3A_1499 : memref<1x64xf32, #tpu.memory_space<hbm>> -> memref<64xf32, #tpu.memory_space<hbm>>
      %dma_start3A_1501 = arith.constant 0 : i32
      %dma_start3A_1502 = tpu.memref_slice %arg5[%run_scoped3A_1486, %dma_start3A_1501] : memref<8x64xf32, #tpu.memory_space<vmem>> -> memref<1x64xf32, #tpu.memory_space<vmem>>
      %dma_start3A_1503 = tpu.memref_squeeze %dma_start3A_1502 : memref<1x64xf32, #tpu.memory_space<vmem>> -> memref<64xf32, #tpu.memory_space<vmem>>
      tpu.enqueue_dma source(%dma_start3A_1503 : memref<64xf32, #tpu.memory_space<vmem>>) target(%dma_start3A_1500 : memref<64xf32, #tpu.memory_space<hbm>>) target_semaphore(%run_scoped3A_1494 : memref<!tpu.dma_semaphore, #tpu.memory_space<semaphore_mem>>)
      %dma_wait3A = arith.constant 0 : i32
      %dma_wait3A_1504 = tpu.memref_slice %arg5[%run_scoped3A_1486, %dma_wait3A] : memref<8x64xf32, #tpu.memory_space<vmem>> -> memref<1x64xf32, #tpu.memory_space<vmem>>
      %dma_wait3A_1505 = tpu.memref_squeeze %dma_wait3A_1504 : memref<1x64xf32, #tpu.memory_space<vmem>> -> memref<64xf32, #tpu.memory_space<vmem>>
      %dma_wait3A_1506 = tpu.memref_slice %arg3[%run_scoped3A_1487, %mul3A_2] : memref<8x2048xf32, #tpu.memory_space<hbm>> -> memref<1x64xf32, #tpu.memory_space<hbm>>
      %dma_wait3A_1507 = tpu.memref_squeeze %dma_wait3A_1506 : memref<1x64xf32, #tpu.memory_space<hbm>> -> memref<64xf32, #tpu.memory_space<hbm>>
      %dma_wait3A_1508 = tpu.memref_slice %arg3[%run_scoped3A_1487, %mul3A_2] : memref<8x2048xf32, #tpu.memory_space<hbm>> -> memref<1x64xf32, #tpu.memory_space<hbm>>
      %dma_wait3A_1509 = tpu.memref_squeeze %dma_wait3A_1508 : memref<1x64xf32, #tpu.memory_space<hbm>> -> memref<64xf32, #tpu.memory_space<hbm>>
      %dma_wait3A_1510 = arith.constant 0 : i32
      %dma_wait3A_1511 = tpu.memref_slice %arg5[%run_scoped3A_1486, %dma_wait3A_1510] : memref<8x64xf32, #tpu.memory_space<vmem>> -> memref<1x64xf32, #tpu.memory_space<vmem>>
      %dma_wait3A_1512 = tpu.memref_squeeze %dma_wait3A_1511 : memref<1x64xf32, #tpu.memory_space<vmem>> -> memref<64xf32, #tpu.memory_space<vmem>>
      tpu.wait_dma2 semaphore(%run_scoped3A_1494 : memref<!tpu.dma_semaphore, #tpu.memory_space<semaphore_mem>>) src(%dma_wait3A_1512 : memref<64xf32, #tpu.memory_space<vmem>>) dst(%dma_wait3A_1509 : memref<64xf32, #tpu.memory_space<hbm>>)
      tpu.yield
    }) : () -> ()
    %run_scoped3A_1488 = arith.constant 5 : i32
    %run_scoped3A_1489 = arith.constant 5 : i32
    "tpu.region"() ({
      %run_scoped3A_1494 = tpu.sem_alloc : memref<!tpu.dma_semaphore, #tpu.memory_space<semaphore_mem>>
      %dma_start3A = arith.constant 0 : i32
      %dma_start3A_1495 = tpu.memref_slice %arg5[%run_scoped3A_1488, %dma_start3A] : memref<8x64xf32, #tpu.memory_space<vmem>> -> memref<1x64xf32, #tpu.memory_space<vmem>>
      %dma_start3A_1496 = tpu.memref_squeeze %dma_start3A_1495 : memref<1x64xf32, #tpu.memory_space<vmem>> -> memref<64xf32, #tpu.memory_space<vmem>>
      %dma_start3A_1497 = tpu.memref_slice %arg3[%run_scoped3A_1489, %mul3A_2] : memref<8x2048xf32, #tpu.memory_space<hbm>> -> memref<1x64xf32, #tpu.memory_space<hbm>>
      %dma_start3A_1498 = tpu.memref_squeeze %dma_start3A_1497 : memref<1x64xf32, #tpu.memory_space<hbm>> -> memref<64xf32, #tpu.memory_space<hbm>>
      %dma_start3A_1499 = tpu.memref_slice %arg3[%run_scoped3A_1489, %mul3A_2] : memref<8x2048xf32, #tpu.memory_space<hbm>> -> memref<1x64xf32, #tpu.memory_space<hbm>>
      %dma_start3A_1500 = tpu.memref_squeeze %dma_start3A_1499 : memref<1x64xf32, #tpu.memory_space<hbm>> -> memref<64xf32, #tpu.memory_space<hbm>>
      %dma_start3A_1501 = arith.constant 0 : i32
      %dma_start3A_1502 = tpu.memref_slice %arg5[%run_scoped3A_1488, %dma_start3A_1501] : memref<8x64xf32, #tpu.memory_space<vmem>> -> memref<1x64xf32, #tpu.memory_space<vmem>>
      %dma_start3A_1503 = tpu.memref_squeeze %dma_start3A_1502 : memref<1x64xf32, #tpu.memory_space<vmem>> -> memref<64xf32, #tpu.memory_space<vmem>>
      tpu.enqueue_dma source(%dma_start3A_1503 : memref<64xf32, #tpu.memory_space<vmem>>) target(%dma_start3A_1500 : memref<64xf32, #tpu.memory_space<hbm>>) target_semaphore(%run_scoped3A_1494 : memref<!tpu.dma_semaphore, #tpu.memory_space<semaphore_mem>>)
      %dma_wait3A = arith.constant 0 : i32
      %dma_wait3A_1504 = tpu.memref_slice %arg5[%run_scoped3A_1488, %dma_wait3A] : memref<8x64xf32, #tpu.memory_space<vmem>> -> memref<1x64xf32, #tpu.memory_space<vmem>>
      %dma_wait3A_1505 = tpu.memref_squeeze %dma_wait3A_1504 : memref<1x64xf32, #tpu.memory_space<vmem>> -> memref<64xf32, #tpu.memory_space<vmem>>
      %dma_wait3A_1506 = tpu.memref_slice %arg3[%run_scoped3A_1489, %mul3A_2] : memref<8x2048xf32, #tpu.memory_space<hbm>> -> memref<1x64xf32, #tpu.memory_space<hbm>>
      %dma_wait3A_1507 = tpu.memref_squeeze %dma_wait3A_1506 : memref<1x64xf32, #tpu.memory_space<hbm>> -> memref<64xf32, #tpu.memory_space<hbm>>
      %dma_wait3A_1508 = tpu.memref_slice %arg3[%run_scoped3A_1489, %mul3A_2] : memref<8x2048xf32, #tpu.memory_space<hbm>> -> memref<1x64xf32, #tpu.memory_space<hbm>>
      %dma_wait3A_1509 = tpu.memref_squeeze %dma_wait3A_1508 : memref<1x64xf32, #tpu.memory_space<hbm>> -> memref<64xf32, #tpu.memory_space<hbm>>
      %dma_wait3A_1510 = arith.constant 0 : i32
      %dma_wait3A_1511 = tpu.memref_slice %arg5[%run_scoped3A_1488, %dma_wait3A_1510] : memref<8x64xf32, #tpu.memory_space<vmem>> -> memref<1x64xf32, #tpu.memory_space<vmem>>
      %dma_wait3A_1512 = tpu.memref_squeeze %dma_wait3A_1511 : memref<1x64xf32, #tpu.memory_space<vmem>> -> memref<64xf32, #tpu.memory_space<vmem>>
      tpu.wait_dma2 semaphore(%run_scoped3A_1494 : memref<!tpu.dma_semaphore, #tpu.memory_space<semaphore_mem>>) src(%dma_wait3A_1512 : memref<64xf32, #tpu.memory_space<vmem>>) dst(%dma_wait3A_1509 : memref<64xf32, #tpu.memory_space<hbm>>)
      tpu.yield
    }) : () -> ()
    %run_scoped3A_1490 = arith.constant 6 : i32
    %run_scoped3A_1491 = arith.constant 6 : i32
    "tpu.region"() ({
      %run_scoped3A_1494 = tpu.sem_alloc : memref<!tpu.dma_semaphore, #tpu.memory_space<semaphore_mem>>
      %dma_start3A = arith.constant 0 : i32
      %dma_start3A_1495 = tpu.memref_slice %arg5[%run_scoped3A_1490, %dma_start3A] : memref<8x64xf32, #tpu.memory_space<vmem>> -> memref<1x64xf32, #tpu.memory_space<vmem>>
      %dma_start3A_1496 = tpu.memref_squeeze %dma_start3A_1495 : memref<1x64xf32, #tpu.memory_space<vmem>> -> memref<64xf32, #tpu.memory_space<vmem>>
      %dma_start3A_1497 = tpu.memref_slice %arg3[%run_scoped3A_1491, %mul3A_2] : memref<8x2048xf32, #tpu.memory_space<hbm>> -> memref<1x64xf32, #tpu.memory_space<hbm>>
      %dma_start3A_1498 = tpu.memref_squeeze %dma_start3A_1497 : memref<1x64xf32, #tpu.memory_space<hbm>> -> memref<64xf32, #tpu.memory_space<hbm>>
      %dma_start3A_1499 = tpu.memref_slice %arg3[%run_scoped3A_1491, %mul3A_2] : memref<8x2048xf32, #tpu.memory_space<hbm>> -> memref<1x64xf32, #tpu.memory_space<hbm>>
      %dma_start3A_1500 = tpu.memref_squeeze %dma_start3A_1499 : memref<1x64xf32, #tpu.memory_space<hbm>> -> memref<64xf32, #tpu.memory_space<hbm>>
      %dma_start3A_1501 = arith.constant 0 : i32
      %dma_start3A_1502 = tpu.memref_slice %arg5[%run_scoped3A_1490, %dma_start3A_1501] : memref<8x64xf32, #tpu.memory_space<vmem>> -> memref<1x64xf32, #tpu.memory_space<vmem>>
      %dma_start3A_1503 = tpu.memref_squeeze %dma_start3A_1502 : memref<1x64xf32, #tpu.memory_space<vmem>> -> memref<64xf32, #tpu.memory_space<vmem>>
      tpu.enqueue_dma source(%dma_start3A_1503 : memref<64xf32, #tpu.memory_space<vmem>>) target(%dma_start3A_1500 : memref<64xf32, #tpu.memory_space<hbm>>) target_semaphore(%run_scoped3A_1494 : memref<!tpu.dma_semaphore, #tpu.memory_space<semaphore_mem>>)
      %dma_wait3A = arith.constant 0 : i32
      %dma_wait3A_1504 = tpu.memref_slice %arg5[%run_scoped3A_1490, %dma_wait3A] : memref<8x64xf32, #tpu.memory_space<vmem>> -> memref<1x64xf32, #tpu.memory_space<vmem>>
      %dma_wait3A_1505 = tpu.memref_squeeze %dma_wait3A_1504 : memref<1x64xf32, #tpu.memory_space<vmem>> -> memref<64xf32, #tpu.memory_space<vmem>>
      %dma_wait3A_1506 = tpu.memref_slice %arg3[%run_scoped3A_1491, %mul3A_2] : memref<8x2048xf32, #tpu.memory_space<hbm>> -> memref<1x64xf32, #tpu.memory_space<hbm>>
      %dma_wait3A_1507 = tpu.memref_squeeze %dma_wait3A_1506 : memref<1x64xf32, #tpu.memory_space<hbm>> -> memref<64xf32, #tpu.memory_space<hbm>>
      %dma_wait3A_1508 = tpu.memref_slice %arg3[%run_scoped3A_1491, %mul3A_2] : memref<8x2048xf32, #tpu.memory_space<hbm>> -> memref<1x64xf32, #tpu.memory_space<hbm>>
      %dma_wait3A_1509 = tpu.memref_squeeze %dma_wait3A_1508 : memref<1x64xf32, #tpu.memory_space<hbm>> -> memref<64xf32, #tpu.memory_space<hbm>>
      %dma_wait3A_1510 = arith.constant 0 : i32
      %dma_wait3A_1511 = tpu.memref_slice %arg5[%run_scoped3A_1490, %dma_wait3A_1510] : memref<8x64xf32, #tpu.memory_space<vmem>> -> memref<1x64xf32, #tpu.memory_space<vmem>>
      %dma_wait3A_1512 = tpu.memref_squeeze %dma_wait3A_1511 : memref<1x64xf32, #tpu.memory_space<vmem>> -> memref<64xf32, #tpu.memory_space<vmem>>
      tpu.wait_dma2 semaphore(%run_scoped3A_1494 : memref<!tpu.dma_semaphore, #tpu.memory_space<semaphore_mem>>) src(%dma_wait3A_1512 : memref<64xf32, #tpu.memory_space<vmem>>) dst(%dma_wait3A_1509 : memref<64xf32, #tpu.memory_space<hbm>>)
      tpu.yield
    }) : () -> ()
    %run_scoped3A_1492 = arith.constant 7 : i32
    %run_scoped3A_1493 = arith.constant 7 : i32
    "tpu.region"() ({
      %run_scoped3A_1494 = tpu.sem_alloc : memref<!tpu.dma_semaphore, #tpu.memory_space<semaphore_mem>>
      %dma_start3A = arith.constant 0 : i32
      %dma_start3A_1495 = tpu.memref_slice %arg5[%run_scoped3A_1492, %dma_start3A] : memref<8x64xf32, #tpu.memory_space<vmem>> -> memref<1x64xf32, #tpu.memory_space<vmem>>
      %dma_start3A_1496 = tpu.memref_squeeze %dma_start3A_1495 : memref<1x64xf32, #tpu.memory_space<vmem>> -> memref<64xf32, #tpu.memory_space<vmem>>
      %dma_start3A_1497 = tpu.memref_slice %arg3[%run_scoped3A_1493, %mul3A_2] : memref<8x2048xf32, #tpu.memory_space<hbm>> -> memref<1x64xf32, #tpu.memory_space<hbm>>
      %dma_start3A_1498 = tpu.memref_squeeze %dma_start3A_1497 : memref<1x64xf32, #tpu.memory_space<hbm>> -> memref<64xf32, #tpu.memory_space<hbm>>
      %dma_start3A_1499 = tpu.memref_slice %arg3[%run_scoped3A_1493, %mul3A_2] : memref<8x2048xf32, #tpu.memory_space<hbm>> -> memref<1x64xf32, #tpu.memory_space<hbm>>
      %dma_start3A_1500 = tpu.memref_squeeze %dma_start3A_1499 : memref<1x64xf32, #tpu.memory_space<hbm>> -> memref<64xf32, #tpu.memory_space<hbm>>
      %dma_start3A_1501 = arith.constant 0 : i32
      %dma_start3A_1502 = tpu.memref_slice %arg5[%run_scoped3A_1492, %dma_start3A_1501] : memref<8x64xf32, #tpu.memory_space<vmem>> -> memref<1x64xf32, #tpu.memory_space<vmem>>
      %dma_start3A_1503 = tpu.memref_squeeze %dma_start3A_1502 : memref<1x64xf32, #tpu.memory_space<vmem>> -> memref<64xf32, #tpu.memory_space<vmem>>
      tpu.enqueue_dma source(%dma_start3A_1503 : memref<64xf32, #tpu.memory_space<vmem>>) target(%dma_start3A_1500 : memref<64xf32, #tpu.memory_space<hbm>>) target_semaphore(%run_scoped3A_1494 : memref<!tpu.dma_semaphore, #tpu.memory_space<semaphore_mem>>)
      %dma_wait3A = arith.constant 0 : i32
      %dma_wait3A_1504 = tpu.memref_slice %arg5[%run_scoped3A_1492, %dma_wait3A] : memref<8x64xf32, #tpu.memory_space<vmem>> -> memref<1x64xf32, #tpu.memory_space<vmem>>
      %dma_wait3A_1505 = tpu.memref_squeeze %dma_wait3A_1504 : memref<1x64xf32, #tpu.memory_space<vmem>> -> memref<64xf32, #tpu.memory_space<vmem>>
      %dma_wait3A_1506 = tpu.memref_slice %arg3[%run_scoped3A_1493, %mul3A_2] : memref<8x2048xf32, #tpu.memory_space<hbm>> -> memref<1x64xf32, #tpu.memory_space<hbm>>
      %dma_wait3A_1507 = tpu.memref_squeeze %dma_wait3A_1506 : memref<1x64xf32, #tpu.memory_space<hbm>> -> memref<64xf32, #tpu.memory_space<hbm>>
      %dma_wait3A_1508 = tpu.memref_slice %arg3[%run_scoped3A_1493, %mul3A_2] : memref<8x2048xf32, #tpu.memory_space<hbm>> -> memref<1x64xf32, #tpu.memory_space<hbm>>
      %dma_wait3A_1509 = tpu.memref_squeeze %dma_wait3A_1508 : memref<1x64xf32, #tpu.memory_space<hbm>> -> memref<64xf32, #tpu.memory_space<hbm>>
      %dma_wait3A_1510 = arith.constant 0 : i32
      %dma_wait3A_1511 = tpu.memref_slice %arg5[%run_scoped3A_1492, %dma_wait3A_1510] : memref<8x64xf32, #tpu.memory_space<vmem>> -> memref<1x64xf32, #tpu.memory_space<vmem>>
      %dma_wait3A_1512 = tpu.memref_squeeze %dma_wait3A_1511 : memref<1x64xf32, #tpu.memory_space<vmem>> -> memref<64xf32, #tpu.memory_space<vmem>>
      tpu.wait_dma2 semaphore(%run_scoped3A_1494 : memref<!tpu.dma_semaphore, #tpu.memory_space<semaphore_mem>>) src(%dma_wait3A_1512 : memref<64xf32, #tpu.memory_space<vmem>>) dst(%dma_wait3A_1509 : memref<64xf32, #tpu.memory_space<hbm>>)
      tpu.yield
    }) : () -> ()
    return
  }
}

module attributes {stable_mosaic.version = 14 : i64} {
  func.func @_qkv_body(%arg0: i32, %arg1: memref<512x1024xf32, #tpu.memory_space<vmem>>, %arg2: memref<1024x1024xbf16, #tpu.memory_space<vmem>>, %arg3: memref<1024x1024xbf16, #tpu.memory_space<vmem>>, %arg4: memref<1024x1024xbf16, #tpu.memory_space<vmem>>, %arg5: memref<1024x1xf32, #tpu.memory_space<vmem>>, %arg6: memref<1024x512xbf16, #tpu.memory_space<vmem>>, %arg7: memref<1024x512xbf16, #tpu.memory_space<vmem>>, %arg8: memref<1024x512xbf16, #tpu.memory_space<vmem>>, %arg9: memref<16x64x512xbf16, #tpu.memory_space<vmem>>, %arg10: memref<16x64x512xbf16, #tpu.memory_space<vmem>>, %arg11: memref<16x64x512xbf16, #tpu.memory_space<vmem>>) attributes {dimension_semantics = [#tpu.dimension_semantics<arbitrary>], iteration_bounds = array<i64: 4>, scalar_prefetch = 0 : i64, scratch_operands = 0 : i64, tpu.core_type = #tpu.core_type<tc>, window_params = [{transform_indices = @transform_0, window_bounds = array<i64: 512, 1024>}, {pipeline_mode = #tpu.pipeline_mode<synchronous>, transform_indices = @transform_1, window_bounds = array<i64: 1024, 1024>}, {pipeline_mode = #tpu.pipeline_mode<synchronous>, transform_indices = @transform_2, window_bounds = array<i64: 1024, 1024>}, {pipeline_mode = #tpu.pipeline_mode<synchronous>, transform_indices = @transform_3, window_bounds = array<i64: 1024, 1024>}, {pipeline_mode = #tpu.pipeline_mode<synchronous>, transform_indices = @transform_4, window_bounds = array<i64: 1024, 1>}, {transform_indices = @transform_5, window_bounds = array<i64: 1024, 512>}, {transform_indices = @transform_6, window_bounds = array<i64: 1024, 512>}, {transform_indices = @transform_7, window_bounds = array<i64: 1024, 512>}, {transform_indices = @transform_8, window_bounds = array<i64: 16, 64, 512>}, {transform_indices = @transform_9, window_bounds = array<i64: 16, 64, 512>}, {transform_indices = @transform_10, window_bounds = array<i64: 16, 64, 512>}]} {
    %get3A = arith.constant 0 : index
    %get3A_0 = arith.constant 0 : index
    %get3A_1 = vector.load %arg1[%get3A, %get3A_0] : memref<512x1024xf32, #tpu.memory_space<vmem>>, vector<512x1024xf32>
    %transpose3A = tpu.transpose %get3A_1, [1, 0] : vector<512x1024xf32> -> vector<1024x512xf32>
    %mul3A = arith.mulf %transpose3A, %transpose3A : vector<1024x512xf32>
    %reduce_sum3A = arith.constant dense<0.000000e+00> : vector<512xf32>
    %reduce_sum3A_2 = vector.multi_reduction <add>, %mul3A, %reduce_sum3A [0] : vector<1024x512xf32> to vector<512xf32>
    %broadcast_in_dim3A = vector.shape_cast %reduce_sum3A_2 : vector<512xf32> to vector<1x512xf32>
    %div3A = arith.constant 1.024000e+03 : f32
    %div3A_3 = vector.broadcast %div3A : f32 to vector<1x512xf32>
    %div3A_4 = arith.divf %broadcast_in_dim3A, %div3A_3 : vector<1x512xf32>
    %add3A = arith.constant 9.99999997E-7 : f32
    %add3A_5 = vector.broadcast %add3A : f32 to vector<1x512xf32>
    %add3A_6 = arith.addf %div3A_4, %add3A_5 : vector<1x512xf32>
    %rsqrt3A = math.rsqrt %add3A_6 : vector<1x512xf32>
    %mul3A_7 = vector.broadcast %rsqrt3A : vector<1x512xf32> to vector<1024x512xf32>
    %mul3A_8 = arith.mulf %transpose3A, %mul3A_7 : vector<1024x512xf32>
    %get3A_9 = arith.constant 0 : index
    %get3A_10 = arith.constant 0 : index
    %get3A_11 = vector.load %arg5[%get3A_9, %get3A_10] : memref<1024x1xf32, #tpu.memory_space<vmem>>, vector<1024x1xf32>
    %mul3A_12 = vector.broadcast %get3A_11 : vector<1024x1xf32> to vector<1024x512xf32>
    %mul3A_13 = arith.mulf %mul3A_8, %mul3A_12 : vector<1024x512xf32>
    %convert_element_type3A = arith.truncf %mul3A_13 : vector<1024x512xf32> to vector<1024x512xbf16>
    %get3A_14 = arith.constant 0 : index
    %get3A_15 = arith.constant 0 : index
    %get3A_16 = vector.load %arg6[%get3A_14, %get3A_15] : memref<1024x512xbf16, #tpu.memory_space<vmem>>, vector<1024x512xbf16>
    %convert_element_type3A_17 = arith.extf %get3A_16 : vector<1024x512xbf16> to vector<1024x512xf32>
    %get3A_18 = arith.constant 0 : index
    %get3A_19 = arith.constant 0 : index
    %get3A_20 = vector.load %arg7[%get3A_18, %get3A_19] : memref<1024x512xbf16, #tpu.memory_space<vmem>>, vector<1024x512xbf16>
    %convert_element_type3A_21 = arith.extf %get3A_20 : vector<1024x512xbf16> to vector<1024x512xf32>
    %get3A_22 = arith.constant 0 : index
    %get3A_23 = arith.constant 0 : index
    %get3A_24 = vector.load %arg8[%get3A_22, %get3A_23] : memref<1024x512xbf16, #tpu.memory_space<vmem>>, vector<1024x512xbf16>
    %convert_element_type3A_25 = arith.extf %get3A_24 : vector<1024x512xbf16> to vector<1024x512xf32>
    %get3A_26 = arith.constant 0 : index
    %get3A_27 = arith.constant 0 : index
    %get3A_28 = vector.load %arg2[%get3A_26, %get3A_27] : memref<1024x1024xbf16, #tpu.memory_space<vmem>>, vector<1024x1024xbf16>
    %dot_general3A = arith.constant dense<0.000000e+00> : vector<1024x512xf32>
    %dot_general3A_29 = tpu.matmul %get3A_28, %convert_element_type3A, %dot_general3A {dimension_numbers = #tpu.dot_dimension_numbers<[0], [0], [1], [1], [0, 1, 1, 1], [], []>, transpose_lhs_hint = false} : vector<1024x1024xbf16>, vector<1024x512xbf16>, vector<1024x512xf32> -> vector<1024x512xf32>
    %get3A_30 = arith.constant 0 : index
    %get3A_31 = arith.constant 0 : index
    %get3A_32 = vector.load %arg3[%get3A_30, %get3A_31] : memref<1024x1024xbf16, #tpu.memory_space<vmem>>, vector<1024x1024xbf16>
    %dot_general3A_33 = arith.constant dense<0.000000e+00> : vector<1024x512xf32>
    %dot_general3A_34 = tpu.matmul %get3A_32, %convert_element_type3A, %dot_general3A_33 {dimension_numbers = #tpu.dot_dimension_numbers<[0], [0], [1], [1], [0, 1, 1, 1], [], []>, transpose_lhs_hint = false} : vector<1024x1024xbf16>, vector<1024x512xbf16>, vector<1024x512xf32> -> vector<1024x512xf32>
    %get3A_35 = arith.constant 0 : index
    %get3A_36 = arith.constant 0 : index
    %get3A_37 = vector.load %arg4[%get3A_35, %get3A_36] : memref<1024x1024xbf16, #tpu.memory_space<vmem>>, vector<1024x1024xbf16>
    %dot_general3A_38 = arith.constant dense<0.000000e+00> : vector<1024x512xf32>
    %dot_general3A_39 = tpu.matmul %get3A_37, %convert_element_type3A, %dot_general3A_38 {dimension_numbers = #tpu.dot_dimension_numbers<[0], [0], [1], [1], [0, 1, 1, 1], [], []>, transpose_lhs_hint = false} : vector<1024x1024xbf16>, vector<1024x512xbf16>, vector<1024x512xf32> -> vector<1024x512xf32>
    %roll3A = arith.constant 992 : i32
    %roll3A_40 = tpu.dynamic_rotate %dot_general3A_29 by %roll3A dim 0 : vector<1024x512xf32>, i32 -> vector<1024x512xf32>
    %roll3A_41 = arith.constant 32 : i32
    %roll3A_42 = tpu.dynamic_rotate %dot_general3A_29 by %roll3A_41 dim 0 : vector<1024x512xf32>, i32 -> vector<1024x512xf32>
    %mul3A_43 = arith.mulf %dot_general3A_29, %convert_element_type3A_17 : vector<1024x512xf32>
    %mul3A_44 = arith.mulf %roll3A_40, %convert_element_type3A_21 : vector<1024x512xf32>
    %add3A_45 = arith.addf %mul3A_43, %mul3A_44 : vector<1024x512xf32>
    %mul3A_46 = arith.mulf %roll3A_42, %convert_element_type3A_25 : vector<1024x512xf32>
    %add3A_47 = arith.addf %add3A_45, %mul3A_46 : vector<1024x512xf32>
    %mul3A_48 = arith.constant 0.180336878 : f32
    %mul3A_49 = vector.broadcast %mul3A_48 : f32 to vector<1024x512xf32>
    %mul3A_50 = arith.mulf %add3A_47, %mul3A_49 : vector<1024x512xf32>
    %convert_element_type3A_51 = arith.truncf %mul3A_50 : vector<1024x512xf32> to vector<1024x512xbf16>
    %reshape3A = vector.shape_cast %convert_element_type3A_51 : vector<1024x512xbf16> to vector<16x64x512xbf16>
    %swap3A = arith.constant 0 : index
    %swap3A_52 = arith.constant 0 : index
    %swap3A_53 = arith.constant 0 : index
    %swap3A_54 = vector.load %arg9[%swap3A, %swap3A_52, %swap3A_53] : memref<16x64x512xbf16, #tpu.memory_space<vmem>>, vector<16x64x512xbf16>
    tpu.vector_store %arg9[%swap3A, %swap3A_52, %swap3A_53], %reshape3A {strides = array<i32>} : memref<16x64x512xbf16, #tpu.memory_space<vmem>>, vector<16x64x512xbf16>,
    %roll3A_55 = arith.constant 992 : i32
    %roll3A_56 = tpu.dynamic_rotate %dot_general3A_34 by %roll3A_55 dim 0 : vector<1024x512xf32>, i32 -> vector<1024x512xf32>
    %roll3A_57 = arith.constant 32 : i32
    %roll3A_58 = tpu.dynamic_rotate %dot_general3A_34 by %roll3A_57 dim 0 : vector<1024x512xf32>, i32 -> vector<1024x512xf32>
    %mul3A_59 = arith.mulf %dot_general3A_34, %convert_element_type3A_17 : vector<1024x512xf32>
    %mul3A_60 = arith.mulf %roll3A_56, %convert_element_type3A_21 : vector<1024x512xf32>
    %add3A_61 = arith.addf %mul3A_59, %mul3A_60 : vector<1024x512xf32>
    %mul3A_62 = arith.mulf %roll3A_58, %convert_element_type3A_25 : vector<1024x512xf32>
    %add3A_63 = arith.addf %add3A_61, %mul3A_62 : vector<1024x512xf32>
    %convert_element_type3A_64 = arith.truncf %add3A_63 : vector<1024x512xf32> to vector<1024x512xbf16>
    %reshape3A_65 = vector.shape_cast %convert_element_type3A_64 : vector<1024x512xbf16> to vector<16x64x512xbf16>
    %swap3A_66 = arith.constant 0 : index
    %swap3A_67 = arith.constant 0 : index
    %swap3A_68 = arith.constant 0 : index
    %swap3A_69 = vector.load %arg10[%swap3A_66, %swap3A_67, %swap3A_68] : memref<16x64x512xbf16, #tpu.memory_space<vmem>>, vector<16x64x512xbf16>
    tpu.vector_store %arg10[%swap3A_66, %swap3A_67, %swap3A_68], %reshape3A_65 {strides = array<i32>} : memref<16x64x512xbf16, #tpu.memory_space<vmem>>, vector<16x64x512xbf16>,
    %convert_element_type3A_70 = arith.truncf %dot_general3A_39 : vector<1024x512xf32> to vector<1024x512xbf16>
    %reshape3A_71 = vector.shape_cast %convert_element_type3A_70 : vector<1024x512xbf16> to vector<16x64x512xbf16>
    %swap3A_72 = arith.constant 0 : index
    %swap3A_73 = arith.constant 0 : index
    %swap3A_74 = arith.constant 0 : index
    %swap3A_75 = vector.load %arg11[%swap3A_72, %swap3A_73, %swap3A_74] : memref<16x64x512xbf16, #tpu.memory_space<vmem>>, vector<16x64x512xbf16>
    tpu.vector_store %arg11[%swap3A_72, %swap3A_73, %swap3A_74], %reshape3A_71 {strides = array<i32>} : memref<16x64x512xbf16, #tpu.memory_space<vmem>>, vector<16x64x512xbf16>,
    return
  }
  func.func @transform_0(%arg0: i32) -> (i32, i32) {
    %c0_i32 = arith.constant 0 : i32
    %c0_i32_0 = arith.constant 0 : i32
    return %arg0, %c0_i32 : i32, i32
  }
  func.func @transform_1(%arg0: i32) -> (i32, i32) {
    %c0_i32 = arith.constant 0 : i32
    %c0_i32_0 = arith.constant 0 : i32
    %c0_i32_1 = arith.constant 0 : i32
    return %c0_i32, %c0_i32_0 : i32, i32
  }
  func.func @transform_2(%arg0: i32) -> (i32, i32) {
    %c0_i32 = arith.constant 0 : i32
    %c0_i32_0 = arith.constant 0 : i32
    %c0_i32_1 = arith.constant 0 : i32
    return %c0_i32, %c0_i32_0 : i32, i32
  }
  func.func @transform_3(%arg0: i32) -> (i32, i32) {
    %c0_i32 = arith.constant 0 : i32
    %c0_i32_0 = arith.constant 0 : i32
    %c0_i32_1 = arith.constant 0 : i32
    return %c0_i32, %c0_i32_0 : i32, i32
  }
  func.func @transform_4(%arg0: i32) -> (i32, i32) {
    %c0_i32 = arith.constant 0 : i32
    %c0_i32_0 = arith.constant 0 : i32
    %c0_i32_1 = arith.constant 0 : i32
    return %c0_i32, %c0_i32_0 : i32, i32
  }
  func.func @transform_5(%arg0: i32) -> (i32, i32) {
    %c0_i32 = arith.constant 0 : i32
    %c0_i32_0 = arith.constant 0 : i32
    return %c0_i32, %arg0 : i32, i32
  }
  func.func @transform_6(%arg0: i32) -> (i32, i32) {
    %c0_i32 = arith.constant 0 : i32
    %c0_i32_0 = arith.constant 0 : i32
    return %c0_i32, %arg0 : i32, i32
  }
  func.func @transform_7(%arg0: i32) -> (i32, i32) {
    %c0_i32 = arith.constant 0 : i32
    %c0_i32_0 = arith.constant 0 : i32
    return %c0_i32, %arg0 : i32, i32
  }
  func.func @transform_8(%arg0: i32) -> (i32, i32, i32) {
    %c0_i32 = arith.constant 0 : i32
    %c0_i32_0 = arith.constant 0 : i32
    %c0_i32_1 = arith.constant 0 : i32
    return %c0_i32, %c0_i32_0, %arg0 : i32, i32, i32
  }
  func.func @transform_9(%arg0: i32) -> (i32, i32, i32) {
    %c0_i32 = arith.constant 0 : i32
    %c0_i32_0 = arith.constant 0 : i32
    %c0_i32_1 = arith.constant 0 : i32
    return %c0_i32, %c0_i32_0, %arg0 : i32, i32, i32
  }
  func.func @transform_10(%arg0: i32) -> (i32, i32, i32) {
    %c0_i32 = arith.constant 0 : i32
    %c0_i32_0 = arith.constant 0 : i32
    %c0_i32_1 = arith.constant 0 : i32
    return %c0_i32, %c0_i32_0, %arg0 : i32, i32, i32
  }
}

module attributes {stable_mosaic.version = 14 : i64} {
  func.func @_attn_body(%arg0: i32, %arg1: i32, %arg2: memref<1x64x512xbf16, #tpu.memory_space<vmem>>, %arg3: memref<1x64x2048xbf16, #tpu.memory_space<vmem>>, %arg4: memref<1x64x2048xbf16, #tpu.memory_space<vmem>>, %arg5: memref<1x64x512xbf16, #tpu.memory_space<vmem>>, %arg6: memref<1x512xf32, #tpu.memory_space<vmem>>, %arg7: memref<1x512xf32, #tpu.memory_space<vmem>>, %arg8: memref<64x512xf32, #tpu.memory_space<vmem>>) attributes {dimension_semantics = [#tpu.dimension_semantics<arbitrary>, #tpu.dimension_semantics<arbitrary>], iteration_bounds = array<i64: 16, 4>, scalar_prefetch = 0 : i64, scratch_operands = 3 : i64, tpu.core_type = #tpu.core_type<tc>, window_params = [{transform_indices = @transform_0, window_bounds = array<i64: 1, 64, 512>}, {transform_indices = @transform_1, window_bounds = array<i64: 1, 64, 2048>}, {transform_indices = @transform_2, window_bounds = array<i64: 1, 64, 2048>}, {transform_indices = @transform_3, window_bounds = array<i64: 1, 64, 512>}]} {
    %get3A = arith.constant 0 : index
    %get3A_0 = arith.constant 0 : index
    %get3A_1 = arith.constant 0 : index
    %get3A_2 = vector.load %arg2[%get3A, %get3A_0, %get3A_1] : memref<1x64x512xbf16, #tpu.memory_space<vmem>>, vector<1x64x512xbf16>
    %get3A_3 = vector.shape_cast %get3A_2 : vector<1x64x512xbf16> to vector<64x512xbf16>
    %broadcast_in_dim3A = arith.constant -1.000000e+09 : f32
    %broadcast_in_dim3A_4 = vector.broadcast %broadcast_in_dim3A : f32 to vector<1x512xf32>
    %swap3A = arith.constant 0 : index
    %swap3A_5 = arith.constant 0 : index
    %swap3A_6 = vector.load %arg6[%swap3A, %swap3A_5] : memref<1x512xf32, #tpu.memory_space<vmem>>, vector<1x512xf32>
    tpu.vector_store %arg6[%swap3A, %swap3A_5], %broadcast_in_dim3A_4 {strides = array<i32>} : memref<1x512xf32, #tpu.memory_space<vmem>>, vector<1x512xf32>,
    %broadcast_in_dim3A_7 = arith.constant 0.000000e+00 : f32
    %broadcast_in_dim3A_8 = vector.broadcast %broadcast_in_dim3A_7 : f32 to vector<1x512xf32>
    %swap3A_9 = arith.constant 0 : index
    %swap3A_10 = arith.constant 0 : index
    %swap3A_11 = vector.load %arg7[%swap3A_9, %swap3A_10] : memref<1x512xf32, #tpu.memory_space<vmem>>, vector<1x512xf32>
    tpu.vector_store %arg7[%swap3A_9, %swap3A_10], %broadcast_in_dim3A_8 {strides = array<i32>} : memref<1x512xf32, #tpu.memory_space<vmem>>, vector<1x512xf32>,
    %broadcast_in_dim3A_12 = arith.constant 0.000000e+00 : f32
    %broadcast_in_dim3A_13 = vector.broadcast %broadcast_in_dim3A_12 : f32 to vector<64x512xf32>
    %swap3A_14 = arith.constant 0 : index
    %swap3A_15 = arith.constant 0 : index
    %swap3A_16 = vector.load %arg8[%swap3A_14, %swap3A_15] : memref<64x512xf32, #tpu.memory_space<vmem>>, vector<64x512xf32>
    tpu.vector_store %arg8[%swap3A_14, %swap3A_15], %broadcast_in_dim3A_13 {strides = array<i32>} : memref<64x512xf32, #tpu.memory_space<vmem>>, vector<64x512xf32>,
    %mul3A = arith.constant 512 : i32
    %mul3A_17 = arith.muli %arg1, %mul3A : i32
    %iota3A = tpu.iota {dimensions = array<i32: 1>} : vector<512x512xi32>
    %add3A = vector.broadcast %mul3A_17 : i32 to vector<512x512xi32>
    %add3A_18 = arith.addi %add3A, %iota3A : vector<512x512xi32>
    %gt3A = arith.constant 0 : i32
    %gt3A_19 = arith.cmpi sgt, %arg1, %gt3A : i32
    %convert_element_type3A = arith.extui %gt3A_19 : i1 to i32
    %cond3A = arith.constant 0 : i32
    %cond3A_20 = arith.cmpi ne, %convert_element_type3A, %cond3A : i32
    scf.if %cond3A_20 {
      %get3A_69 = arith.constant 0 : index
      %get3A_70 = arith.constant 0 : index
      %get3A_71 = arith.constant 0 : index
      %get3A_72 = vector.load %arg3[%get3A_69, %get3A_70, %get3A_71] : memref<1x64x2048xbf16, #tpu.memory_space<vmem>>, vector<1x64x512xbf16>
      %get3A_73 = vector.shape_cast %get3A_72 : vector<1x64x512xbf16> to vector<64x512xbf16>
      %dot_general3A = arith.constant dense<0.000000e+00> : vector<512x512xf32>
      %dot_general3A_74 = tpu.matmul %get3A_73, %get3A_3, %dot_general3A {dimension_numbers = #tpu.dot_dimension_numbers<[0], [0], [1], [1], [0, 1, 1, 1], [], []>, transpose_lhs_hint = false} : vector<64x512xbf16>, vector<64x512xbf16>, vector<512x512xf32> -> vector<512x512xf32>
      %get3A_75 = arith.constant 0 : index
      %get3A_76 = arith.constant 0 : index
      %get3A_77 = vector.load %arg6[%get3A_75, %get3A_76] : memref<1x512xf32, #tpu.memory_space<vmem>>, vector<1x512xf32>
      %reduce_max3A = arith.constant dense<0xFF800000> : vector<512xf32>
      %reduce_max3A_78 = vector.multi_reduction <maximumf>, %dot_general3A_74, %reduce_max3A [0] : vector<512x512xf32> to vector<512xf32>
      %broadcast_in_dim3A_79 = vector.shape_cast %reduce_max3A_78 : vector<512xf32> to vector<1x512xf32>
      %max3A = arith.maximumf %get3A_77, %broadcast_in_dim3A_79 : vector<1x512xf32>
      %sub3A = arith.subf %get3A_77, %max3A : vector<1x512xf32>
      %exp23A = math.exp2 %sub3A : vector<1x512xf32>
      %sub3A_80 = vector.broadcast %max3A : vector<1x512xf32> to vector<512x512xf32>
      %sub3A_81 = arith.subf %dot_general3A_74, %sub3A_80 : vector<512x512xf32>
      %exp23A_82 = math.exp2 %sub3A_81 : vector<512x512xf32>
      %get3A_83 = arith.constant 0 : index
      %get3A_84 = arith.constant 0 : index
      %get3A_85 = vector.load %arg7[%get3A_83, %get3A_84] : memref<1x512xf32, #tpu.memory_space<vmem>>, vector<1x512xf32>
      %mul3A_86 = arith.mulf %get3A_85, %exp23A : vector<1x512xf32>
      %reduce_sum3A = arith.constant dense<0.000000e+00> : vector<512xf32>
      %reduce_sum3A_87 = vector.multi_reduction <add>, %exp23A_82, %reduce_sum3A [0] : vector<512x512xf32> to vector<512xf32>
      %broadcast_in_dim3A_88 = vector.shape_cast %reduce_sum3A_87 : vector<512xf32> to vector<1x512xf32>
      %add3A_89 = arith.addf %mul3A_86, %broadcast_in_dim3A_88 : vector<1x512xf32>
      %swap3A_90 = arith.constant 0 : index
      %swap3A_91 = arith.constant 0 : index
      %swap3A_92 = vector.load %arg7[%swap3A_90, %swap3A_91] : memref<1x512xf32, #tpu.memory_space<vmem>>, vector<1x512xf32>
      tpu.vector_store %arg7[%swap3A_90, %swap3A_91], %add3A_89 {strides = array<i32>} : memref<1x512xf32, #tpu.memory_space<vmem>>, vector<1x512xf32>,
      %get3A_93 = arith.constant 0 : index
      %get3A_94 = arith.constant 0 : index
      %get3A_95 = arith.constant 0 : index
      %get3A_96 = vector.load %arg4[%get3A_93, %get3A_94, %get3A_95] : memref<1x64x2048xbf16, #tpu.memory_space<vmem>>, vector<1x64x512xbf16>
      %get3A_97 = vector.shape_cast %get3A_96 : vector<1x64x512xbf16> to vector<64x512xbf16>
      %get3A_98 = arith.constant 0 : index
      %get3A_99 = arith.constant 0 : index
      %get3A_100 = vector.load %arg8[%get3A_98, %get3A_99] : memref<64x512xf32, #tpu.memory_space<vmem>>, vector<64x512xf32>
      %mul3A_101 = vector.broadcast %exp23A : vector<1x512xf32> to vector<64x512xf32>
      %mul3A_102 = arith.mulf %get3A_100, %mul3A_101 : vector<64x512xf32>
      %convert_element_type3A_103 = arith.truncf %exp23A_82 : vector<512x512xf32> to vector<512x512xbf16>
      %dot_general3A_104 = arith.constant dense<0.000000e+00> : vector<64x512xf32>
      %dot_general3A_105 = tpu.matmul %get3A_97, %convert_element_type3A_103, %dot_general3A_104 {dimension_numbers = #tpu.dot_dimension_numbers<[1], [0], [0], [1], [0, 0, 1, 1], [], []>, transpose_lhs_hint = false} : vector<64x512xbf16>, vector<512x512xbf16>, vector<64x512xf32> -> vector<64x512xf32>
      %add3A_106 = arith.addf %mul3A_102, %dot_general3A_105 : vector<64x512xf32>
      %swap3A_107 = arith.constant 0 : index
      %swap3A_108 = arith.constant 0 : index
      %swap3A_109 = vector.load %arg8[%swap3A_107, %swap3A_108] : memref<64x512xf32, #tpu.memory_space<vmem>>, vector<64x512xf32>
      tpu.vector_store %arg8[%swap3A_107, %swap3A_108], %add3A_106 {strides = array<i32>} : memref<64x512xf32, #tpu.memory_space<vmem>>, vector<64x512xf32>,
      %swap3A_110 = arith.constant 0 : index
      %swap3A_111 = arith.constant 0 : index
      %swap3A_112 = vector.load %arg6[%swap3A_110, %swap3A_111] : memref<1x512xf32, #tpu.memory_space<vmem>>, vector<1x512xf32>
      tpu.vector_store %arg6[%swap3A_110, %swap3A_111], %max3A {strides = array<i32>} : memref<1x512xf32, #tpu.memory_space<vmem>>, vector<1x512xf32>,
    } else {
    }
    %eq3A = arith.constant 0 : i32
    %eq3A_21 = arith.cmpi eq, %arg1, %eq3A : i32
    %convert_element_type3A_22 = arith.extui %eq3A_21 : i1 to i32
    %cond3A_23 = arith.constant 0 : i32
    %cond3A_24 = arith.cmpi ne, %convert_element_type3A_22, %cond3A_23 : i32
    scf.if %cond3A_24 {
      %get3A_69 = arith.constant 0 : index
      %get3A_70 = arith.constant 0 : index
      %get3A_71 = arith.constant 0 : index
      %get3A_72 = vector.load %arg3[%get3A_69, %get3A_70, %get3A_71] : memref<1x64x2048xbf16, #tpu.memory_space<vmem>>, vector<1x64x512xbf16>
      %get3A_73 = vector.shape_cast %get3A_72 : vector<1x64x512xbf16> to vector<64x512xbf16>
      %dot_general3A = arith.constant dense<0.000000e+00> : vector<512x512xf32>
      %dot_general3A_74 = tpu.matmul %get3A_73, %get3A_3, %dot_general3A {dimension_numbers = #tpu.dot_dimension_numbers<[0], [0], [1], [1], [0, 1, 1, 1], [], []>, transpose_lhs_hint = false} : vector<64x512xbf16>, vector<64x512xbf16>, vector<512x512xf32> -> vector<512x512xf32>
      %iota3A_75 = tpu.iota {dimensions = array<i32: 0>} : vector<512x512xi32>
      %add3A_76 = arith.constant 0 : i32
      %add3A_77 = vector.broadcast %add3A_76 : i32 to vector<512x512xi32>
      %add3A_78 = arith.addi %add3A_77, %iota3A_75 : vector<512x512xi32>
      %le3A = arith.cmpi sle, %add3A_78, %add3A_18 : vector<512x512xi32>
      %jit3A = arith.constant -1.000000e+09 : f32
      %broadcast_in_dim3A_79 = vector.broadcast %jit3A : f32 to vector<512x512xf32>
      %select_n3A = arith.select %le3A, %dot_general3A_74, %broadcast_in_dim3A_79 : vector<512x512xi1>, vector<512x512xf32>
      %get3A_80 = arith.constant 0 : index
      %get3A_81 = arith.constant 0 : index
      %get3A_82 = vector.load %arg6[%get3A_80, %get3A_81] : memref<1x512xf32, #tpu.memory_space<vmem>>, vector<1x512xf32>
      %reduce_max3A = arith.constant dense<0xFF800000> : vector<512xf32>
      %reduce_max3A_83 = vector.multi_reduction <maximumf>, %select_n3A, %reduce_max3A [0] : vector<512x512xf32> to vector<512xf32>
      %broadcast_in_dim3A_84 = vector.shape_cast %reduce_max3A_83 : vector<512xf32> to vector<1x512xf32>
      %max3A = arith.maximumf %get3A_82, %broadcast_in_dim3A_84 : vector<1x512xf32>
      %sub3A = arith.subf %get3A_82, %max3A : vector<1x512xf32>
      %exp23A = math.exp2 %sub3A : vector<1x512xf32>
      %sub3A_85 = vector.broadcast %max3A : vector<1x512xf32> to vector<512x512xf32>
      %sub3A_86 = arith.subf %select_n3A, %sub3A_85 : vector<512x512xf32>
      %exp23A_87 = math.exp2 %sub3A_86 : vector<512x512xf32>
      %get3A_88 = arith.constant 0 : index
      %get3A_89 = arith.constant 0 : index
      %get3A_90 = vector.load %arg7[%get3A_88, %get3A_89] : memref<1x512xf32, #tpu.memory_space<vmem>>, vector<1x512xf32>
      %mul3A_91 = arith.mulf %get3A_90, %exp23A : vector<1x512xf32>
      %reduce_sum3A = arith.constant dense<0.000000e+00> : vector<512xf32>
      %reduce_sum3A_92 = vector.multi_reduction <add>, %exp23A_87, %reduce_sum3A [0] : vector<512x512xf32> to vector<512xf32>
      %broadcast_in_dim3A_93 = vector.shape_cast %reduce_sum3A_92 : vector<512xf32> to vector<1x512xf32>
      %add3A_94 = arith.addf %mul3A_91, %broadcast_in_dim3A_93 : vector<1x512xf32>
      %swap3A_95 = arith.constant 0 : index
      %swap3A_96 = arith.constant 0 : index
      %swap3A_97 = vector.load %arg7[%swap3A_95, %swap3A_96] : memref<1x512xf32, #tpu.memory_space<vmem>>, vector<1x512xf32>
      tpu.vector_store %arg7[%swap3A_95, %swap3A_96], %add3A_94 {strides = array<i32>} : memref<1x512xf32, #tpu.memory_space<vmem>>, vector<1x512xf32>,
      %get3A_98 = arith.constant 0 : index
      %get3A_99 = arith.constant 0 : index
      %get3A_100 = arith.constant 0 : index
      %get3A_101 = vector.load %arg4[%get3A_98, %get3A_99, %get3A_100] : memref<1x64x2048xbf16, #tpu.memory_space<vmem>>, vector<1x64x512xbf16>
      %get3A_102 = vector.shape_cast %get3A_101 : vector<1x64x512xbf16> to vector<64x512xbf16>
      %get3A_103 = arith.constant 0 : index
      %get3A_104 = arith.constant 0 : index
      %get3A_105 = vector.load %arg8[%get3A_103, %get3A_104] : memref<64x512xf32, #tpu.memory_space<vmem>>, vector<64x512xf32>
      %mul3A_106 = vector.broadcast %exp23A : vector<1x512xf32> to vector<64x512xf32>
      %mul3A_107 = arith.mulf %get3A_105, %mul3A_106 : vector<64x512xf32>
      %convert_element_type3A_108 = arith.truncf %exp23A_87 : vector<512x512xf32> to vector<512x512xbf16>
      %dot_general3A_109 = arith.constant dense<0.000000e+00> : vector<64x512xf32>
      %dot_general3A_110 = tpu.matmul %get3A_102, %convert_element_type3A_108, %dot_general3A_109 {dimension_numbers = #tpu.dot_dimension_numbers<[1], [0], [0], [1], [0, 0, 1, 1], [], []>, transpose_lhs_hint = false} : vector<64x512xbf16>, vector<512x512xbf16>, vector<64x512xf32> -> vector<64x512xf32>
      %add3A_111 = arith.addf %mul3A_107, %dot_general3A_110 : vector<64x512xf32>
      %swap3A_112 = arith.constant 0 : index
      %swap3A_113 = arith.constant 0 : index
      %swap3A_114 = vector.load %arg8[%swap3A_112, %swap3A_113] : memref<64x512xf32, #tpu.memory_space<vmem>>, vector<64x512xf32>
      tpu.vector_store %arg8[%swap3A_112, %swap3A_113], %add3A_111 {strides = array<i32>} : memref<64x512xf32, #tpu.memory_space<vmem>>, vector<64x512xf32>,
      %swap3A_115 = arith.constant 0 : index
      %swap3A_116 = arith.constant 0 : index
      %swap3A_117 = vector.load %arg6[%swap3A_115, %swap3A_116] : memref<1x512xf32, #tpu.memory_space<vmem>>, vector<1x512xf32>
      tpu.vector_store %arg6[%swap3A_115, %swap3A_116], %max3A {strides = array<i32>} : memref<1x512xf32, #tpu.memory_space<vmem>>, vector<1x512xf32>,
    } else {
    }
    %gt3A_25 = arith.constant 1 : i32
    %gt3A_26 = arith.cmpi sgt, %arg1, %gt3A_25 : i32
    %convert_element_type3A_27 = arith.extui %gt3A_26 : i1 to i32
    %cond3A_28 = arith.constant 0 : i32
    %cond3A_29 = arith.cmpi ne, %convert_element_type3A_27, %cond3A_28 : i32
    scf.if %cond3A_29 {
      %get3A_69 = arith.constant 0 : index
      %get3A_70 = arith.constant 0 : index
      %get3A_71 = arith.constant 512 : index
      %get3A_72 = vector.load %arg3[%get3A_69, %get3A_70, %get3A_71] : memref<1x64x2048xbf16, #tpu.memory_space<vmem>>, vector<1x64x512xbf16>
      %get3A_73 = vector.shape_cast %get3A_72 : vector<1x64x512xbf16> to vector<64x512xbf16>
      %dot_general3A = arith.constant dense<0.000000e+00> : vector<512x512xf32>
      %dot_general3A_74 = tpu.matmul %get3A_73, %get3A_3, %dot_general3A {dimension_numbers = #tpu.dot_dimension_numbers<[0], [0], [1], [1], [0, 1, 1, 1], [], []>, transpose_lhs_hint = false} : vector<64x512xbf16>, vector<64x512xbf16>, vector<512x512xf32> -> vector<512x512xf32>
      %get3A_75 = arith.constant 0 : index
      %get3A_76 = arith.constant 0 : index
      %get3A_77 = vector.load %arg6[%get3A_75, %get3A_76] : memref<1x512xf32, #tpu.memory_space<vmem>>, vector<1x512xf32>
      %reduce_max3A = arith.constant dense<0xFF800000> : vector<512xf32>
      %reduce_max3A_78 = vector.multi_reduction <maximumf>, %dot_general3A_74, %reduce_max3A [0] : vector<512x512xf32> to vector<512xf32>
      %broadcast_in_dim3A_79 = vector.shape_cast %reduce_max3A_78 : vector<512xf32> to vector<1x512xf32>
      %max3A = arith.maximumf %get3A_77, %broadcast_in_dim3A_79 : vector<1x512xf32>
      %sub3A = arith.subf %get3A_77, %max3A : vector<1x512xf32>
      %exp23A = math.exp2 %sub3A : vector<1x512xf32>
      %sub3A_80 = vector.broadcast %max3A : vector<1x512xf32> to vector<512x512xf32>
      %sub3A_81 = arith.subf %dot_general3A_74, %sub3A_80 : vector<512x512xf32>
      %exp23A_82 = math.exp2 %sub3A_81 : vector<512x512xf32>
      %get3A_83 = arith.constant 0 : index
      %get3A_84 = arith.constant 0 : index
      %get3A_85 = vector.load %arg7[%get3A_83, %get3A_84] : memref<1x512xf32, #tpu.memory_space<vmem>>, vector<1x512xf32>
      %mul3A_86 = arith.mulf %get3A_85, %exp23A : vector<1x512xf32>
      %reduce_sum3A = arith.constant dense<0.000000e+00> : vector<512xf32>
      %reduce_sum3A_87 = vector.multi_reduction <add>, %exp23A_82, %reduce_sum3A [0] : vector<512x512xf32> to vector<512xf32>
      %broadcast_in_dim3A_88 = vector.shape_cast %reduce_sum3A_87 : vector<512xf32> to vector<1x512xf32>
      %add3A_89 = arith.addf %mul3A_86, %broadcast_in_dim3A_88 : vector<1x512xf32>
      %swap3A_90 = arith.constant 0 : index
      %swap3A_91 = arith.constant 0 : index
      %swap3A_92 = vector.load %arg7[%swap3A_90, %swap3A_91] : memref<1x512xf32, #tpu.memory_space<vmem>>, vector<1x512xf32>
      tpu.vector_store %arg7[%swap3A_90, %swap3A_91], %add3A_89 {strides = array<i32>} : memref<1x512xf32, #tpu.memory_space<vmem>>, vector<1x512xf32>,
      %get3A_93 = arith.constant 0 : index
      %get3A_94 = arith.constant 0 : index
      %get3A_95 = arith.constant 512 : index
      %get3A_96 = vector.load %arg4[%get3A_93, %get3A_94, %get3A_95] : memref<1x64x2048xbf16, #tpu.memory_space<vmem>>, vector<1x64x512xbf16>
      %get3A_97 = vector.shape_cast %get3A_96 : vector<1x64x512xbf16> to vector<64x512xbf16>
      %get3A_98 = arith.constant 0 : index
      %get3A_99 = arith.constant 0 : index
      %get3A_100 = vector.load %arg8[%get3A_98, %get3A_99] : memref<64x512xf32, #tpu.memory_space<vmem>>, vector<64x512xf32>
      %mul3A_101 = vector.broadcast %exp23A : vector<1x512xf32> to vector<64x512xf32>
      %mul3A_102 = arith.mulf %get3A_100, %mul3A_101 : vector<64x512xf32>
      %convert_element_type3A_103 = arith.truncf %exp23A_82 : vector<512x512xf32> to vector<512x512xbf16>
      %dot_general3A_104 = arith.constant dense<0.000000e+00> : vector<64x512xf32>
      %dot_general3A_105 = tpu.matmul %get3A_97, %convert_element_type3A_103, %dot_general3A_104 {dimension_numbers = #tpu.dot_dimension_numbers<[1], [0], [0], [1], [0, 0, 1, 1], [], []>, transpose_lhs_hint = false} : vector<64x512xbf16>, vector<512x512xbf16>, vector<64x512xf32> -> vector<64x512xf32>
      %add3A_106 = arith.addf %mul3A_102, %dot_general3A_105 : vector<64x512xf32>
      %swap3A_107 = arith.constant 0 : index
      %swap3A_108 = arith.constant 0 : index
      %swap3A_109 = vector.load %arg8[%swap3A_107, %swap3A_108] : memref<64x512xf32, #tpu.memory_space<vmem>>, vector<64x512xf32>
      tpu.vector_store %arg8[%swap3A_107, %swap3A_108], %add3A_106 {strides = array<i32>} : memref<64x512xf32, #tpu.memory_space<vmem>>, vector<64x512xf32>,
      %swap3A_110 = arith.constant 0 : index
      %swap3A_111 = arith.constant 0 : index
      %swap3A_112 = vector.load %arg6[%swap3A_110, %swap3A_111] : memref<1x512xf32, #tpu.memory_space<vmem>>, vector<1x512xf32>
      tpu.vector_store %arg6[%swap3A_110, %swap3A_111], %max3A {strides = array<i32>} : memref<1x512xf32, #tpu.memory_space<vmem>>, vector<1x512xf32>,
    } else {
    }
    %eq3A_30 = arith.constant 1 : i32
    %eq3A_31 = arith.cmpi eq, %arg1, %eq3A_30 : i32
    %convert_element_type3A_32 = arith.extui %eq3A_31 : i1 to i32
    %cond3A_33 = arith.constant 0 : i32
    %cond3A_34 = arith.cmpi ne, %convert_element_type3A_32, %cond3A_33 : i32
    scf.if %cond3A_34 {
      %get3A_69 = arith.constant 0 : index
      %get3A_70 = arith.constant 0 : index
      %get3A_71 = arith.constant 512 : index
      %get3A_72 = vector.load %arg3[%get3A_69, %get3A_70, %get3A_71] : memref<1x64x2048xbf16, #tpu.memory_space<vmem>>, vector<1x64x512xbf16>
      %get3A_73 = vector.shape_cast %get3A_72 : vector<1x64x512xbf16> to vector<64x512xbf16>
      %dot_general3A = arith.constant dense<0.000000e+00> : vector<512x512xf32>
      %dot_general3A_74 = tpu.matmul %get3A_73, %get3A_3, %dot_general3A {dimension_numbers = #tpu.dot_dimension_numbers<[0], [0], [1], [1], [0, 1, 1, 1], [], []>, transpose_lhs_hint = false} : vector<64x512xbf16>, vector<64x512xbf16>, vector<512x512xf32> -> vector<512x512xf32>
      %iota3A_75 = tpu.iota {dimensions = array<i32: 0>} : vector<512x512xi32>
      %add3A_76 = arith.constant 512 : i32
      %add3A_77 = vector.broadcast %add3A_76 : i32 to vector<512x512xi32>
      %add3A_78 = arith.addi %add3A_77, %iota3A_75 : vector<512x512xi32>
      %le3A = arith.cmpi sle, %add3A_78, %add3A_18 : vector<512x512xi32>
      %jit3A = arith.constant -1.000000e+09 : f32
      %broadcast_in_dim3A_79 = vector.broadcast %jit3A : f32 to vector<512x512xf32>
      %select_n3A = arith.select %le3A, %dot_general3A_74, %broadcast_in_dim3A_79 : vector<512x512xi1>, vector<512x512xf32>
      %get3A_80 = arith.constant 0 : index
      %get3A_81 = arith.constant 0 : index
      %get3A_82 = vector.load %arg6[%get3A_80, %get3A_81] : memref<1x512xf32, #tpu.memory_space<vmem>>, vector<1x512xf32>
      %reduce_max3A = arith.constant dense<0xFF800000> : vector<512xf32>
      %reduce_max3A_83 = vector.multi_reduction <maximumf>, %select_n3A, %reduce_max3A [0] : vector<512x512xf32> to vector<512xf32>
      %broadcast_in_dim3A_84 = vector.shape_cast %reduce_max3A_83 : vector<512xf32> to vector<1x512xf32>
      %max3A = arith.maximumf %get3A_82, %broadcast_in_dim3A_84 : vector<1x512xf32>
      %sub3A = arith.subf %get3A_82, %max3A : vector<1x512xf32>
      %exp23A = math.exp2 %sub3A : vector<1x512xf32>
      %sub3A_85 = vector.broadcast %max3A : vector<1x512xf32> to vector<512x512xf32>
      %sub3A_86 = arith.subf %select_n3A, %sub3A_85 : vector<512x512xf32>
      %exp23A_87 = math.exp2 %sub3A_86 : vector<512x512xf32>
      %get3A_88 = arith.constant 0 : index
      %get3A_89 = arith.constant 0 : index
      %get3A_90 = vector.load %arg7[%get3A_88, %get3A_89] : memref<1x512xf32, #tpu.memory_space<vmem>>, vector<1x512xf32>
      %mul3A_91 = arith.mulf %get3A_90, %exp23A : vector<1x512xf32>
      %reduce_sum3A = arith.constant dense<0.000000e+00> : vector<512xf32>
      %reduce_sum3A_92 = vector.multi_reduction <add>, %exp23A_87, %reduce_sum3A [0] : vector<512x512xf32> to vector<512xf32>
      %broadcast_in_dim3A_93 = vector.shape_cast %reduce_sum3A_92 : vector<512xf32> to vector<1x512xf32>
      %add3A_94 = arith.addf %mul3A_91, %broadcast_in_dim3A_93 : vector<1x512xf32>
      %swap3A_95 = arith.constant 0 : index
      %swap3A_96 = arith.constant 0 : index
      %swap3A_97 = vector.load %arg7[%swap3A_95, %swap3A_96] : memref<1x512xf32, #tpu.memory_space<vmem>>, vector<1x512xf32>
      tpu.vector_store %arg7[%swap3A_95, %swap3A_96], %add3A_94 {strides = array<i32>} : memref<1x512xf32, #tpu.memory_space<vmem>>, vector<1x512xf32>,
      %get3A_98 = arith.constant 0 : index
      %get3A_99 = arith.constant 0 : index
      %get3A_100 = arith.constant 512 : index
      %get3A_101 = vector.load %arg4[%get3A_98, %get3A_99, %get3A_100] : memref<1x64x2048xbf16, #tpu.memory_space<vmem>>, vector<1x64x512xbf16>
      %get3A_102 = vector.shape_cast %get3A_101 : vector<1x64x512xbf16> to vector<64x512xbf16>
      %get3A_103 = arith.constant 0 : index
      %get3A_104 = arith.constant 0 : index
      %get3A_105 = vector.load %arg8[%get3A_103, %get3A_104] : memref<64x512xf32, #tpu.memory_space<vmem>>, vector<64x512xf32>
      %mul3A_106 = vector.broadcast %exp23A : vector<1x512xf32> to vector<64x512xf32>
      %mul3A_107 = arith.mulf %get3A_105, %mul3A_106 : vector<64x512xf32>
      %convert_element_type3A_108 = arith.truncf %exp23A_87 : vector<512x512xf32> to vector<512x512xbf16>
      %dot_general3A_109 = arith.constant dense<0.000000e+00> : vector<64x512xf32>
      %dot_general3A_110 = tpu.matmul %get3A_102, %convert_element_type3A_108, %dot_general3A_109 {dimension_numbers = #tpu.dot_dimension_numbers<[1], [0], [0], [1], [0, 0, 1, 1], [], []>, transpose_lhs_hint = false} : vector<64x512xbf16>, vector<512x512xbf16>, vector<64x512xf32> -> vector<64x512xf32>
      %add3A_111 = arith.addf %mul3A_107, %dot_general3A_110 : vector<64x512xf32>
      %swap3A_112 = arith.constant 0 : index
      %swap3A_113 = arith.constant 0 : index
      %swap3A_114 = vector.load %arg8[%swap3A_112, %swap3A_113] : memref<64x512xf32, #tpu.memory_space<vmem>>, vector<64x512xf32>
      tpu.vector_store %arg8[%swap3A_112, %swap3A_113], %add3A_111 {strides = array<i32>} : memref<64x512xf32, #tpu.memory_space<vmem>>, vector<64x512xf32>,
      %swap3A_115 = arith.constant 0 : index
      %swap3A_116 = arith.constant 0 : index
      %swap3A_117 = vector.load %arg6[%swap3A_115, %swap3A_116] : memref<1x512xf32, #tpu.memory_space<vmem>>, vector<1x512xf32>
      tpu.vector_store %arg6[%swap3A_115, %swap3A_116], %max3A {strides = array<i32>} : memref<1x512xf32, #tpu.memory_space<vmem>>, vector<1x512xf32>,
    } else {
    }
    %gt3A_35 = arith.constant 2 : i32
    %gt3A_36 = arith.cmpi sgt, %arg1, %gt3A_35 : i32
    %convert_element_type3A_37 = arith.extui %gt3A_36 : i1 to i32
    %cond3A_38 = arith.constant 0 : i32
    %cond3A_39 = arith.cmpi ne, %convert_element_type3A_37, %cond3A_38 : i32
    scf.if %cond3A_39 {
      %get3A_69 = arith.constant 0 : index
      %get3A_70 = arith.constant 0 : index
      %get3A_71 = arith.constant 1024 : index
      %get3A_72 = vector.load %arg3[%get3A_69, %get3A_70, %get3A_71] : memref<1x64x2048xbf16, #tpu.memory_space<vmem>>, vector<1x64x512xbf16>
      %get3A_73 = vector.shape_cast %get3A_72 : vector<1x64x512xbf16> to vector<64x512xbf16>
      %dot_general3A = arith.constant dense<0.000000e+00> : vector<512x512xf32>
      %dot_general3A_74 = tpu.matmul %get3A_73, %get3A_3, %dot_general3A {dimension_numbers = #tpu.dot_dimension_numbers<[0], [0], [1], [1], [0, 1, 1, 1], [], []>, transpose_lhs_hint = false} : vector<64x512xbf16>, vector<64x512xbf16>, vector<512x512xf32> -> vector<512x512xf32>
      %get3A_75 = arith.constant 0 : index
      %get3A_76 = arith.constant 0 : index
      %get3A_77 = vector.load %arg6[%get3A_75, %get3A_76] : memref<1x512xf32, #tpu.memory_space<vmem>>, vector<1x512xf32>
      %reduce_max3A = arith.constant dense<0xFF800000> : vector<512xf32>
      %reduce_max3A_78 = vector.multi_reduction <maximumf>, %dot_general3A_74, %reduce_max3A [0] : vector<512x512xf32> to vector<512xf32>
      %broadcast_in_dim3A_79 = vector.shape_cast %reduce_max3A_78 : vector<512xf32> to vector<1x512xf32>
      %max3A = arith.maximumf %get3A_77, %broadcast_in_dim3A_79 : vector<1x512xf32>
      %sub3A = arith.subf %get3A_77, %max3A : vector<1x512xf32>
      %exp23A = math.exp2 %sub3A : vector<1x512xf32>
      %sub3A_80 = vector.broadcast %max3A : vector<1x512xf32> to vector<512x512xf32>
      %sub3A_81 = arith.subf %dot_general3A_74, %sub3A_80 : vector<512x512xf32>
      %exp23A_82 = math.exp2 %sub3A_81 : vector<512x512xf32>
      %get3A_83 = arith.constant 0 : index
      %get3A_84 = arith.constant 0 : index
      %get3A_85 = vector.load %arg7[%get3A_83, %get3A_84] : memref<1x512xf32, #tpu.memory_space<vmem>>, vector<1x512xf32>
      %mul3A_86 = arith.mulf %get3A_85, %exp23A : vector<1x512xf32>
      %reduce_sum3A = arith.constant dense<0.000000e+00> : vector<512xf32>
      %reduce_sum3A_87 = vector.multi_reduction <add>, %exp23A_82, %reduce_sum3A [0] : vector<512x512xf32> to vector<512xf32>
      %broadcast_in_dim3A_88 = vector.shape_cast %reduce_sum3A_87 : vector<512xf32> to vector<1x512xf32>
      %add3A_89 = arith.addf %mul3A_86, %broadcast_in_dim3A_88 : vector<1x512xf32>
      %swap3A_90 = arith.constant 0 : index
      %swap3A_91 = arith.constant 0 : index
      %swap3A_92 = vector.load %arg7[%swap3A_90, %swap3A_91] : memref<1x512xf32, #tpu.memory_space<vmem>>, vector<1x512xf32>
      tpu.vector_store %arg7[%swap3A_90, %swap3A_91], %add3A_89 {strides = array<i32>} : memref<1x512xf32, #tpu.memory_space<vmem>>, vector<1x512xf32>,
      %get3A_93 = arith.constant 0 : index
      %get3A_94 = arith.constant 0 : index
      %get3A_95 = arith.constant 1024 : index
      %get3A_96 = vector.load %arg4[%get3A_93, %get3A_94, %get3A_95] : memref<1x64x2048xbf16, #tpu.memory_space<vmem>>, vector<1x64x512xbf16>
      %get3A_97 = vector.shape_cast %get3A_96 : vector<1x64x512xbf16> to vector<64x512xbf16>
      %get3A_98 = arith.constant 0 : index
      %get3A_99 = arith.constant 0 : index
      %get3A_100 = vector.load %arg8[%get3A_98, %get3A_99] : memref<64x512xf32, #tpu.memory_space<vmem>>, vector<64x512xf32>
      %mul3A_101 = vector.broadcast %exp23A : vector<1x512xf32> to vector<64x512xf32>
      %mul3A_102 = arith.mulf %get3A_100, %mul3A_101 : vector<64x512xf32>
      %convert_element_type3A_103 = arith.truncf %exp23A_82 : vector<512x512xf32> to vector<512x512xbf16>
      %dot_general3A_104 = arith.constant dense<0.000000e+00> : vector<64x512xf32>
      %dot_general3A_105 = tpu.matmul %get3A_97, %convert_element_type3A_103, %dot_general3A_104 {dimension_numbers = #tpu.dot_dimension_numbers<[1], [0], [0], [1], [0, 0, 1, 1], [], []>, transpose_lhs_hint = false} : vector<64x512xbf16>, vector<512x512xbf16>, vector<64x512xf32> -> vector<64x512xf32>
      %add3A_106 = arith.addf %mul3A_102, %dot_general3A_105 : vector<64x512xf32>
      %swap3A_107 = arith.constant 0 : index
      %swap3A_108 = arith.constant 0 : index
      %swap3A_109 = vector.load %arg8[%swap3A_107, %swap3A_108] : memref<64x512xf32, #tpu.memory_space<vmem>>, vector<64x512xf32>
      tpu.vector_store %arg8[%swap3A_107, %swap3A_108], %add3A_106 {strides = array<i32>} : memref<64x512xf32, #tpu.memory_space<vmem>>, vector<64x512xf32>,
      %swap3A_110 = arith.constant 0 : index
      %swap3A_111 = arith.constant 0 : index
      %swap3A_112 = vector.load %arg6[%swap3A_110, %swap3A_111] : memref<1x512xf32, #tpu.memory_space<vmem>>, vector<1x512xf32>
      tpu.vector_store %arg6[%swap3A_110, %swap3A_111], %max3A {strides = array<i32>} : memref<1x512xf32, #tpu.memory_space<vmem>>, vector<1x512xf32>,
    } else {
    }
    %eq3A_40 = arith.constant 2 : i32
    %eq3A_41 = arith.cmpi eq, %arg1, %eq3A_40 : i32
    %convert_element_type3A_42 = arith.extui %eq3A_41 : i1 to i32
    %cond3A_43 = arith.constant 0 : i32
    %cond3A_44 = arith.cmpi ne, %convert_element_type3A_42, %cond3A_43 : i32
    scf.if %cond3A_44 {
      %get3A_69 = arith.constant 0 : index
      %get3A_70 = arith.constant 0 : index
      %get3A_71 = arith.constant 1024 : index
      %get3A_72 = vector.load %arg3[%get3A_69, %get3A_70, %get3A_71] : memref<1x64x2048xbf16, #tpu.memory_space<vmem>>, vector<1x64x512xbf16>
      %get3A_73 = vector.shape_cast %get3A_72 : vector<1x64x512xbf16> to vector<64x512xbf16>
      %dot_general3A = arith.constant dense<0.000000e+00> : vector<512x512xf32>
      %dot_general3A_74 = tpu.matmul %get3A_73, %get3A_3, %dot_general3A {dimension_numbers = #tpu.dot_dimension_numbers<[0], [0], [1], [1], [0, 1, 1, 1], [], []>, transpose_lhs_hint = false} : vector<64x512xbf16>, vector<64x512xbf16>, vector<512x512xf32> -> vector<512x512xf32>
      %iota3A_75 = tpu.iota {dimensions = array<i32: 0>} : vector<512x512xi32>
      %add3A_76 = arith.constant 1024 : i32
      %add3A_77 = vector.broadcast %add3A_76 : i32 to vector<512x512xi32>
      %add3A_78 = arith.addi %add3A_77, %iota3A_75 : vector<512x512xi32>
      %le3A = arith.cmpi sle, %add3A_78, %add3A_18 : vector<512x512xi32>
      %jit3A = arith.constant -1.000000e+09 : f32
      %broadcast_in_dim3A_79 = vector.broadcast %jit3A : f32 to vector<512x512xf32>
      %select_n3A = arith.select %le3A, %dot_general3A_74, %broadcast_in_dim3A_79 : vector<512x512xi1>, vector<512x512xf32>
      %get3A_80 = arith.constant 0 : index
      %get3A_81 = arith.constant 0 : index
      %get3A_82 = vector.load %arg6[%get3A_80, %get3A_81] : memref<1x512xf32, #tpu.memory_space<vmem>>, vector<1x512xf32>
      %reduce_max3A = arith.constant dense<0xFF800000> : vector<512xf32>
      %reduce_max3A_83 = vector.multi_reduction <maximumf>, %select_n3A, %reduce_max3A [0] : vector<512x512xf32> to vector<512xf32>
      %broadcast_in_dim3A_84 = vector.shape_cast %reduce_max3A_83 : vector<512xf32> to vector<1x512xf32>
      %max3A = arith.maximumf %get3A_82, %broadcast_in_dim3A_84 : vector<1x512xf32>
      %sub3A = arith.subf %get3A_82, %max3A : vector<1x512xf32>
      %exp23A = math.exp2 %sub3A : vector<1x512xf32>
      %sub3A_85 = vector.broadcast %max3A : vector<1x512xf32> to vector<512x512xf32>
      %sub3A_86 = arith.subf %select_n3A, %sub3A_85 : vector<512x512xf32>
      %exp23A_87 = math.exp2 %sub3A_86 : vector<512x512xf32>
      %get3A_88 = arith.constant 0 : index
      %get3A_89 = arith.constant 0 : index
      %get3A_90 = vector.load %arg7[%get3A_88, %get3A_89] : memref<1x512xf32, #tpu.memory_space<vmem>>, vector<1x512xf32>
      %mul3A_91 = arith.mulf %get3A_90, %exp23A : vector<1x512xf32>
      %reduce_sum3A = arith.constant dense<0.000000e+00> : vector<512xf32>
      %reduce_sum3A_92 = vector.multi_reduction <add>, %exp23A_87, %reduce_sum3A [0] : vector<512x512xf32> to vector<512xf32>
      %broadcast_in_dim3A_93 = vector.shape_cast %reduce_sum3A_92 : vector<512xf32> to vector<1x512xf32>
      %add3A_94 = arith.addf %mul3A_91, %broadcast_in_dim3A_93 : vector<1x512xf32>
      %swap3A_95 = arith.constant 0 : index
      %swap3A_96 = arith.constant 0 : index
      %swap3A_97 = vector.load %arg7[%swap3A_95, %swap3A_96] : memref<1x512xf32, #tpu.memory_space<vmem>>, vector<1x512xf32>
      tpu.vector_store %arg7[%swap3A_95, %swap3A_96], %add3A_94 {strides = array<i32>} : memref<1x512xf32, #tpu.memory_space<vmem>>, vector<1x512xf32>,
      %get3A_98 = arith.constant 0 : index
      %get3A_99 = arith.constant 0 : index
      %get3A_100 = arith.constant 1024 : index
      %get3A_101 = vector.load %arg4[%get3A_98, %get3A_99, %get3A_100] : memref<1x64x2048xbf16, #tpu.memory_space<vmem>>, vector<1x64x512xbf16>
      %get3A_102 = vector.shape_cast %get3A_101 : vector<1x64x512xbf16> to vector<64x512xbf16>
      %get3A_103 = arith.constant 0 : index
      %get3A_104 = arith.constant 0 : index
      %get3A_105 = vector.load %arg8[%get3A_103, %get3A_104] : memref<64x512xf32, #tpu.memory_space<vmem>>, vector<64x512xf32>
      %mul3A_106 = vector.broadcast %exp23A : vector<1x512xf32> to vector<64x512xf32>
      %mul3A_107 = arith.mulf %get3A_105, %mul3A_106 : vector<64x512xf32>
      %convert_element_type3A_108 = arith.truncf %exp23A_87 : vector<512x512xf32> to vector<512x512xbf16>
      %dot_general3A_109 = arith.constant dense<0.000000e+00> : vector<64x512xf32>
      %dot_general3A_110 = tpu.matmul %get3A_102, %convert_element_type3A_108, %dot_general3A_109 {dimension_numbers = #tpu.dot_dimension_numbers<[1], [0], [0], [1], [0, 0, 1, 1], [], []>, transpose_lhs_hint = false} : vector<64x512xbf16>, vector<512x512xbf16>, vector<64x512xf32> -> vector<64x512xf32>
      %add3A_111 = arith.addf %mul3A_107, %dot_general3A_110 : vector<64x512xf32>
      %swap3A_112 = arith.constant 0 : index
      %swap3A_113 = arith.constant 0 : index
      %swap3A_114 = vector.load %arg8[%swap3A_112, %swap3A_113] : memref<64x512xf32, #tpu.memory_space<vmem>>, vector<64x512xf32>
      tpu.vector_store %arg8[%swap3A_112, %swap3A_113], %add3A_111 {strides = array<i32>} : memref<64x512xf32, #tpu.memory_space<vmem>>, vector<64x512xf32>,
      %swap3A_115 = arith.constant 0 : index
      %swap3A_116 = arith.constant 0 : index
      %swap3A_117 = vector.load %arg6[%swap3A_115, %swap3A_116] : memref<1x512xf32, #tpu.memory_space<vmem>>, vector<1x512xf32>
      tpu.vector_store %arg6[%swap3A_115, %swap3A_116], %max3A {strides = array<i32>} : memref<1x512xf32, #tpu.memory_space<vmem>>, vector<1x512xf32>,
    } else {
    }
    %gt3A_45 = arith.constant 3 : i32
    %gt3A_46 = arith.cmpi sgt, %arg1, %gt3A_45 : i32
    %convert_element_type3A_47 = arith.extui %gt3A_46 : i1 to i32
    %cond3A_48 = arith.constant 0 : i32
    %cond3A_49 = arith.cmpi ne, %convert_element_type3A_47, %cond3A_48 : i32
    scf.if %cond3A_49 {
      %get3A_69 = arith.constant 0 : index
      %get3A_70 = arith.constant 0 : index
      %get3A_71 = arith.constant 1536 : index
      %get3A_72 = vector.load %arg3[%get3A_69, %get3A_70, %get3A_71] : memref<1x64x2048xbf16, #tpu.memory_space<vmem>>, vector<1x64x512xbf16>
      %get3A_73 = vector.shape_cast %get3A_72 : vector<1x64x512xbf16> to vector<64x512xbf16>
      %dot_general3A = arith.constant dense<0.000000e+00> : vector<512x512xf32>
      %dot_general3A_74 = tpu.matmul %get3A_73, %get3A_3, %dot_general3A {dimension_numbers = #tpu.dot_dimension_numbers<[0], [0], [1], [1], [0, 1, 1, 1], [], []>, transpose_lhs_hint = false} : vector<64x512xbf16>, vector<64x512xbf16>, vector<512x512xf32> -> vector<512x512xf32>
      %get3A_75 = arith.constant 0 : index
      %get3A_76 = arith.constant 0 : index
      %get3A_77 = vector.load %arg6[%get3A_75, %get3A_76] : memref<1x512xf32, #tpu.memory_space<vmem>>, vector<1x512xf32>
      %reduce_max3A = arith.constant dense<0xFF800000> : vector<512xf32>
      %reduce_max3A_78 = vector.multi_reduction <maximumf>, %dot_general3A_74, %reduce_max3A [0] : vector<512x512xf32> to vector<512xf32>
      %broadcast_in_dim3A_79 = vector.shape_cast %reduce_max3A_78 : vector<512xf32> to vector<1x512xf32>
      %max3A = arith.maximumf %get3A_77, %broadcast_in_dim3A_79 : vector<1x512xf32>
      %sub3A = arith.subf %get3A_77, %max3A : vector<1x512xf32>
      %exp23A = math.exp2 %sub3A : vector<1x512xf32>
      %sub3A_80 = vector.broadcast %max3A : vector<1x512xf32> to vector<512x512xf32>
      %sub3A_81 = arith.subf %dot_general3A_74, %sub3A_80 : vector<512x512xf32>
      %exp23A_82 = math.exp2 %sub3A_81 : vector<512x512xf32>
      %get3A_83 = arith.constant 0 : index
      %get3A_84 = arith.constant 0 : index
      %get3A_85 = vector.load %arg7[%get3A_83, %get3A_84] : memref<1x512xf32, #tpu.memory_space<vmem>>, vector<1x512xf32>
      %mul3A_86 = arith.mulf %get3A_85, %exp23A : vector<1x512xf32>
      %reduce_sum3A = arith.constant dense<0.000000e+00> : vector<512xf32>
      %reduce_sum3A_87 = vector.multi_reduction <add>, %exp23A_82, %reduce_sum3A [0] : vector<512x512xf32> to vector<512xf32>
      %broadcast_in_dim3A_88 = vector.shape_cast %reduce_sum3A_87 : vector<512xf32> to vector<1x512xf32>
      %add3A_89 = arith.addf %mul3A_86, %broadcast_in_dim3A_88 : vector<1x512xf32>
      %swap3A_90 = arith.constant 0 : index
      %swap3A_91 = arith.constant 0 : index
      %swap3A_92 = vector.load %arg7[%swap3A_90, %swap3A_91] : memref<1x512xf32, #tpu.memory_space<vmem>>, vector<1x512xf32>
      tpu.vector_store %arg7[%swap3A_90, %swap3A_91], %add3A_89 {strides = array<i32>} : memref<1x512xf32, #tpu.memory_space<vmem>>, vector<1x512xf32>,
      %get3A_93 = arith.constant 0 : index
      %get3A_94 = arith.constant 0 : index
      %get3A_95 = arith.constant 1536 : index
      %get3A_96 = vector.load %arg4[%get3A_93, %get3A_94, %get3A_95] : memref<1x64x2048xbf16, #tpu.memory_space<vmem>>, vector<1x64x512xbf16>
      %get3A_97 = vector.shape_cast %get3A_96 : vector<1x64x512xbf16> to vector<64x512xbf16>
      %get3A_98 = arith.constant 0 : index
      %get3A_99 = arith.constant 0 : index
      %get3A_100 = vector.load %arg8[%get3A_98, %get3A_99] : memref<64x512xf32, #tpu.memory_space<vmem>>, vector<64x512xf32>
      %mul3A_101 = vector.broadcast %exp23A : vector<1x512xf32> to vector<64x512xf32>
      %mul3A_102 = arith.mulf %get3A_100, %mul3A_101 : vector<64x512xf32>
      %convert_element_type3A_103 = arith.truncf %exp23A_82 : vector<512x512xf32> to vector<512x512xbf16>
      %dot_general3A_104 = arith.constant dense<0.000000e+00> : vector<64x512xf32>
      %dot_general3A_105 = tpu.matmul %get3A_97, %convert_element_type3A_103, %dot_general3A_104 {dimension_numbers = #tpu.dot_dimension_numbers<[1], [0], [0], [1], [0, 0, 1, 1], [], []>, transpose_lhs_hint = false} : vector<64x512xbf16>, vector<512x512xbf16>, vector<64x512xf32> -> vector<64x512xf32>
      %add3A_106 = arith.addf %mul3A_102, %dot_general3A_105 : vector<64x512xf32>
      %swap3A_107 = arith.constant 0 : index
      %swap3A_108 = arith.constant 0 : index
      %swap3A_109 = vector.load %arg8[%swap3A_107, %swap3A_108] : memref<64x512xf32, #tpu.memory_space<vmem>>, vector<64x512xf32>
      tpu.vector_store %arg8[%swap3A_107, %swap3A_108], %add3A_106 {strides = array<i32>} : memref<64x512xf32, #tpu.memory_space<vmem>>, vector<64x512xf32>,
      %swap3A_110 = arith.constant 0 : index
      %swap3A_111 = arith.constant 0 : index
      %swap3A_112 = vector.load %arg6[%swap3A_110, %swap3A_111] : memref<1x512xf32, #tpu.memory_space<vmem>>, vector<1x512xf32>
      tpu.vector_store %arg6[%swap3A_110, %swap3A_111], %max3A {strides = array<i32>} : memref<1x512xf32, #tpu.memory_space<vmem>>, vector<1x512xf32>,
    } else {
    }
    %eq3A_50 = arith.constant 3 : i32
    %eq3A_51 = arith.cmpi eq, %arg1, %eq3A_50 : i32
    %convert_element_type3A_52 = arith.extui %eq3A_51 : i1 to i32
    %cond3A_53 = arith.constant 0 : i32
    %cond3A_54 = arith.cmpi ne, %convert_element_type3A_52, %cond3A_53 : i32
    scf.if %cond3A_54 {
      %get3A_69 = arith.constant 0 : index
      %get3A_70 = arith.constant 0 : index
      %get3A_71 = arith.constant 1536 : index
      %get3A_72 = vector.load %arg3[%get3A_69, %get3A_70, %get3A_71] : memref<1x64x2048xbf16, #tpu.memory_space<vmem>>, vector<1x64x512xbf16>
      %get3A_73 = vector.shape_cast %get3A_72 : vector<1x64x512xbf16> to vector<64x512xbf16>
      %dot_general3A = arith.constant dense<0.000000e+00> : vector<512x512xf32>
      %dot_general3A_74 = tpu.matmul %get3A_73, %get3A_3, %dot_general3A {dimension_numbers = #tpu.dot_dimension_numbers<[0], [0], [1], [1], [0, 1, 1, 1], [], []>, transpose_lhs_hint = false} : vector<64x512xbf16>, vector<64x512xbf16>, vector<512x512xf32> -> vector<512x512xf32>
      %iota3A_75 = tpu.iota {dimensions = array<i32: 0>} : vector<512x512xi32>
      %add3A_76 = arith.constant 1536 : i32
      %add3A_77 = vector.broadcast %add3A_76 : i32 to vector<512x512xi32>
      %add3A_78 = arith.addi %add3A_77, %iota3A_75 : vector<512x512xi32>
      %le3A = arith.cmpi sle, %add3A_78, %add3A_18 : vector<512x512xi32>
      %jit3A = arith.constant -1.000000e+09 : f32
      %broadcast_in_dim3A_79 = vector.broadcast %jit3A : f32 to vector<512x512xf32>
      %select_n3A = arith.select %le3A, %dot_general3A_74, %broadcast_in_dim3A_79 : vector<512x512xi1>, vector<512x512xf32>
      %get3A_80 = arith.constant 0 : index
      %get3A_81 = arith.constant 0 : index
      %get3A_82 = vector.load %arg6[%get3A_80, %get3A_81] : memref<1x512xf32, #tpu.memory_space<vmem>>, vector<1x512xf32>
      %reduce_max3A = arith.constant dense<0xFF800000> : vector<512xf32>
      %reduce_max3A_83 = vector.multi_reduction <maximumf>, %select_n3A, %reduce_max3A [0] : vector<512x512xf32> to vector<512xf32>
      %broadcast_in_dim3A_84 = vector.shape_cast %reduce_max3A_83 : vector<512xf32> to vector<1x512xf32>
      %max3A = arith.maximumf %get3A_82, %broadcast_in_dim3A_84 : vector<1x512xf32>
      %sub3A = arith.subf %get3A_82, %max3A : vector<1x512xf32>
      %exp23A = math.exp2 %sub3A : vector<1x512xf32>
      %sub3A_85 = vector.broadcast %max3A : vector<1x512xf32> to vector<512x512xf32>
      %sub3A_86 = arith.subf %select_n3A, %sub3A_85 : vector<512x512xf32>
      %exp23A_87 = math.exp2 %sub3A_86 : vector<512x512xf32>
      %get3A_88 = arith.constant 0 : index
      %get3A_89 = arith.constant 0 : index
      %get3A_90 = vector.load %arg7[%get3A_88, %get3A_89] : memref<1x512xf32, #tpu.memory_space<vmem>>, vector<1x512xf32>
      %mul3A_91 = arith.mulf %get3A_90, %exp23A : vector<1x512xf32>
      %reduce_sum3A = arith.constant dense<0.000000e+00> : vector<512xf32>
      %reduce_sum3A_92 = vector.multi_reduction <add>, %exp23A_87, %reduce_sum3A [0] : vector<512x512xf32> to vector<512xf32>
      %broadcast_in_dim3A_93 = vector.shape_cast %reduce_sum3A_92 : vector<512xf32> to vector<1x512xf32>
      %add3A_94 = arith.addf %mul3A_91, %broadcast_in_dim3A_93 : vector<1x512xf32>
      %swap3A_95 = arith.constant 0 : index
      %swap3A_96 = arith.constant 0 : index
      %swap3A_97 = vector.load %arg7[%swap3A_95, %swap3A_96] : memref<1x512xf32, #tpu.memory_space<vmem>>, vector<1x512xf32>
      tpu.vector_store %arg7[%swap3A_95, %swap3A_96], %add3A_94 {strides = array<i32>} : memref<1x512xf32, #tpu.memory_space<vmem>>, vector<1x512xf32>,
      %get3A_98 = arith.constant 0 : index
      %get3A_99 = arith.constant 0 : index
      %get3A_100 = arith.constant 1536 : index
      %get3A_101 = vector.load %arg4[%get3A_98, %get3A_99, %get3A_100] : memref<1x64x2048xbf16, #tpu.memory_space<vmem>>, vector<1x64x512xbf16>
      %get3A_102 = vector.shape_cast %get3A_101 : vector<1x64x512xbf16> to vector<64x512xbf16>
      %get3A_103 = arith.constant 0 : index
      %get3A_104 = arith.constant 0 : index
      %get3A_105 = vector.load %arg8[%get3A_103, %get3A_104] : memref<64x512xf32, #tpu.memory_space<vmem>>, vector<64x512xf32>
      %mul3A_106 = vector.broadcast %exp23A : vector<1x512xf32> to vector<64x512xf32>
      %mul3A_107 = arith.mulf %get3A_105, %mul3A_106 : vector<64x512xf32>
      %convert_element_type3A_108 = arith.truncf %exp23A_87 : vector<512x512xf32> to vector<512x512xbf16>
      %dot_general3A_109 = arith.constant dense<0.000000e+00> : vector<64x512xf32>
      %dot_general3A_110 = tpu.matmul %get3A_102, %convert_element_type3A_108, %dot_general3A_109 {dimension_numbers = #tpu.dot_dimension_numbers<[1], [0], [0], [1], [0, 0, 1, 1], [], []>, transpose_lhs_hint = false} : vector<64x512xbf16>, vector<512x512xbf16>, vector<64x512xf32> -> vector<64x512xf32>
      %add3A_111 = arith.addf %mul3A_107, %dot_general3A_110 : vector<64x512xf32>
      %swap3A_112 = arith.constant 0 : index
      %swap3A_113 = arith.constant 0 : index
      %swap3A_114 = vector.load %arg8[%swap3A_112, %swap3A_113] : memref<64x512xf32, #tpu.memory_space<vmem>>, vector<64x512xf32>
      tpu.vector_store %arg8[%swap3A_112, %swap3A_113], %add3A_111 {strides = array<i32>} : memref<64x512xf32, #tpu.memory_space<vmem>>, vector<64x512xf32>,
      %swap3A_115 = arith.constant 0 : index
      %swap3A_116 = arith.constant 0 : index
      %swap3A_117 = vector.load %arg6[%swap3A_115, %swap3A_116] : memref<1x512xf32, #tpu.memory_space<vmem>>, vector<1x512xf32>
      tpu.vector_store %arg6[%swap3A_115, %swap3A_116], %max3A {strides = array<i32>} : memref<1x512xf32, #tpu.memory_space<vmem>>, vector<1x512xf32>,
    } else {
    }
    %get3A_55 = arith.constant 0 : index
    %get3A_56 = arith.constant 0 : index
    %get3A_57 = vector.load %arg8[%get3A_55, %get3A_56] : memref<64x512xf32, #tpu.memory_space<vmem>>, vector<64x512xf32>
    %get3A_58 = arith.constant 0 : index
    %get3A_59 = arith.constant 0 : index
    %get3A_60 = vector.load %arg7[%get3A_58, %get3A_59] : memref<1x512xf32, #tpu.memory_space<vmem>>, vector<1x512xf32>
    %div3A = vector.broadcast %get3A_60 : vector<1x512xf32> to vector<64x512xf32>
    %div3A_61 = arith.divf %get3A_57, %div3A : vector<64x512xf32>
    %convert_element_type3A_62 = arith.truncf %div3A_61 : vector<64x512xf32> to vector<64x512xbf16>
    %swap3A_63 = arith.constant 0 : index
    %swap3A_64 = arith.constant 0 : index
    %swap3A_65 = arith.constant 0 : index
    %swap3A_66 = vector.load %arg5[%swap3A_63, %swap3A_64, %swap3A_65] : memref<1x64x512xbf16, #tpu.memory_space<vmem>>, vector<1x64x512xbf16>
    %swap3A_67 = vector.shape_cast %swap3A_66 : vector<1x64x512xbf16> to vector<64x512xbf16>
    %swap3A_68 = vector.shape_cast %convert_element_type3A_62 : vector<64x512xbf16> to vector<1x64x512xbf16>
    tpu.vector_store %arg5[%swap3A_63, %swap3A_64, %swap3A_65], %swap3A_68 {strides = array<i32>} : memref<1x64x512xbf16, #tpu.memory_space<vmem>>, vector<1x64x512xbf16>,
    return
  }
  func.func @transform_0(%arg0: i32, %arg1: i32) -> (i32, i32, i32) {
    %c0_i32 = arith.constant 0 : i32
    %c0_i32_0 = arith.constant 0 : i32
    return %arg0, %c0_i32, %arg1 : i32, i32, i32
  }
  func.func @transform_1(%arg0: i32, %arg1: i32) -> (i32, i32, i32) {
    %c0_i32 = arith.constant 0 : i32
    %c0_i32_0 = arith.constant 0 : i32
    %c0_i32_1 = arith.constant 0 : i32
    return %arg0, %c0_i32, %c0_i32_0 : i32, i32, i32
  }
  func.func @transform_2(%arg0: i32, %arg1: i32) -> (i32, i32, i32) {
    %c0_i32 = arith.constant 0 : i32
    %c0_i32_0 = arith.constant 0 : i32
    %c0_i32_1 = arith.constant 0 : i32
    return %arg0, %c0_i32, %c0_i32_0 : i32, i32, i32
  }
  func.func @transform_3(%arg0: i32, %arg1: i32) -> (i32, i32, i32) {
    %c0_i32 = arith.constant 0 : i32
    %c0_i32_0 = arith.constant 0 : i32
    return %arg0, %c0_i32, %arg1 : i32, i32, i32
  }
}

module attributes {stable_mosaic.version = 14 : i64} {
  func.func @_post_body(%arg0: i32, %arg1: memref<16x64x512xbf16, #tpu.memory_space<vmem>>, %arg2: memref<512x1024xf32, #tpu.memory_space<vmem>>, %arg3: memref<1024x1024xbf16, #tpu.memory_space<vmem>>, %arg4: memref<1024x1xf32, #tpu.memory_space<vmem>>, %arg5: memref<1024x8xf32, #tpu.memory_space<vmem>>, %arg6: memref<1024x512xf32, #tpu.memory_space<vmem>>, %arg7: memref<1024x512xbf16, #tpu.memory_space<vmem>>, %arg8: memref<8x512xf32, #tpu.memory_space<vmem>>) attributes {dimension_semantics = [#tpu.dimension_semantics<arbitrary>], iteration_bounds = array<i64: 4>, scalar_prefetch = 0 : i64, scratch_operands = 0 : i64, tpu.core_type = #tpu.core_type<tc>, window_params = [{transform_indices = @transform_0, window_bounds = array<i64: 16, 64, 512>}, {transform_indices = @transform_1, window_bounds = array<i64: 512, 1024>}, {pipeline_mode = #tpu.pipeline_mode<synchronous>, transform_indices = @transform_2, window_bounds = array<i64: 1024, 1024>}, {pipeline_mode = #tpu.pipeline_mode<synchronous>, transform_indices = @transform_3, window_bounds = array<i64: 1024, 1>}, {pipeline_mode = #tpu.pipeline_mode<synchronous>, transform_indices = @transform_4, window_bounds = array<i64: 1024, 8>}, {transform_indices = @transform_5, window_bounds = array<i64: 1024, 512>}, {transform_indices = @transform_6, window_bounds = array<i64: 1024, 512>}, {transform_indices = @transform_7, window_bounds = array<i64: 8, 512>}]} {
    %get3A = arith.constant 0 : index
    %get3A_0 = arith.constant 0 : index
    %get3A_1 = arith.constant 0 : index
    %get3A_2 = vector.load %arg1[%get3A, %get3A_0, %get3A_1] : memref<16x64x512xbf16, #tpu.memory_space<vmem>>, vector<16x64x512xbf16>
    %reshape3A = vector.shape_cast %get3A_2 : vector<16x64x512xbf16> to vector<1024x512xbf16>
    %get3A_3 = arith.constant 0 : index
    %get3A_4 = arith.constant 0 : index
    %get3A_5 = vector.load %arg2[%get3A_3, %get3A_4] : memref<512x1024xf32, #tpu.memory_space<vmem>>, vector<512x1024xf32>
    %transpose3A = tpu.transpose %get3A_5, [1, 0] : vector<512x1024xf32> -> vector<1024x512xf32>
    %get3A_6 = arith.constant 0 : index
    %get3A_7 = arith.constant 0 : index
    %get3A_8 = vector.load %arg3[%get3A_6, %get3A_7] : memref<1024x1024xbf16, #tpu.memory_space<vmem>>, vector<1024x1024xbf16>
    %dot_general3A = arith.constant dense<0.000000e+00> : vector<1024x512xf32>
    %dot_general3A_9 = tpu.matmul %get3A_8, %reshape3A, %dot_general3A {dimension_numbers = #tpu.dot_dimension_numbers<[0], [0], [1], [1], [0, 1, 1, 1], [], []>, transpose_lhs_hint = false} : vector<1024x1024xbf16>, vector<1024x512xbf16>, vector<1024x512xf32> -> vector<1024x512xf32>
    %add3A = arith.addf %dot_general3A_9, %transpose3A : vector<1024x512xf32>
    %swap3A = arith.constant 0 : index
    %swap3A_10 = arith.constant 0 : index
    %swap3A_11 = vector.load %arg6[%swap3A, %swap3A_10] : memref<1024x512xf32, #tpu.memory_space<vmem>>, vector<1024x512xf32>
    tpu.vector_store %arg6[%swap3A, %swap3A_10], %add3A {strides = array<i32>} : memref<1024x512xf32, #tpu.memory_space<vmem>>, vector<1024x512xf32>,
    %mul3A = arith.mulf %add3A, %add3A : vector<1024x512xf32>
    %reduce_sum3A = arith.constant dense<0.000000e+00> : vector<512xf32>
    %reduce_sum3A_12 = vector.multi_reduction <add>, %mul3A, %reduce_sum3A [0] : vector<1024x512xf32> to vector<512xf32>
    %broadcast_in_dim3A = vector.shape_cast %reduce_sum3A_12 : vector<512xf32> to vector<1x512xf32>
    %div3A = arith.constant 1.024000e+03 : f32
    %div3A_13 = vector.broadcast %div3A : f32 to vector<1x512xf32>
    %div3A_14 = arith.divf %broadcast_in_dim3A, %div3A_13 : vector<1x512xf32>
    %add3A_15 = arith.constant 9.99999997E-7 : f32
    %add3A_16 = vector.broadcast %add3A_15 : f32 to vector<1x512xf32>
    %add3A_17 = arith.addf %div3A_14, %add3A_16 : vector<1x512xf32>
    %rsqrt3A = math.rsqrt %add3A_17 : vector<1x512xf32>
    %mul3A_18 = vector.broadcast %rsqrt3A : vector<1x512xf32> to vector<1024x512xf32>
    %mul3A_19 = arith.mulf %add3A, %mul3A_18 : vector<1024x512xf32>
    %get3A_20 = arith.constant 0 : index
    %get3A_21 = arith.constant 0 : index
    %get3A_22 = vector.load %arg4[%get3A_20, %get3A_21] : memref<1024x1xf32, #tpu.memory_space<vmem>>, vector<1024x1xf32>
    %mul3A_23 = vector.broadcast %get3A_22 : vector<1024x1xf32> to vector<1024x512xf32>
    %mul3A_24 = arith.mulf %mul3A_19, %mul3A_23 : vector<1024x512xf32>
    %convert_element_type3A = arith.truncf %mul3A_24 : vector<1024x512xf32> to vector<1024x512xbf16>
    %swap3A_25 = arith.constant 0 : index
    %swap3A_26 = arith.constant 0 : index
    %swap3A_27 = vector.load %arg7[%swap3A_25, %swap3A_26] : memref<1024x512xbf16, #tpu.memory_space<vmem>>, vector<1024x512xbf16>
    tpu.vector_store %arg7[%swap3A_25, %swap3A_26], %convert_element_type3A {strides = array<i32>} : memref<1024x512xbf16, #tpu.memory_space<vmem>>, vector<1024x512xbf16>,
    %get3A_28 = arith.constant 0 : index
    %get3A_29 = arith.constant 0 : index
    %get3A_30 = vector.load %arg5[%get3A_28, %get3A_29] : memref<1024x8xf32, #tpu.memory_space<vmem>>, vector<1024x8xf32>
    %dot_general3A_31 = arith.constant dense<0.000000e+00> : vector<8x512xf32>
    %dot_general3A_32 = tpu.matmul %get3A_30, %mul3A_24, %dot_general3A_31 {dimension_numbers = #tpu.dot_dimension_numbers<[0], [0], [1], [1], [0, 1, 1, 1], [], []>, transpose_lhs_hint = false} : vector<1024x8xf32>, vector<1024x512xf32>, vector<8x512xf32> -> vector<8x512xf32>
    %swap3A_33 = arith.constant 0 : index
    %swap3A_34 = arith.constant 0 : index
    %swap3A_35 = vector.load %arg8[%swap3A_33, %swap3A_34] : memref<8x512xf32, #tpu.memory_space<vmem>>, vector<8x512xf32>
    tpu.vector_store %arg8[%swap3A_33, %swap3A_34], %dot_general3A_32 {strides = array<i32>} : memref<8x512xf32, #tpu.memory_space<vmem>>, vector<8x512xf32>,
    return
  }
  func.func @transform_0(%arg0: i32) -> (i32, i32, i32) {
    %c0_i32 = arith.constant 0 : i32
    %c0_i32_0 = arith.constant 0 : i32
    %c0_i32_1 = arith.constant 0 : i32
    return %c0_i32, %c0_i32_0, %arg0 : i32, i32, i32
  }
  func.func @transform_1(%arg0: i32) -> (i32, i32) {
    %c0_i32 = arith.constant 0 : i32
    %c0_i32_0 = arith.constant 0 : i32
    return %arg0, %c0_i32 : i32, i32
  }
  func.func @transform_2(%arg0: i32) -> (i32, i32) {
    %c0_i32 = arith.constant 0 : i32
    %c0_i32_0 = arith.constant 0 : i32
    %c0_i32_1 = arith.constant 0 : i32
    return %c0_i32, %c0_i32_0 : i32, i32
  }
  func.func @transform_3(%arg0: i32) -> (i32, i32) {
    %c0_i32 = arith.constant 0 : i32
    %c0_i32_0 = arith.constant 0 : i32
    %c0_i32_1 = arith.constant 0 : i32
    return %c0_i32, %c0_i32_0 : i32, i32
  }
  func.func @transform_4(%arg0: i32) -> (i32, i32) {
    %c0_i32 = arith.constant 0 : i32
    %c0_i32_0 = arith.constant 0 : i32
    %c0_i32_1 = arith.constant 0 : i32
    return %c0_i32, %c0_i32_0 : i32, i32
  }
  func.func @transform_5(%arg0: i32) -> (i32, i32) {
    %c0_i32 = arith.constant 0 : i32
    %c0_i32_0 = arith.constant 0 : i32
    return %c0_i32, %arg0 : i32, i32
  }
  func.func @transform_6(%arg0: i32) -> (i32, i32) {
    %c0_i32 = arith.constant 0 : i32
    %c0_i32_0 = arith.constant 0 : i32
    return %c0_i32, %arg0 : i32, i32
  }
  func.func @transform_7(%arg0: i32) -> (i32, i32) {
    %c0_i32 = arith.constant 0 : i32
    %c0_i32_0 = arith.constant 0 : i32
    return %c0_i32, %arg0 : i32, i32
  }
}

module attributes {stable_mosaic.version = 14 : i64} {
  func.func @_moe_body(%arg0: i32, %arg1: memref<1024x512xbf16, #tpu.memory_space<vmem>>, %arg2: memref<1024x512xf32, #tpu.memory_space<vmem>>, %arg3: memref<8x512xf32, #tpu.memory_space<vmem>>, %arg4: memref<8x1024x344xbf16, #tpu.memory_space<vmem>>, %arg5: memref<8x1024x344xbf16, #tpu.memory_space<vmem>>, %arg6: memref<8x344x1024xbf16, #tpu.memory_space<vmem>>, %arg7: memref<512x1024xf32, #tpu.memory_space<vmem>>) attributes {dimension_semantics = [#tpu.dimension_semantics<arbitrary>], iteration_bounds = array<i64: 4>, scalar_prefetch = 0 : i64, scratch_operands = 0 : i64, tpu.core_type = #tpu.core_type<tc>, window_params = [{transform_indices = @transform_0, window_bounds = array<i64: 1024, 512>}, {transform_indices = @transform_1, window_bounds = array<i64: 1024, 512>}, {transform_indices = @transform_2, window_bounds = array<i64: 8, 512>}, {pipeline_mode = #tpu.pipeline_mode<synchronous>, transform_indices = @transform_3, window_bounds = array<i64: 8, 1024, 344>}, {pipeline_mode = #tpu.pipeline_mode<synchronous>, transform_indices = @transform_4, window_bounds = array<i64: 8, 1024, 344>}, {pipeline_mode = #tpu.pipeline_mode<synchronous>, transform_indices = @transform_5, window_bounds = array<i64: 8, 344, 1024>}, {transform_indices = @transform_6, window_bounds = array<i64: 512, 1024>}]} {
    %get3A = arith.constant 0 : index
    %get3A_0 = arith.constant 0 : index
    %get3A_1 = vector.load %arg1[%get3A, %get3A_0] : memref<1024x512xbf16, #tpu.memory_space<vmem>>, vector<1024x512xbf16>
    %broadcast_in_dim3A = arith.constant 0.000000e+00 : f32
    %broadcast_in_dim3A_2 = vector.broadcast %broadcast_in_dim3A : f32 to vector<1024x512xf32>
    %get3A_3 = arith.constant 0 : index
    %get3A_4 = arith.constant 0 : index
    %get3A_5 = vector.load %arg3[%get3A_3, %get3A_4] : memref<8x512xf32, #tpu.memory_space<vmem>>, vector<1x512xf32>
    %get3A_6 = arith.constant 0 : index
    %get3A_7 = arith.constant 0 : index
    %get3A_8 = arith.constant 0 : index
    %get3A_9 = vector.load %arg4[%get3A_6, %get3A_7, %get3A_8] : memref<8x1024x344xbf16, #tpu.memory_space<vmem>>, vector<1x1024x344xbf16>
    %get3A_10 = vector.shape_cast %get3A_9 : vector<1x1024x344xbf16> to vector<1024x344xbf16>
    %dot_general3A = arith.constant dense<0.000000e+00> : vector<344x512xf32>
    %dot_general3A_11 = tpu.matmul %get3A_10, %get3A_1, %dot_general3A {dimension_numbers = #tpu.dot_dimension_numbers<[0], [0], [1], [1], [0, 1, 1, 1], [], []>, transpose_lhs_hint = false} : vector<1024x344xbf16>, vector<1024x512xbf16>, vector<344x512xf32> -> vector<344x512xf32>
    %get3A_12 = arith.constant 0 : index
    %get3A_13 = arith.constant 0 : index
    %get3A_14 = arith.constant 0 : index
    %get3A_15 = vector.load %arg5[%get3A_12, %get3A_13, %get3A_14] : memref<8x1024x344xbf16, #tpu.memory_space<vmem>>, vector<1x1024x344xbf16>
    %get3A_16 = vector.shape_cast %get3A_15 : vector<1x1024x344xbf16> to vector<1024x344xbf16>
    %dot_general3A_17 = arith.constant dense<0.000000e+00> : vector<344x512xf32>
    %dot_general3A_18 = tpu.matmul %get3A_16, %get3A_1, %dot_general3A_17 {dimension_numbers = #tpu.dot_dimension_numbers<[0], [0], [1], [1], [0, 1, 1, 1], [], []>, transpose_lhs_hint = false} : vector<1024x344xbf16>, vector<1024x512xbf16>, vector<344x512xf32> -> vector<344x512xf32>
    %logistic3A = arith.negf %dot_general3A_11 : vector<344x512xf32>
    %logistic3A_19 = math.exp %logistic3A : vector<344x512xf32>
    %logistic3A_20 = arith.constant 1.000000e+00 : f32
    %logistic3A_21 = vector.broadcast %logistic3A_20 : f32 to vector<344x512xf32>
    %logistic3A_22 = arith.addf %logistic3A_21, %logistic3A_19 : vector<344x512xf32>
    %logistic3A_23 = arith.divf %logistic3A_21, %logistic3A_22 : vector<344x512xf32>
    %mul3A = arith.mulf %dot_general3A_11, %logistic3A_23 : vector<344x512xf32>
    %mul3A_24 = arith.mulf %mul3A, %dot_general3A_18 : vector<344x512xf32>
    %mul3A_25 = vector.broadcast %get3A_5 : vector<1x512xf32> to vector<344x512xf32>
    %mul3A_26 = arith.mulf %mul3A_24, %mul3A_25 : vector<344x512xf32>
    %convert_element_type3A = arith.truncf %mul3A_26 : vector<344x512xf32> to vector<344x512xbf16>
    %get3A_27 = arith.constant 0 : index
    %get3A_28 = arith.constant 0 : index
    %get3A_29 = arith.constant 0 : index
    %get3A_30 = vector.load %arg6[%get3A_27, %get3A_28, %get3A_29] : memref<8x344x1024xbf16, #tpu.memory_space<vmem>>, vector<1x344x1024xbf16>
    %get3A_31 = vector.shape_cast %get3A_30 : vector<1x344x1024xbf16> to vector<344x1024xbf16>
    %dot_general3A_32 = arith.constant dense<0.000000e+00> : vector<1024x512xf32>
    %dot_general3A_33 = tpu.matmul %get3A_31, %convert_element_type3A, %dot_general3A_32 {dimension_numbers = #tpu.dot_dimension_numbers<[0], [0], [1], [1], [0, 1, 1, 1], [], []>, transpose_lhs_hint = false} : vector<344x1024xbf16>, vector<344x512xbf16>, vector<1024x512xf32> -> vector<1024x512xf32>
    %add3A = arith.addf %broadcast_in_dim3A_2, %dot_general3A_33 : vector<1024x512xf32>
    %get3A_34 = arith.constant 1 : index
    %get3A_35 = arith.constant 0 : index
    %get3A_36 = vector.load %arg3[%get3A_34, %get3A_35] : memref<8x512xf32, #tpu.memory_space<vmem>>, vector<1x512xf32>
    %get3A_37 = arith.constant 1 : index
    %get3A_38 = arith.constant 0 : index
    %get3A_39 = arith.constant 0 : index
    %get3A_40 = vector.load %arg4[%get3A_37, %get3A_38, %get3A_39] : memref<8x1024x344xbf16, #tpu.memory_space<vmem>>, vector<1x1024x344xbf16>
    %get3A_41 = vector.shape_cast %get3A_40 : vector<1x1024x344xbf16> to vector<1024x344xbf16>
    %dot_general3A_42 = arith.constant dense<0.000000e+00> : vector<344x512xf32>
    %dot_general3A_43 = tpu.matmul %get3A_41, %get3A_1, %dot_general3A_42 {dimension_numbers = #tpu.dot_dimension_numbers<[0], [0], [1], [1], [0, 1, 1, 1], [], []>, transpose_lhs_hint = false} : vector<1024x344xbf16>, vector<1024x512xbf16>, vector<344x512xf32> -> vector<344x512xf32>
    %get3A_44 = arith.constant 1 : index
    %get3A_45 = arith.constant 0 : index
    %get3A_46 = arith.constant 0 : index
    %get3A_47 = vector.load %arg5[%get3A_44, %get3A_45, %get3A_46] : memref<8x1024x344xbf16, #tpu.memory_space<vmem>>, vector<1x1024x344xbf16>
    %get3A_48 = vector.shape_cast %get3A_47 : vector<1x1024x344xbf16> to vector<1024x344xbf16>
    %dot_general3A_49 = arith.constant dense<0.000000e+00> : vector<344x512xf32>
    %dot_general3A_50 = tpu.matmul %get3A_48, %get3A_1, %dot_general3A_49 {dimension_numbers = #tpu.dot_dimension_numbers<[0], [0], [1], [1], [0, 1, 1, 1], [], []>, transpose_lhs_hint = false} : vector<1024x344xbf16>, vector<1024x512xbf16>, vector<344x512xf32> -> vector<344x512xf32>
    %logistic3A_51 = arith.negf %dot_general3A_43 : vector<344x512xf32>
    %logistic3A_52 = math.exp %logistic3A_51 : vector<344x512xf32>
    %logistic3A_53 = arith.constant 1.000000e+00 : f32
    %logistic3A_54 = vector.broadcast %logistic3A_53 : f32 to vector<344x512xf32>
    %logistic3A_55 = arith.addf %logistic3A_54, %logistic3A_52 : vector<344x512xf32>
    %logistic3A_56 = arith.divf %logistic3A_54, %logistic3A_55 : vector<344x512xf32>
    %mul3A_57 = arith.mulf %dot_general3A_43, %logistic3A_56 : vector<344x512xf32>
    %mul3A_58 = arith.mulf %mul3A_57, %dot_general3A_50 : vector<344x512xf32>
    %mul3A_59 = vector.broadcast %get3A_36 : vector<1x512xf32> to vector<344x512xf32>
    %mul3A_60 = arith.mulf %mul3A_58, %mul3A_59 : vector<344x512xf32>
    %convert_element_type3A_61 = arith.truncf %mul3A_60 : vector<344x512xf32> to vector<344x512xbf16>
    %get3A_62 = arith.constant 1 : index
    %get3A_63 = arith.constant 0 : index
    %get3A_64 = arith.constant 0 : index
    %get3A_65 = vector.load %arg6[%get3A_62, %get3A_63, %get3A_64] : memref<8x344x1024xbf16, #tpu.memory_space<vmem>>, vector<1x344x1024xbf16>
    %get3A_66 = vector.shape_cast %get3A_65 : vector<1x344x1024xbf16> to vector<344x1024xbf16>
    %dot_general3A_67 = arith.constant dense<0.000000e+00> : vector<1024x512xf32>
    %dot_general3A_68 = tpu.matmul %get3A_66, %convert_element_type3A_61, %dot_general3A_67 {dimension_numbers = #tpu.dot_dimension_numbers<[0], [0], [1], [1], [0, 1, 1, 1], [], []>, transpose_lhs_hint = false} : vector<344x1024xbf16>, vector<344x512xbf16>, vector<1024x512xf32> -> vector<1024x512xf32>
    %add3A_69 = arith.addf %add3A, %dot_general3A_68 : vector<1024x512xf32>
    %get3A_70 = arith.constant 2 : index
    %get3A_71 = arith.constant 0 : index
    %get3A_72 = vector.load %arg3[%get3A_70, %get3A_71] : memref<8x512xf32, #tpu.memory_space<vmem>>, vector<1x512xf32>
    %get3A_73 = arith.constant 2 : index
    %get3A_74 = arith.constant 0 : index
    %get3A_75 = arith.constant 0 : index
    %get3A_76 = vector.load %arg4[%get3A_73, %get3A_74, %get3A_75] : memref<8x1024x344xbf16, #tpu.memory_space<vmem>>, vector<1x1024x344xbf16>
    %get3A_77 = vector.shape_cast %get3A_76 : vector<1x1024x344xbf16> to vector<1024x344xbf16>
    %dot_general3A_78 = arith.constant dense<0.000000e+00> : vector<344x512xf32>
    %dot_general3A_79 = tpu.matmul %get3A_77, %get3A_1, %dot_general3A_78 {dimension_numbers = #tpu.dot_dimension_numbers<[0], [0], [1], [1], [0, 1, 1, 1], [], []>, transpose_lhs_hint = false} : vector<1024x344xbf16>, vector<1024x512xbf16>, vector<344x512xf32> -> vector<344x512xf32>
    %get3A_80 = arith.constant 2 : index
    %get3A_81 = arith.constant 0 : index
    %get3A_82 = arith.constant 0 : index
    %get3A_83 = vector.load %arg5[%get3A_80, %get3A_81, %get3A_82] : memref<8x1024x344xbf16, #tpu.memory_space<vmem>>, vector<1x1024x344xbf16>
    %get3A_84 = vector.shape_cast %get3A_83 : vector<1x1024x344xbf16> to vector<1024x344xbf16>
    %dot_general3A_85 = arith.constant dense<0.000000e+00> : vector<344x512xf32>
    %dot_general3A_86 = tpu.matmul %get3A_84, %get3A_1, %dot_general3A_85 {dimension_numbers = #tpu.dot_dimension_numbers<[0], [0], [1], [1], [0, 1, 1, 1], [], []>, transpose_lhs_hint = false} : vector<1024x344xbf16>, vector<1024x512xbf16>, vector<344x512xf32> -> vector<344x512xf32>
    %logistic3A_87 = arith.negf %dot_general3A_79 : vector<344x512xf32>
    %logistic3A_88 = math.exp %logistic3A_87 : vector<344x512xf32>
    %logistic3A_89 = arith.constant 1.000000e+00 : f32
    %logistic3A_90 = vector.broadcast %logistic3A_89 : f32 to vector<344x512xf32>
    %logistic3A_91 = arith.addf %logistic3A_90, %logistic3A_88 : vector<344x512xf32>
    %logistic3A_92 = arith.divf %logistic3A_90, %logistic3A_91 : vector<344x512xf32>
    %mul3A_93 = arith.mulf %dot_general3A_79, %logistic3A_92 : vector<344x512xf32>
    %mul3A_94 = arith.mulf %mul3A_93, %dot_general3A_86 : vector<344x512xf32>
    %mul3A_95 = vector.broadcast %get3A_72 : vector<1x512xf32> to vector<344x512xf32>
    %mul3A_96 = arith.mulf %mul3A_94, %mul3A_95 : vector<344x512xf32>
    %convert_element_type3A_97 = arith.truncf %mul3A_96 : vector<344x512xf32> to vector<344x512xbf16>
    %get3A_98 = arith.constant 2 : index
    %get3A_99 = arith.constant 0 : index
    %get3A_100 = arith.constant 0 : index
    %get3A_101 = vector.load %arg6[%get3A_98, %get3A_99, %get3A_100] : memref<8x344x1024xbf16, #tpu.memory_space<vmem>>, vector<1x344x1024xbf16>
    %get3A_102 = vector.shape_cast %get3A_101 : vector<1x344x1024xbf16> to vector<344x1024xbf16>
    %dot_general3A_103 = arith.constant dense<0.000000e+00> : vector<1024x512xf32>
    %dot_general3A_104 = tpu.matmul %get3A_102, %convert_element_type3A_97, %dot_general3A_103 {dimension_numbers = #tpu.dot_dimension_numbers<[0], [0], [1], [1], [0, 1, 1, 1], [], []>, transpose_lhs_hint = false} : vector<344x1024xbf16>, vector<344x512xbf16>, vector<1024x512xf32> -> vector<1024x512xf32>
    %add3A_105 = arith.addf %add3A_69, %dot_general3A_104 : vector<1024x512xf32>
    %get3A_106 = arith.constant 3 : index
    %get3A_107 = arith.constant 0 : index
    %get3A_108 = vector.load %arg3[%get3A_106, %get3A_107] : memref<8x512xf32, #tpu.memory_space<vmem>>, vector<1x512xf32>
    %get3A_109 = arith.constant 3 : index
    %get3A_110 = arith.constant 0 : index
    %get3A_111 = arith.constant 0 : index
    %get3A_112 = vector.load %arg4[%get3A_109, %get3A_110, %get3A_111] : memref<8x1024x344xbf16, #tpu.memory_space<vmem>>, vector<1x1024x344xbf16>
    %get3A_113 = vector.shape_cast %get3A_112 : vector<1x1024x344xbf16> to vector<1024x344xbf16>
    %dot_general3A_114 = arith.constant dense<0.000000e+00> : vector<344x512xf32>
    %dot_general3A_115 = tpu.matmul %get3A_113, %get3A_1, %dot_general3A_114 {dimension_numbers = #tpu.dot_dimension_numbers<[0], [0], [1], [1], [0, 1, 1, 1], [], []>, transpose_lhs_hint = false} : vector<1024x344xbf16>, vector<1024x512xbf16>, vector<344x512xf32> -> vector<344x512xf32>
    %get3A_116 = arith.constant 3 : index
    %get3A_117 = arith.constant 0 : index
    %get3A_118 = arith.constant 0 : index
    %get3A_119 = vector.load %arg5[%get3A_116, %get3A_117, %get3A_118] : memref<8x1024x344xbf16, #tpu.memory_space<vmem>>, vector<1x1024x344xbf16>
    %get3A_120 = vector.shape_cast %get3A_119 : vector<1x1024x344xbf16> to vector<1024x344xbf16>
    %dot_general3A_121 = arith.constant dense<0.000000e+00> : vector<344x512xf32>
    %dot_general3A_122 = tpu.matmul %get3A_120, %get3A_1, %dot_general3A_121 {dimension_numbers = #tpu.dot_dimension_numbers<[0], [0], [1], [1], [0, 1, 1, 1], [], []>, transpose_lhs_hint = false} : vector<1024x344xbf16>, vector<1024x512xbf16>, vector<344x512xf32> -> vector<344x512xf32>
    %logistic3A_123 = arith.negf %dot_general3A_115 : vector<344x512xf32>
    %logistic3A_124 = math.exp %logistic3A_123 : vector<344x512xf32>
    %logistic3A_125 = arith.constant 1.000000e+00 : f32
    %logistic3A_126 = vector.broadcast %logistic3A_125 : f32 to vector<344x512xf32>
    %logistic3A_127 = arith.addf %logistic3A_126, %logistic3A_124 : vector<344x512xf32>
    %logistic3A_128 = arith.divf %logistic3A_126, %logistic3A_127 : vector<344x512xf32>
    %mul3A_129 = arith.mulf %dot_general3A_115, %logistic3A_128 : vector<344x512xf32>
    %mul3A_130 = arith.mulf %mul3A_129, %dot_general3A_122 : vector<344x512xf32>
    %mul3A_131 = vector.broadcast %get3A_108 : vector<1x512xf32> to vector<344x512xf32>
    %mul3A_132 = arith.mulf %mul3A_130, %mul3A_131 : vector<344x512xf32>
    %convert_element_type3A_133 = arith.truncf %mul3A_132 : vector<344x512xf32> to vector<344x512xbf16>
    %get3A_134 = arith.constant 3 : index
    %get3A_135 = arith.constant 0 : index
    %get3A_136 = arith.constant 0 : index
    %get3A_137 = vector.load %arg6[%get3A_134, %get3A_135, %get3A_136] : memref<8x344x1024xbf16, #tpu.memory_space<vmem>>, vector<1x344x1024xbf16>
    %get3A_138 = vector.shape_cast %get3A_137 : vector<1x344x1024xbf16> to vector<344x1024xbf16>
    %dot_general3A_139 = arith.constant dense<0.000000e+00> : vector<1024x512xf32>
    %dot_general3A_140 = tpu.matmul %get3A_138, %convert_element_type3A_133, %dot_general3A_139 {dimension_numbers = #tpu.dot_dimension_numbers<[0], [0], [1], [1], [0, 1, 1, 1], [], []>, transpose_lhs_hint = false} : vector<344x1024xbf16>, vector<344x512xbf16>, vector<1024x512xf32> -> vector<1024x512xf32>
    %add3A_141 = arith.addf %add3A_105, %dot_general3A_140 : vector<1024x512xf32>
    %get3A_142 = arith.constant 4 : index
    %get3A_143 = arith.constant 0 : index
    %get3A_144 = vector.load %arg3[%get3A_142, %get3A_143] : memref<8x512xf32, #tpu.memory_space<vmem>>, vector<1x512xf32>
    %get3A_145 = arith.constant 4 : index
    %get3A_146 = arith.constant 0 : index
    %get3A_147 = arith.constant 0 : index
    %get3A_148 = vector.load %arg4[%get3A_145, %get3A_146, %get3A_147] : memref<8x1024x344xbf16, #tpu.memory_space<vmem>>, vector<1x1024x344xbf16>
    %get3A_149 = vector.shape_cast %get3A_148 : vector<1x1024x344xbf16> to vector<1024x344xbf16>
    %dot_general3A_150 = arith.constant dense<0.000000e+00> : vector<344x512xf32>
    %dot_general3A_151 = tpu.matmul %get3A_149, %get3A_1, %dot_general3A_150 {dimension_numbers = #tpu.dot_dimension_numbers<[0], [0], [1], [1], [0, 1, 1, 1], [], []>, transpose_lhs_hint = false} : vector<1024x344xbf16>, vector<1024x512xbf16>, vector<344x512xf32> -> vector<344x512xf32>
    %get3A_152 = arith.constant 4 : index
    %get3A_153 = arith.constant 0 : index
    %get3A_154 = arith.constant 0 : index
    %get3A_155 = vector.load %arg5[%get3A_152, %get3A_153, %get3A_154] : memref<8x1024x344xbf16, #tpu.memory_space<vmem>>, vector<1x1024x344xbf16>
    %get3A_156 = vector.shape_cast %get3A_155 : vector<1x1024x344xbf16> to vector<1024x344xbf16>
    %dot_general3A_157 = arith.constant dense<0.000000e+00> : vector<344x512xf32>
    %dot_general3A_158 = tpu.matmul %get3A_156, %get3A_1, %dot_general3A_157 {dimension_numbers = #tpu.dot_dimension_numbers<[0], [0], [1], [1], [0, 1, 1, 1], [], []>, transpose_lhs_hint = false} : vector<1024x344xbf16>, vector<1024x512xbf16>, vector<344x512xf32> -> vector<344x512xf32>
    %logistic3A_159 = arith.negf %dot_general3A_151 : vector<344x512xf32>
    %logistic3A_160 = math.exp %logistic3A_159 : vector<344x512xf32>
    %logistic3A_161 = arith.constant 1.000000e+00 : f32
    %logistic3A_162 = vector.broadcast %logistic3A_161 : f32 to vector<344x512xf32>
    %logistic3A_163 = arith.addf %logistic3A_162, %logistic3A_160 : vector<344x512xf32>
    %logistic3A_164 = arith.divf %logistic3A_162, %logistic3A_163 : vector<344x512xf32>
    %mul3A_165 = arith.mulf %dot_general3A_151, %logistic3A_164 : vector<344x512xf32>
    %mul3A_166 = arith.mulf %mul3A_165, %dot_general3A_158 : vector<344x512xf32>
    %mul3A_167 = vector.broadcast %get3A_144 : vector<1x512xf32> to vector<344x512xf32>
    %mul3A_168 = arith.mulf %mul3A_166, %mul3A_167 : vector<344x512xf32>
    %convert_element_type3A_169 = arith.truncf %mul3A_168 : vector<344x512xf32> to vector<344x512xbf16>
    %get3A_170 = arith.constant 4 : index
    %get3A_171 = arith.constant 0 : index
    %get3A_172 = arith.constant 0 : index
    %get3A_173 = vector.load %arg6[%get3A_170, %get3A_171, %get3A_172] : memref<8x344x1024xbf16, #tpu.memory_space<vmem>>, vector<1x344x1024xbf16>
    %get3A_174 = vector.shape_cast %get3A_173 : vector<1x344x1024xbf16> to vector<344x1024xbf16>
    %dot_general3A_175 = arith.constant dense<0.000000e+00> : vector<1024x512xf32>
    %dot_general3A_176 = tpu.matmul %get3A_174, %convert_element_type3A_169, %dot_general3A_175 {dimension_numbers = #tpu.dot_dimension_numbers<[0], [0], [1], [1], [0, 1, 1, 1], [], []>, transpose_lhs_hint = false} : vector<344x1024xbf16>, vector<344x512xbf16>, vector<1024x512xf32> -> vector<1024x512xf32>
    %add3A_177 = arith.addf %add3A_141, %dot_general3A_176 : vector<1024x512xf32>
    %get3A_178 = arith.constant 5 : index
    %get3A_179 = arith.constant 0 : index
    %get3A_180 = vector.load %arg3[%get3A_178, %get3A_179] : memref<8x512xf32, #tpu.memory_space<vmem>>, vector<1x512xf32>
    %get3A_181 = arith.constant 5 : index
    %get3A_182 = arith.constant 0 : index
    %get3A_183 = arith.constant 0 : index
    %get3A_184 = vector.load %arg4[%get3A_181, %get3A_182, %get3A_183] : memref<8x1024x344xbf16, #tpu.memory_space<vmem>>, vector<1x1024x344xbf16>
    %get3A_185 = vector.shape_cast %get3A_184 : vector<1x1024x344xbf16> to vector<1024x344xbf16>
    %dot_general3A_186 = arith.constant dense<0.000000e+00> : vector<344x512xf32>
    %dot_general3A_187 = tpu.matmul %get3A_185, %get3A_1, %dot_general3A_186 {dimension_numbers = #tpu.dot_dimension_numbers<[0], [0], [1], [1], [0, 1, 1, 1], [], []>, transpose_lhs_hint = false} : vector<1024x344xbf16>, vector<1024x512xbf16>, vector<344x512xf32> -> vector<344x512xf32>
    %get3A_188 = arith.constant 5 : index
    %get3A_189 = arith.constant 0 : index
    %get3A_190 = arith.constant 0 : index
    %get3A_191 = vector.load %arg5[%get3A_188, %get3A_189, %get3A_190] : memref<8x1024x344xbf16, #tpu.memory_space<vmem>>, vector<1x1024x344xbf16>
    %get3A_192 = vector.shape_cast %get3A_191 : vector<1x1024x344xbf16> to vector<1024x344xbf16>
    %dot_general3A_193 = arith.constant dense<0.000000e+00> : vector<344x512xf32>
    %dot_general3A_194 = tpu.matmul %get3A_192, %get3A_1, %dot_general3A_193 {dimension_numbers = #tpu.dot_dimension_numbers<[0], [0], [1], [1], [0, 1, 1, 1], [], []>, transpose_lhs_hint = false} : vector<1024x344xbf16>, vector<1024x512xbf16>, vector<344x512xf32> -> vector<344x512xf32>
    %logistic3A_195 = arith.negf %dot_general3A_187 : vector<344x512xf32>
    %logistic3A_196 = math.exp %logistic3A_195 : vector<344x512xf32>
    %logistic3A_197 = arith.constant 1.000000e+00 : f32
    %logistic3A_198 = vector.broadcast %logistic3A_197 : f32 to vector<344x512xf32>
    %logistic3A_199 = arith.addf %logistic3A_198, %logistic3A_196 : vector<344x512xf32>
    %logistic3A_200 = arith.divf %logistic3A_198, %logistic3A_199 : vector<344x512xf32>
    %mul3A_201 = arith.mulf %dot_general3A_187, %logistic3A_200 : vector<344x512xf32>
    %mul3A_202 = arith.mulf %mul3A_201, %dot_general3A_194 : vector<344x512xf32>
    %mul3A_203 = vector.broadcast %get3A_180 : vector<1x512xf32> to vector<344x512xf32>
    %mul3A_204 = arith.mulf %mul3A_202, %mul3A_203 : vector<344x512xf32>
    %convert_element_type3A_205 = arith.truncf %mul3A_204 : vector<344x512xf32> to vector<344x512xbf16>
    %get3A_206 = arith.constant 5 : index
    %get3A_207 = arith.constant 0 : index
    %get3A_208 = arith.constant 0 : index
    %get3A_209 = vector.load %arg6[%get3A_206, %get3A_207, %get3A_208] : memref<8x344x1024xbf16, #tpu.memory_space<vmem>>, vector<1x344x1024xbf16>
    %get3A_210 = vector.shape_cast %get3A_209 : vector<1x344x1024xbf16> to vector<344x1024xbf16>
    %dot_general3A_211 = arith.constant dense<0.000000e+00> : vector<1024x512xf32>
    %dot_general3A_212 = tpu.matmul %get3A_210, %convert_element_type3A_205, %dot_general3A_211 {dimension_numbers = #tpu.dot_dimension_numbers<[0], [0], [1], [1], [0, 1, 1, 1], [], []>, transpose_lhs_hint = false} : vector<344x1024xbf16>, vector<344x512xbf16>, vector<1024x512xf32> -> vector<1024x512xf32>
    %add3A_213 = arith.addf %add3A_177, %dot_general3A_212 : vector<1024x512xf32>
    %get3A_214 = arith.constant 6 : index
    %get3A_215 = arith.constant 0 : index
    %get3A_216 = vector.load %arg3[%get3A_214, %get3A_215] : memref<8x512xf32, #tpu.memory_space<vmem>>, vector<1x512xf32>
    %get3A_217 = arith.constant 6 : index
    %get3A_218 = arith.constant 0 : index
    %get3A_219 = arith.constant 0 : index
    %get3A_220 = vector.load %arg4[%get3A_217, %get3A_218, %get3A_219] : memref<8x1024x344xbf16, #tpu.memory_space<vmem>>, vector<1x1024x344xbf16>
    %get3A_221 = vector.shape_cast %get3A_220 : vector<1x1024x344xbf16> to vector<1024x344xbf16>
    %dot_general3A_222 = arith.constant dense<0.000000e+00> : vector<344x512xf32>
    %dot_general3A_223 = tpu.matmul %get3A_221, %get3A_1, %dot_general3A_222 {dimension_numbers = #tpu.dot_dimension_numbers<[0], [0], [1], [1], [0, 1, 1, 1], [], []>, transpose_lhs_hint = false} : vector<1024x344xbf16>, vector<1024x512xbf16>, vector<344x512xf32> -> vector<344x512xf32>
    %get3A_224 = arith.constant 6 : index
    %get3A_225 = arith.constant 0 : index
    %get3A_226 = arith.constant 0 : index
    %get3A_227 = vector.load %arg5[%get3A_224, %get3A_225, %get3A_226] : memref<8x1024x344xbf16, #tpu.memory_space<vmem>>, vector<1x1024x344xbf16>
    %get3A_228 = vector.shape_cast %get3A_227 : vector<1x1024x344xbf16> to vector<1024x344xbf16>
    %dot_general3A_229 = arith.constant dense<0.000000e+00> : vector<344x512xf32>
    %dot_general3A_230 = tpu.matmul %get3A_228, %get3A_1, %dot_general3A_229 {dimension_numbers = #tpu.dot_dimension_numbers<[0], [0], [1], [1], [0, 1, 1, 1], [], []>, transpose_lhs_hint = false} : vector<1024x344xbf16>, vector<1024x512xbf16>, vector<344x512xf32> -> vector<344x512xf32>
    %logistic3A_231 = arith.negf %dot_general3A_223 : vector<344x512xf32>
    %logistic3A_232 = math.exp %logistic3A_231 : vector<344x512xf32>
    %logistic3A_233 = arith.constant 1.000000e+00 : f32
    %logistic3A_234 = vector.broadcast %logistic3A_233 : f32 to vector<344x512xf32>
    %logistic3A_235 = arith.addf %logistic3A_234, %logistic3A_232 : vector<344x512xf32>
    %logistic3A_236 = arith.divf %logistic3A_234, %logistic3A_235 : vector<344x512xf32>
    %mul3A_237 = arith.mulf %dot_general3A_223, %logistic3A_236 : vector<344x512xf32>
    %mul3A_238 = arith.mulf %mul3A_237, %dot_general3A_230 : vector<344x512xf32>
    %mul3A_239 = vector.broadcast %get3A_216 : vector<1x512xf32> to vector<344x512xf32>
    %mul3A_240 = arith.mulf %mul3A_238, %mul3A_239 : vector<344x512xf32>
    %convert_element_type3A_241 = arith.truncf %mul3A_240 : vector<344x512xf32> to vector<344x512xbf16>
    %get3A_242 = arith.constant 6 : index
    %get3A_243 = arith.constant 0 : index
    %get3A_244 = arith.constant 0 : index
    %get3A_245 = vector.load %arg6[%get3A_242, %get3A_243, %get3A_244] : memref<8x344x1024xbf16, #tpu.memory_space<vmem>>, vector<1x344x1024xbf16>
    %get3A_246 = vector.shape_cast %get3A_245 : vector<1x344x1024xbf16> to vector<344x1024xbf16>
    %dot_general3A_247 = arith.constant dense<0.000000e+00> : vector<1024x512xf32>
    %dot_general3A_248 = tpu.matmul %get3A_246, %convert_element_type3A_241, %dot_general3A_247 {dimension_numbers = #tpu.dot_dimension_numbers<[0], [0], [1], [1], [0, 1, 1, 1], [], []>, transpose_lhs_hint = false} : vector<344x1024xbf16>, vector<344x512xbf16>, vector<1024x512xf32> -> vector<1024x512xf32>
    %add3A_249 = arith.addf %add3A_213, %dot_general3A_248 : vector<1024x512xf32>
    %get3A_250 = arith.constant 7 : index
    %get3A_251 = arith.constant 0 : index
    %get3A_252 = vector.load %arg3[%get3A_250, %get3A_251] : memref<8x512xf32, #tpu.memory_space<vmem>>, vector<1x512xf32>
    %get3A_253 = arith.constant 7 : index
    %get3A_254 = arith.constant 0 : index
    %get3A_255 = arith.constant 0 : index
    %get3A_256 = vector.load %arg4[%get3A_253, %get3A_254, %get3A_255] : memref<8x1024x344xbf16, #tpu.memory_space<vmem>>, vector<1x1024x344xbf16>
    %get3A_257 = vector.shape_cast %get3A_256 : vector<1x1024x344xbf16> to vector<1024x344xbf16>
    %dot_general3A_258 = arith.constant dense<0.000000e+00> : vector<344x512xf32>
    %dot_general3A_259 = tpu.matmul %get3A_257, %get3A_1, %dot_general3A_258 {dimension_numbers = #tpu.dot_dimension_numbers<[0], [0], [1], [1], [0, 1, 1, 1], [], []>, transpose_lhs_hint = false} : vector<1024x344xbf16>, vector<1024x512xbf16>, vector<344x512xf32> -> vector<344x512xf32>
    %get3A_260 = arith.constant 7 : index
    %get3A_261 = arith.constant 0 : index
    %get3A_262 = arith.constant 0 : index
    %get3A_263 = vector.load %arg5[%get3A_260, %get3A_261, %get3A_262] : memref<8x1024x344xbf16, #tpu.memory_space<vmem>>, vector<1x1024x344xbf16>
    %get3A_264 = vector.shape_cast %get3A_263 : vector<1x1024x344xbf16> to vector<1024x344xbf16>
    %dot_general3A_265 = arith.constant dense<0.000000e+00> : vector<344x512xf32>
    %dot_general3A_266 = tpu.matmul %get3A_264, %get3A_1, %dot_general3A_265 {dimension_numbers = #tpu.dot_dimension_numbers<[0], [0], [1], [1], [0, 1, 1, 1], [], []>, transpose_lhs_hint = false} : vector<1024x344xbf16>, vector<1024x512xbf16>, vector<344x512xf32> -> vector<344x512xf32>
    %logistic3A_267 = arith.negf %dot_general3A_259 : vector<344x512xf32>
    %logistic3A_268 = math.exp %logistic3A_267 : vector<344x512xf32>
    %logistic3A_269 = arith.constant 1.000000e+00 : f32
    %logistic3A_270 = vector.broadcast %logistic3A_269 : f32 to vector<344x512xf32>
    %logistic3A_271 = arith.addf %logistic3A_270, %logistic3A_268 : vector<344x512xf32>
    %logistic3A_272 = arith.divf %logistic3A_270, %logistic3A_271 : vector<344x512xf32>
    %mul3A_273 = arith.mulf %dot_general3A_259, %logistic3A_272 : vector<344x512xf32>
    %mul3A_274 = arith.mulf %mul3A_273, %dot_general3A_266 : vector<344x512xf32>
    %mul3A_275 = vector.broadcast %get3A_252 : vector<1x512xf32> to vector<344x512xf32>
    %mul3A_276 = arith.mulf %mul3A_274, %mul3A_275 : vector<344x512xf32>
    %convert_element_type3A_277 = arith.truncf %mul3A_276 : vector<344x512xf32> to vector<344x512xbf16>
    %get3A_278 = arith.constant 7 : index
    %get3A_279 = arith.constant 0 : index
    %get3A_280 = arith.constant 0 : index
    %get3A_281 = vector.load %arg6[%get3A_278, %get3A_279, %get3A_280] : memref<8x344x1024xbf16, #tpu.memory_space<vmem>>, vector<1x344x1024xbf16>
    %get3A_282 = vector.shape_cast %get3A_281 : vector<1x344x1024xbf16> to vector<344x1024xbf16>
    %dot_general3A_283 = arith.constant dense<0.000000e+00> : vector<1024x512xf32>
    %dot_general3A_284 = tpu.matmul %get3A_282, %convert_element_type3A_277, %dot_general3A_283 {dimension_numbers = #tpu.dot_dimension_numbers<[0], [0], [1], [1], [0, 1, 1, 1], [], []>, transpose_lhs_hint = false} : vector<344x1024xbf16>, vector<344x512xbf16>, vector<1024x512xf32> -> vector<1024x512xf32>
    %add3A_285 = arith.addf %add3A_249, %dot_general3A_284 : vector<1024x512xf32>
    %get3A_286 = arith.constant 0 : index
    %get3A_287 = arith.constant 0 : index
    %get3A_288 = vector.load %arg2[%get3A_286, %get3A_287] : memref<1024x512xf32, #tpu.memory_space<vmem>>, vector<1024x512xf32>
    %add3A_289 = arith.addf %get3A_288, %add3A_285 : vector<1024x512xf32>
    %transpose3A = tpu.transpose %add3A_289, [1, 0] : vector<1024x512xf32> -> vector<512x1024xf32>
    %swap3A = arith.constant 0 : index
    %swap3A_290 = arith.constant 0 : index
    %swap3A_291 = vector.load %arg7[%swap3A, %swap3A_290] : memref<512x1024xf32, #tpu.memory_space<vmem>>, vector<512x1024xf32>
    tpu.vector_store %arg7[%swap3A, %swap3A_290], %transpose3A {strides = array<i32>} : memref<512x1024xf32, #tpu.memory_space<vmem>>, vector<512x1024xf32>,
    return
  }
  func.func @transform_0(%arg0: i32) -> (i32, i32) {
    %c0_i32 = arith.constant 0 : i32
    %c0_i32_0 = arith.constant 0 : i32
    return %c0_i32, %arg0 : i32, i32
  }
  func.func @transform_1(%arg0: i32) -> (i32, i32) {
    %c0_i32 = arith.constant 0 : i32
    %c0_i32_0 = arith.constant 0 : i32
    return %c0_i32, %arg0 : i32, i32
  }
  func.func @transform_2(%arg0: i32) -> (i32, i32) {
    %c0_i32 = arith.constant 0 : i32
    %c0_i32_0 = arith.constant 0 : i32
    return %c0_i32, %arg0 : i32, i32
  }
  func.func @transform_3(%arg0: i32) -> (i32, i32, i32) {
    %c0_i32 = arith.constant 0 : i32
    %c0_i32_0 = arith.constant 0 : i32
    %c0_i32_1 = arith.constant 0 : i32
    %c0_i32_2 = arith.constant 0 : i32
    return %c0_i32, %c0_i32_0, %c0_i32_1 : i32, i32, i32
  }
  func.func @transform_4(%arg0: i32) -> (i32, i32, i32) {
    %c0_i32 = arith.constant 0 : i32
    %c0_i32_0 = arith.constant 0 : i32
    %c0_i32_1 = arith.constant 0 : i32
    %c0_i32_2 = arith.constant 0 : i32
    return %c0_i32, %c0_i32_0, %c0_i32_1 : i32, i32, i32
  }
  func.func @transform_5(%arg0: i32) -> (i32, i32, i32) {
    %c0_i32 = arith.constant 0 : i32
    %c0_i32_0 = arith.constant 0 : i32
    %c0_i32_1 = arith.constant 0 : i32
    %c0_i32_2 = arith.constant 0 : i32
    return %c0_i32, %c0_i32_0, %c0_i32_1 : i32, i32, i32
  }
  func.func @transform_6(%arg0: i32) -> (i32, i32) {
    %c0_i32 = arith.constant 0 : i32
    %c0_i32_0 = arith.constant 0 : i32
    return %arg0, %c0_i32 : i32, i32
  }
}

</mosaic_0001>

<sc_bundles>
// kernel: kernel.7.cloned.1.call-start
scs
__scs_entry_jumppad:
0x0: {  	(pc) =	sbr.rel $0x88, $3  }
0x1: {  	(tag) =	ssettag $0x0;
	lr =	simm.s32 $0x1  }
0x2: {  	[smem:$0x3F95] =	sst lr;
	_ =	strace $0xD0000000  }
0x3: {  	_ = 	snop  }
0x4: {  	_ = 	snop  }
0x5: {  	_ = 	snop  }
0x6: {  	_ = 	snop  }
0x7: {  	_ = 	snop  }
__scs_overlays_trampoline_lowered:
0x8: {  	[smem:$0x3FA4] =	sst s0  }
0x9: {  	[smem:$0x3FA5] =	sst s1  }
0xa: {  	[smem:$0x3FA6] =	sst s2  }
0xb: {  	[smem:$0x3FA7] =	sst s3  }
0xc: {  	[smem:$0x3FA8] =	sst s4  }
0xd: {  	[smem:$0x3FA9] =	sst s5  }
0xe: {  	[smem:$0x3FAA] =	sst s6  }
0xf: {  	[smem:$0x3FAB] =	sst s7  }
0x10: {  	[smem:$0x3FAC] =	sst s8  }
0x11: {  	[smem:$0x3FAD] =	sst s9;
	s0 =	simm.s32 @!p0 $0x0  }
0x12: {  	s1 =	sld [smem:$0x3F93];
	s0 =	simm.s32 @p0 $0x1  }
0x13: {  	[smem:$0x3FAE] =	sst s0;
	s0 =	simm.s32 @!p1 $0x0  }
0x14: {  	s2 =	sld [smem:$0x3F92];
	s0 =	simm.s32 @p1 $0x1  }
0x15: {  	[smem:$0x3FAF] =	sst s0;
	s0 =	simm.s32 @!p2 $0x0  }
0x16: {  	s3 =	sld [smem:$0x3FDB];
	s0 =	simm.s32 @p2 $0x1  }
0x17: {  	s4 =	simm.s32 $0x1BF5;
	[smem:$0x3FB1] =	sst s0  }
0x18: {  	s0 =	sld [smem:$0x3F94];
	_ =	swait.ge [sflag:s4], $0x0  }
0x19: {  	s7 =	sld [smem:$0x3F95]  }
0x1a: {  	s8 =	sadd.s32 $0xFFFFE003, lr  }
0x1b: {  	s9 =	sadd.s32 $0xFFFFFEF7, lr;
	s5 =	simm.s32 $0xFFFFFFFF;
	p2 =	slt.u32 s8, $0xFFFFF086  }
0x1c: {  	p1 =	slt.u32 s9, $0xF7A;
	s5 =	simm.s32 @!p2 $0x0  }
0x1d: {  	s5 =	simm.s32 @p1 $0x1;
	p0 =	seq.s32 s7, s2  }
0x1e: {  	s7 =	smul.u32 @!p0 $0xF7A, s2;
	p2 =	seq.s32 @!p0 s5, $0x0  }
0x1f: {  	s9 =	smul.u32 $0xF7A, s1;
	s8 =	simm.s32 @!p0 $0x1BF5;
	p2 =	por !p2, p0  }
0x20: {  	[sflag:s8] =	ssyncset.s32 @!p0 $0xFFFFF086;
	s6 =	sadd.s32 @!p0 s3, s7;
	s7 =	simm.s32 @!p0 $0x108  }
0x21: {  	s3 =	sadd.s32 s3, s9;
	s6 =	sadd.s32 @!p0 $0x88, s6;
	s7 =	simm.s32 @p2 $0x1082  }
0x22: {  	[simem:s7], [sflag:s8] =	dma.local @!p0 [hbm:s6], $0xF7A  }
0x23: {  	s9 =	sor.u32 $0xD0000000, s2;
	s6 =	simm.s32 $0x108;
	_ =	swait.ge @!p0 [sflag:s8], $0x0  }
0x24: {  	s3 =	sadd.s32 $0x88, s3;
	s6 =	simm.s32 @!p1 $0x1082;
	[sflag:s4] =	ssyncset.s32 $0xFFFFF086  }
0x25: {  	[simem:s6], [sflag:s4] =	dma.local [hbm:s3], $0xF7A  }
0x26: {  	[smem:$0x3F95] =	sst s1;
	(tag) =	ssettag s2;
	_ =	strace s9  }
0x27: {  	s1 =	sld [smem:$0x3FA5]  }
0x28: {  	s2 =	sld [smem:$0x3FA6]  }
0x29: {  	s4 =	sld [smem:$0x3FA8]  }
0x2a: {  	p0 =	seq.s32 s5, $0x0;
	s5 =	sld [smem:$0x3FA9]  }
0x2b: {  	s6 =	sld [smem:$0x3FAA]  }
0x2c: {  	s7 =	sld [smem:$0x3FAB]  }
0x2d: {  	s3 =	simm.s32 $0x108;
	s8 =	sld [smem:$0x3FAC]  }
0x2e: {  	s3 =	simm.s32 @!p0 $0x1082;
	s9 =	sld [smem:$0x3FAD]  }
0x2f: {  	lr =	sadd.s32 s0, s3;
	s0 =	sld [smem:$0x3FA4]  }
0x30: {  	s3 =	sld [smem:$0x3FA7]  }
0x31: {  	[smem:$0x3FB0] =	sst s10  }
0x32: {  	s10 =	sld [smem:$0x3FAE];
	_ =	sdelay $0x3  }
0x33: {  	p0 =	seq.s32 s10, $0x1;
	s10 =	sld [smem:$0x3FB0];
	_ =	sdelay $0x3  }
0x34: {  	[smem:$0x3FB0] =	sst s10  }
0x35: {  	s10 =	sld [smem:$0x3FAF];
	_ =	sdelay $0x3  }
0x36: {  	p1 =	seq.s32 s10, $0x1;
	s10 =	sld [smem:$0x3FB0];
	_ =	sdelay $0x3  }
0x37: {  	[smem:$0x3FB0] =	sst s10  }
0x38: {  	s10 =	sld [smem:$0x3FB1]  }
0x39: {  	_ = 	snop;
	(pc) =	sbr.ind lr, $3  }
0x3a: {  	_ = 	snop  }
0x3b: {  	_ = 	snop  }
0x3c: {  	p2 =	seq.s32 s10, $0x1;
	s10 =	sld [smem:$0x3FB0]  }
0x3d: {  	_ =	shalt  }
0x3e: {  	_ =	shalt  }
0x3f: {  	_ =	shalt  }
0x40: {  	_ =	shalt  }
0x41: {  	_ =	shalt  }
0x42: {  	_ =	shalt  }
0x43: {  	_ =	shalt  }
0x44: {  	_ =	shalt  }
0x45: {  	_ =	shalt  }
0x46: {  	_ =	shalt  }
0x47: {  	_ =	shalt  }
0x48: {  	_ =	shalt  }
0x49: {  	_ =	shalt  }
0x4a: {  	_ =	shalt  }
0x4b: {  	_ =	shalt  }
0x4c: {  	_ =	shalt  }
0x4d: {  	_ =	shalt  }
0x4e: {  	_ =	shalt  }
0x4f: {  	_ =	shalt  }
0x50: {  	_ =	shalt  }
0x51: {  	_ =	shalt  }
0x52: {  	_ =	shalt  }
0x53: {  	_ =	shalt  }
0x54: {  	_ =	shalt  }
0x55: {  	_ =	shalt  }
0x56: {  	_ =	shalt  }
0x57: {  	_ =	shalt  }
0x58: {  	_ =	shalt  }
0x59: {  	_ =	shalt  }
0x5a: {  	_ =	shalt  }
0x5b: {  	_ =	shalt  }
0x5c: {  	_ =	shalt  }
0x5d: {  	_ =	shalt  }
0x5e: {  	_ =	shalt  }
0x5f: {  	_ =	shalt  }
0x60: {  	_ =	shalt  }
0x61: {  	_ =	shalt  }
0x62: {  	_ =	shalt  }
0x63: {  	_ =	shalt  }
0x64: {  	_ =	shalt  }
0x65: {  	_ =	shalt  }
0x66: {  	_ =	shalt  }
0x67: {  	_ =	shalt  }
0x68: {  	_ =	shalt  }
0x69: {  	_ =	shalt  }
0x6a: {  	_ =	shalt  }
0x6b: {  	_ =	shalt  }
0x6c: {  	_ =	shalt  }
0x6d: {  	_ =	shalt  }
0x6e: {  	_ =	shalt  }
0x6f: {  	_ =	shalt  }
0x70: {  	_ =	shalt  }
0x71: {  	_ =	shalt  }
0x72: {  	_ =	shalt  }
0x73: {  	_ =	shalt  }
0x74: {  	_ =	shalt  }
0x75: {  	_ =	shalt  }
0x76: {  	_ =	shalt  }
0x77: {  	_ =	shalt  }
0x78: {  	_ =	shalt  }
0x79: {  	_ =	shalt  }
0x7a: {  	_ =	shalt  }
0x7b: {  	_ =	shalt  }
0x7c: {  	_ =	shalt  }
0x7d: {  	_ =	shalt  }
0x7e: {  	_ =	shalt  }
0x7f: {  	_ =	shalt  }
0x80: {  	_ =	shalt  }
0x81: {  	_ =	shalt  }
0x82: {  	_ =	shalt  }
0x83: {  	_ =	shalt  }
0x84: {  	_ =	shalt  }
0x85: {  	_ =	shalt  }
0x86: {  	_ =	shalt  }
0x87: {  	_ =	shalt  }
.Lfunc_end0:
.L_simem_size_0:
called_computation_lowered:
.L_overlay_start_0:
0x88: {  	s2 =	sld [smem:$0x3FD9]  }
0x89: {  	s3 =	sld [smem:$0x3FFE];
	_ =	sdelay $0x1  }
0x8a: {  	s1 =	srdreg.scid  }
0x8b: {  	s0 =	sand.u32 $0x1, s1  }
0x8c: {  	s17 =	sshll.u32 s0, $0xA;
	s2 =	sadd.s32 s3, s2  }
0x8d: {  	s2 =	sadd.s32 s2, s17  }
0x8e: {  	[smem:$0x3FBC] =	sst s2  }
0x8f: {  	_ = 	snop  }
0x90: {  	s2 =	sld [smem:$0x3FD0];
	(tm) =	ssettm $0x1  }
0x91: {  	s18 =	sld [smem:$0x3FFB];
	_ =	sdelay $0x3  }
0x92: {  	_ =	strace s18  }
0x93: {  	s3 =	sld [smem:$0x3FFC];
	_ =	sdelay $0x3  }
0x94: {  	_ =	strace s3  }
0x95: {  	s3 =	sld [smem:$0x3FFD];
	_ =	sdelay $0x3  }
0x96: {  	_ =	strace s3  }
0x97: {  	_ =	strace $0x8FFFFFFF  }
0x98: {  	s19 =	sld [smem:$0x3FDB];
	_ =	sdelay $0x1  }
0x99: {  	s4 =	simm.s32 $_scs_section_size  }
0x9a: {  	s5 =	simm.s32 $_size__tile_overlayer_lowered;
	s6 =	simm.s32 $_tile_overlayer_lowered  }
0x9b: {  	s22 =	simm.s32 $0x1BFF;
	s21 =	sshll.u32 s6, $0x1;
	s3 =	sadd.s32 s4, s19  }
0x9c: {  	s7 =	simm.s32 $0x0;
	s20 =	sshll.u32 s5, $0x1;
	s5 =	sadd.s32 s21, s3  }
0x9d: {  	[timem:s7], [sflag:s22] =	dma.local [hbm:s5], s20  }
0x9e: {  	_ =	swait.ge [sflag:s22], s20  }
0x9f: {  	s4 =	ssub.s32 $0x0, s20;
	[sflag:s22] =	ssyncset.done $0x0  }
0xa0: {  	[sflag:s22] =	ssyncadd.s32 s4;
	_ =	sdelay $0x1  }
0xa1: {  	s23 =	simm.s32 $0x1B8B  }
0xa2: {  	_ =	swait.ge [sflag:s23], $0x1  }
0xa3: {  	[sflag:s23] =	ssyncset.done $0x0  }
0xa4: {  	s25 =	simm.s32 $0x1B8E;
	s24 =	sld [smem:$0x3FFE];
	[sflag:s23] =	ssyncadd.s32 $0xFFFFFFFF  }
0xa5: {  	s26 =	simm.s32 $execute0_lowered;
	[smem:$0x3FD2] =	sst s25  }
0xa6: {  	s5 =	sshll.u32 s26, $0x1;
	_ =	strace $0x80000046;
	[dreg:$0x1] =	wrdreg $0xFFFFFFFF  }
0xa7: {  	s28 =	simm.s32 $_size_execute0_lowered;
	s3 =	sadd.s32 s3, s5;
	[dreg:$0x0] =	wrdreg $0x0  }
0xa8: {  	s5 =	sshll.u32 s28, $0x1;
	[dreg:$0x2] =	wrdreg s3  }
0xa9: {  	[dreg:$0x3] =	wrdreg s5  }
0xaa: {  	[dreg:$0x4] =	wrdreg $0xC0  }
0xab: {  	_ =	task [dreg:s7], $0x5FFFF  }
0xac: {  	[dreg:$0x1] =	wrdreg $0xFFFFFFFF  }
0xad: {  	[dreg:$0x0] =	wrdreg $0x60  }
0xae: {  	[dreg:$0x2] =	wrdreg s2  }
0xaf: {  	[dreg:$0x3] =	wrdreg s24  }
0xb0: {  	[dreg:$0x4] =	wrdreg $0x9  }
0xb1: {  	_ =	task.clear_ibuf [dreg:s7], $0x5FFFF;
	_ =	strace $0x90000046  }
0xb2: {  	s29 =	simm.s32 $0x9;
	_ =	strace $0x80000048  }
0xb3: {  	_ =	swait.ge [sflag:s29], $0x1  }
0xb4: {  	[sflag:s29] =	ssyncadd.s32 $0xFFFFFFFF  }
0xb5: {  	_ =	strace $0x90000048  }
0xb6: {  	_ =	sfence  }
0xb7: {  	s30 =	sld [smem:$0x0];
	_ =	sdelay $0x2  }
0xb8: {  	s31 =	sshll.u32 s1, $0xD;
	s1 =	sshrl.u32 s1, $0x2  }
0xb9: {  	s3 =	sand.u32 $0x4000, s31;
	s1 =	sadd.s32 s1, s30  }
0xba: {  	s0 =	sor.u32 s3, s0;
	s1 =	sshll.u32 s1, $0x11  }
0xbb: {  	s0 =	sor.u32 s1, s0  }
0xbc: {  	s0 =	sadd.s32 $0x8F2B, s0  }
0xbd: {  	[sflag:s0] =	ssyncadd.remote.s32 $0x1  }
0xbe: {  	_ =	sfence.sel $0xFFFF  }
0xbf: {  	[dreg:$0x0] =	wrdreg $0xFFFFFFFF;
	(pc) =	sbr.abs _section_cstart, $3  }
0xc0: {  	[dreg:$0x1] =	wrdreg $0xFFFFFFFF  }
0xc1: {  	_ =	task.clear_ibuf [dreg:s7], $0x2FFFF;
	_ =	strace $0x9FFFFFFF  }
0xc2: {  	(tm) =	ssettm $0x7FFFFFFF  }
0xc3: {  	_ =	shalt  }
tec
execute0_lowered:
.L_overlay_start_1:
0x0: {  	(tag) =	ssettag $0x1  }
0x1: {  	s0 =	rddreg [dreg:$0x0]  }
0x2: {  	s3 =	rddreg [dreg:$0x1]  }
0x3: {  	s2 =	simm.s32 $0x0;
	s4 =	srdreg.scid;
	s1 =	stileid.u32  }
0x4: {  	s17 =	simm.s32 $0x80;
	s18 =	simm.s32 $0x100;
	s19 =	simm.s32 $0x180  }
0x5: {  	s20 =	simm.s32 $0x200;
	s21 =	simm.s32 $0x280;
	s28 =	simm.s32 $0x580  }
0x6: {  	s29 =	simm.s32 $0x600;
	s30 =	simm.s32 $0x680;
	s31 =	simm.s32 $0x700  }
0x7: {  	[smem:$0x7FF] =	sst s2;
	s4 =	sand.u32 $0x1, s4;
	s6 =	sshll.u32 s1, $0x7  }
0x8: {  	s14 =	sadd.s32 $0x42200, s3;
	s5 =	ssub.s32 $0x2, s4;
	s4 =	sshll.u32 s4, $0x3  }
0x9: {  	_ =	strace $0x80000047;
	s22 =	sshrl.u32 s5, $0x1;
	s7 =	sor.u32 s4, s6  }
0xa: {  	s15 =	ssub.s32 s5, s22;
	s23 =	sadd.s32 s0, s7;
	s8 =	sor.u32 $0x10, s7  }
0xb: {  	s9 =	sor.u32 $0x20, s7;
	s10 =	sor.u32 $0x30, s7;
	s11 =	sor.u32 $0x40, s7  }
0xc: {  	s12 =	sor.u32 $0x50, s7;
	s13 =	sor.u32 $0x60, s7;
	s16 =	sor.u32 $0x70, s7  }
0xd: {  	s7 =	sadd.s32 s14, s7;
	s22 =	simm.s32 $0x300;
	[dreg:$0x3] =	wrdreg s23  }
0xe: {  	s24 =	sadd.s32 s0, s8;
	s25 =	sadd.s32 s0, s9;
	s26 =	sadd.s32 s0, s10  }
0xf: {  	s3 =	sadd.s32 s0, s11;
	s4 =	sadd.s32 s0, s12;
	s5 =	sadd.s32 s0, s13  }
0x10: {  	s6 =	sadd.s32 s0, s16;
	s8 =	sadd.s32 s14, s8;
	s9 =	sadd.s32 s14, s9  }
0x11: {  	s10 =	sadd.s32 s14, s10;
	s11 =	sadd.s32 s14, s11;
	s12 =	sadd.s32 s14, s12  }
0x12: {  	s13 =	sadd.s32 s14, s13;
	s14 =	sadd.s32 s14, s16;
	[dreg:$0x4] =	wrdreg s24  }
0x13: {  	s15 =	smax.u32 s15, $0x1;
	s16 =	simm.s32 $0x1;
	[dreg:$0x5] =	wrdreg s25  }
0x14: {  	s23 =	simm.s32 $0x380;
	s0 =	simm.s32 $0x780;
	[dreg:$0x6] =	wrdreg s26  }
0x15: {  	v0 =	vimm.s32 $0x8;
	s24 =	simm.s32 $0x400;
	s25 =	simm.s32 $0x480;
	s26 =	simm.s32 $0x500  }
.LBB2_1:
0x16: {  	s1 =	rddreg [dreg:$0x3]  }
0x17: {  	[tilespmem:s2], [sflag:$0x1] =	stream.linear.gather [hbm4b:s1+s2], $0x40, $0x38;
	[tilespmem:$0x800] =	vst v63  }
0x18: {  	_ =	swait.ge [sflag:s16], $0x40  }
0x19: {  	[sflag:s16] =	ssyncset.done $0x0  }
0x1a: {  	s1 =	rddreg [dreg:$0x4];
	[sflag:s16] =	ssyncadd.s32 $0xFFFFFFC0  }
0x1b: {  	[tilespmem:s17], [sflag:$0x1] =	stream.linear.gather [hbm4b:s1+s2], $0x40, $0x38;
	[tilespmem:$0x800] =	vst v63  }
0x1c: {  	_ =	swait.ge [sflag:s16], $0x40  }
0x1d: {  	[sflag:s16] =	ssyncset.done $0x0  }
0x1e: {  	s1 =	rddreg [dreg:$0x5];
	[sflag:s16] =	ssyncadd.s32 $0xFFFFFFC0  }
0x1f: {  	[tilespmem:s18], [sflag:$0x1] =	stream.linear.gather [hbm4b:s1+s2], $0x40, $0x38;
	[tilespmem:$0x800] =	vst v63  }
0x20: {  	_ =	swait.ge [sflag:s16], $0x40  }
0x21: {  	[sflag:s16] =	ssyncset.done $0x0  }
0x22: {  	s1 =	rddreg [dreg:$0x6];
	[sflag:s16] =	ssyncadd.s32 $0xFFFFFFC0  }
0x23: {  	[tilespmem:s19], [sflag:$0x1] =	stream.linear.gather [hbm4b:s1+s2], $0x40, $0x38;
	[tilespmem:$0x800] =	vst v63  }
0x24: {  	_ =	swait.ge [sflag:s16], $0x40  }
0x25: {  	[sflag:s16] =	ssyncset.done $0x0  }
0x26: {  	[sflag:s16] =	ssyncadd.s32 $0xFFFFFFC0  }
0x27: {  	[tilespmem:s20], [sflag:$0x1] =	stream.linear.gather [hbm4b:s3+s2], $0x40, $0x38;
	[tilespmem:$0x800] =	vst v63  }
0x28: {  	_ =	swait.ge [sflag:s16], $0x40  }
0x29: {  	[sflag:s16] =	ssyncset.done $0x0  }
0x2a: {  	[sflag:s16] =	ssyncadd.s32 $0xFFFFFFC0  }
0x2b: {  	[tilespmem:s21], [sflag:$0x1] =	stream.linear.gather [hbm4b:s4+s2], $0x40, $0x38;
	[tilespmem:$0x800] =	vst v63  }
0x2c: {  	_ =	swait.ge [sflag:s16], $0x40  }
0x2d: {  	[sflag:s16] =	ssyncset.done $0x0  }
0x2e: {  	[sflag:s16] =	ssyncadd.s32 $0xFFFFFFC0  }
0x2f: {  	[tilespmem:s22], [sflag:$0x1] =	stream.linear.gather [hbm4b:s5+s2], $0x40, $0x38;
	[tilespmem:$0x800] =	vst v63  }
0x30: {  	_ =	swait.ge [sflag:s16], $0x40  }
0x31: {  	[sflag:s16] =	ssyncset.done $0x0  }
0x32: {  	[sflag:s16] =	ssyncadd.s32 $0xFFFFFFC0  }
0x33: {  	[tilespmem:s23], [sflag:$0x1] =	stream.linear.gather [hbm4b:s6+s2], $0x40, $0x38;
	[tilespmem:$0x800] =	vst v63  }
0x34: {  	_ =	swait.ge [sflag:s16], $0x40  }
0x35: {  	[sflag:s16] =	ssyncset.done $0x0  }
0x36: {  	[sflag:s16] =	ssyncadd.s32 $0xFFFFFFC0  }
0x37: {  	v1 =	vld [tilespmem:$0x0]  }
0x38: {  	v2 =	vld [tilespmem:$0x80]  }
0x39: {  	v3 =	vld [tilespmem:$0x100]  }
0x3a: {  	v4 =	vld [tilespmem:$0x180]  }
0x3b: {  	v5 =	vld [tilespmem:$0x200]  }
0x3c: {  	v6 =	vld [tilespmem:$0x280]  }
0x3d: {  	v7 =	vld [tilespmem:$0x300];
	v8 =	vmax.f32 v1, v2  }
0x3e: {  	v9 =	vld [tilespmem:$0x380];
	v8 =	vmax.f32 v8, v3  }
0x3f: {  	v8 =	vmax.f32 v8, v4  }
0x40: {  	v8 =	vmax.f32 v8, v5  }
0x41: {  	v8 =	vmax.f32 v8, v6  }
0x42: {  	v8 =	vmax.f32 v8, v7  }
0x43: {  	v8 =	vmax.f32 v8, v9  }
0x44: {  	vm0 =	veq.f32 v9, v8  }
0x45: {  	vm7 =	veq.f32 v7, v8;
	v10 =	vsel vm0, $0x7, v0  }
0x46: {  	vm8 =	veq.f32 v6, v8;
	v10 =	vsel vm7, $0x6, v10  }
0x47: {  	vm9 =	veq.f32 v5, v8;
	v10 =	vsel vm8, $0x5, v10  }
0x48: {  	vm10 =	veq.f32 v4, v8;
	v10 =	vsel vm9, $0x4, v10  }
0x49: {  	vm11 =	veq.f32 v3, v8;
	v10 =	vsel vm10, $0x3, v10  }
0x4a: {  	vm12 =	veq.f32 v2, v8;
	v10 =	vsel vm11, $0x2, v10  }
0x4b: {  	vm6 =	vne.f32 v1, v8;
	v10 =	vsel vm12, $0x1, v10  }
0x4c: {  	v11 =	vmax.f32 v1, $-1.000000000e+09;
	vm7 =	vmand vm6, vm12;
	v10 =	vnsel vm6, $0x0, v10  }
0x4d: {  	v11 =	vnsel vm6, $0xCE6E6B28, v11;
	v12 =	vsel vm7, $0xCE6E6B28, v2;
	vm4 =	veq.s32 v10, $0x2  }
0x4e: {  	v11 =	vmax.f32 v11, v12;
	vm5 =	veq.s32 v10, $0x3;
	v53 =	vsel vm4, $0xCE6E6B28, v3  }
0x4f: {  	vm3 =	veq.s32 v10, $0x4;
	v54 =	vsel vm5, $0xCE6E6B28, v4;
	v11 =	vmax.f32 v11, v53  }
0x50: {  	vm2 =	veq.s32 v10, $0x5;
	v55 =	vsel vm3, $0xCE6E6B28, v5;
	v11 =	vmax.f32 v11, v54  }
0x51: {  	vm1 =	veq.s32 v10, $0x6;
	v56 =	vsel vm2, $0xCE6E6B28, v6;
	v11 =	vmax.f32 v11, v55  }
0x52: {  	vm0 =	veq.s32 v10, $0x7;
	v57 =	vsel vm1, $0xCE6E6B28, v7;
	v11 =	vmax.f32 v11, v56  }
0x53: {  	v58 =	vsel vm0, $0xCE6E6B28, v9;
	v11 =	vmax.f32 v11, v57  }
0x54: {  	v11 =	vmax.f32 v11, v58  }
0x55: {  	v8 =	vsub.f32 v11, v8;
	_ =	sdelay $0x1  }
0x56: {  	v8 =	vmul.f32 $1.442695020e+00, v8;
	_ =	sdelay $0x1  }
0x57: {  	(erf) = vpow2.f32 v8;
	_ =	sdelay $0x2  }
0x58: {  	vm9 =	vne.s32 v10, $0x7  }
0x59: {  	vm10 =	vne.s32 v10, $0x6;
	vm12 =	vne.s32 v10, $0x5;
	vm8 =	veq.f32 v9, v11  }
0x5a: {  	vm13 =	veq.f32 v7, v11;
	vm15 =	veq.f32 v6, v11;
	vm8 =	vmand vm9, vm8  }
0x5b: {  	v16 =	vld [tilespmem:$0x10];
	vm14 =	vmand vm10, vm13;
	vm13 =	veq.f32 v5, v11;
	v59 =	vsel vm8, $0x7, v0  }
0x5c: {  	v18 =	vld [tilespmem:$0x90];
	vm8 =	vmand vm12, vm15;
	v7 =	vsel vm14, $0x6, v59;
	vm14 =	vne.s32 v10, $0x4  }
0x5d: {  	v20 =	vld [tilespmem:$0x110];
	vm12 =	veq.f32 v4, v11;
	v60 =	vsel vm8, $0x5, v7;
	vm15 =	vmand vm14, vm13  }
0x5e: {  	v17 =	vld [tilespmem:$0x190];
	vm13 =	vne.s32 v10, $0x3;
	vm14 =	veq.f32 v3, v11;
	v5 =	vsel vm15, $0x4, v60;
	v8 =	vpop (erf)  }
0x5f: {  	v22 =	vld [tilespmem:$0x210];
	vm8 =	vmand vm13, vm12;
	vm15 =	vne.s32 v10, $0x2;
	v8 =	vadd.f32 $1.000000000e+00, v8  }
0x60: {  	v24 =	vld [tilespmem:$0x290];
	vm13 =	vne.f32 v2, v11;
	v3 =	vsel vm8, $0x3, v5;
	vm12 =	vmand vm15, vm14  }
0x61: {  	v25 =	vld [tilespmem:$0x310];
	v2 =	vsel vm12, $0x2, v3;
	v3 =	vmax.f32 v16, v18;
	(erf) = vrcp.f32 v8  }
0x62: {  	v14 =	vld [tilespmem:$0x390];
	vm15 =	veq.f32 v1, v11;
	v1 =	vmax.f32 v3, v20  }
0x63: {  	v1 =	vmax.f32 v1, v17  }
0x64: {  	v21 =	vmax.f32 v16, $-1.000000000e+09;
	v3 =	vmax.f32 v1, v22  }
0x65: {  	v53 =	vimm.s32 $0x0;
	vm14 =	vmor vm7, vm13;
	v61 =	vmax.f32 v3, v24  }
0x66: {  	vm9 =	vmand vm6, vm15;
	v2 =	vnsel vm14, $0x1, v2;
	v62 =	vmax.f32 v61, v25  }
0x67: {  	v55 =	vimm.s32 $0x0;
	v27 =	vsel vm9, $0x0, v2;
	v28 =	vmax.f32 v62, v14  }
0x68: {  	vm10 =	veq.s32 v27, $0x2;
	vm13 =	veq.s32 v27, $0x3;
	vm11 =	veq.f32 v14, v28  }
0x69: {  	vm12 =	veq.f32 v25, v28;
	vm15 =	veq.f32 v22, v28;
	v63 =	vsel vm11, $0x7, v0  }
0x6a: {  	vm8 =	veq.f32 v17, v28;
	vm11 =	veq.f32 v18, v28;
	v12 =	vsel vm12, $0x6, v63;
	v15 =	vpop (erf)  }
0x6b: {  	v26 =	vsub.f32 $1.000000000e+00, v15;
	v1 =	vsel vm6, $0x0, v15;
	v3 =	vnsel vm7, $0x0, v15  }
0x6c: {  	v5 =	vnsel vm4, $0x0, v15;
	v6 =	vnsel vm5, $0x0, v15;
	v9 =	vnsel vm3, $0x0, v15  }
0x6d: {  	vm5 =	veq.s32 v27, $0x5;
	vm3 =	veq.s32 v27, $0x7;
	v2 =	vnsel vm9, $0x0, v26  }
0x6e: {  	vm9 =	vmor vm9, vm14;
	v7 =	vnsel vm10, $0x0, v26;
	vm14 =	veq.f32 v24, v28  }
0x6f: {  	v8 =	vnsel vm13, $0x0, v26;
	vm10 =	veq.f32 v20, v28;
	v13 =	vsel vm14, $0x5, v12  }
0x70: {  	vm13 =	vne.f32 v16, v28;
	v4 =	vsel vm9, $0x0, v26;
	v10 =	vsel vm15, $0x4, v13  }
0x71: {  	vm9 =	veq.s32 v27, $0x4;
	vm14 =	vmand vm13, vm11;
	v10 =	vsel vm8, $0x3, v10  }
0x72: {  	v1 =	vadd.f32 v2, v1;
	v6 =	vadd.f32 v8, v6;
	v19 =	vsel vm10, $0x2, v10  }
0x73: {  	v11 =	vnsel vm9, $0x0, v26;
	v13 =	vsel vm14, $0xCE6E6B28, v18;
	v12 =	vsel vm11, $0x1, v19  }
0x74: {  	v2 =	vadd.f32 v4, v3;
	v3 =	vadd.f32 v7, v5;
	v29 =	vnsel vm13, $0x0, v12  }
0x75: {  	v10 =	vnsel vm2, $0x0, v15;
	v12 =	vnsel vm13, $0xCE6E6B28, v21;
	vm12 =	veq.s32 v29, $0x2  }
0x76: {  	v12 =	vmax.f32 v12, v13;
	vm10 =	veq.s32 v29, $0x3;
	v23 =	vsel vm12, $0xCE6E6B28, v20  }
0x77: {  	vm11 =	veq.s32 v29, $0x4;
	v30 =	vsel vm10, $0xCE6E6B28, v17;
	v12 =	vmax.f32 v12, v23  }
0x78: {  	v19 =	vld [tilespmem:$0x20];
	vm7 =	veq.s32 v29, $0x5;
	v31 =	vsel vm11, $0xCE6E6B28, v22;
	v12 =	vmax.f32 v12, v30  }
0x79: {  	vm6 =	veq.s32 v29, $0x6;
	v32 =	vsel vm7, $0xCE6E6B28, v24;
	v12 =	vmax.f32 v12, v31  }
0x7a: {  	vm9 =	veq.s32 v29, $0x7;
	v33 =	vsel vm6, $0xCE6E6B28, v25;
	v12 =	vmax.f32 v12, v32  }
0x7b: {  	v13 =	vnsel vm1, $0x0, v15;
	v23 =	vsel vm9, $0xCE6E6B28, v14;
	v21 =	vmax.f32 v12, v33  }
0x7c: {  	vm1 =	veq.s32 v27, $0x6;
	vm15 =	vne.s32 v29, $0x7;
	v31 =	vmax.f32 v21, v23;
	v21 =	vld [tilespmem:$0xA0]  }
0x7d: {  	v15 =	vnsel vm0, $0x0, v15;
	v48 =	vmax.f32 v19, $-1.000000000e+09;
	v12 =	vnsel vm5, $0x0, v26;
	v23 =	vld [tilespmem:$0x120]  }
0x7e: {  	v30 =	vld [tilespmem:$0x1A0];
	vm8 =	veq.f32 v14, v31;
	v14 =	vnsel vm1, $0x0, v26;
	v34 =	vsub.f32 v31, v28  }
0x7f: {  	v43 =	vld [tilespmem:$0x220];
	vm0 =	vmand vm15, vm8;
	vm8 =	veq.f32 v25, v31;
	vm15 =	vne.s32 v29, $0x6  }
0x80: {  	v44 =	vld [tilespmem:$0x2A0];
	vm4 =	veq.f32 v22, v31;
	v35 =	vsel vm0, $0x7, v0;
	vm5 =	vmand vm15, vm8  }
0x81: {  	v25 =	vmul.f32 $1.442695020e+00, v34;
	v34 =	vld [tilespmem:$0x320];
	vm8 =	veq.f32 v24, v31;
	v36 =	vmax.f32 v19, v21  }
0x82: {  	v45 =	vld [tilespmem:$0x3A0];
	vm15 =	vne.s32 v29, $0x5;
	v27 =	vsel vm5, $0x6, v35;
	v37 =	vmax.f32 v36, v23  }
0x83: {  	vm0 =	vmand vm15, vm8;
	(erf) = vpow2.f32 v25;
	v24 =	vmax.f32 v37, v30  }
0x84: {  	vm5 =	vne.s32 v29, $0x4;
	vm15 =	veq.f32 v17, v31;
	v38 =	vmax.f32 v24, v43  }
0x85: {  	v17 =	vnsel vm3, $0x0, v26;
	v39 =	vsel vm0, $0x5, v27;
	v22 =	vmax.f32 v38, v44  }
0x86: {  	vm8 =	vmand vm5, vm4;
	vm4 =	vne.s32 v29, $0x3;
	v40 =	vmax.f32 v22, v34  }
0x87: {  	v41 =	vsel vm8, $0x4, v39;
	vm5 =	vmand vm4, vm15;
	v42 =	vmax.f32 v40, v45  }
0x88: {  	vm15 =	veq.f32 v20, v31;
	v22 =	vsel vm5, $0x3, v41;
	vm8 =	veq.f32 v45, v42  }
0x89: {  	vm5 =	vne.s32 v29, $0x2;
	vm4 =	veq.f32 v34, v42;
	v46 =	vsel vm8, $0x7, v0  }
0x8a: {  	vm1 =	vmand vm5, vm15;
	vm8 =	veq.f32 v44, v42;
	v20 =	vsel vm4, $0x6, v46  }
0x8b: {  	vm15 =	veq.f32 v43, v42;
	v22 =	vsel vm1, $0x2, v22;
	v20 =	vsel vm8, $0x5, v20  }
0x8c: {  	vm5 =	veq.f32 v23, v42;
	v25 =	vpop (erf);
	vm4 =	veq.f32 v30, v42;
	v20 =	vsel vm15, $0x4, v20  }
0x8d: {  	vm1 =	vne.f32 v18, v31;
	v25 =	vadd.f32 $1.000000000e+00, v25;
	v20 =	vsel vm4, $0x3, v20  }
0x8e: {  	vm8 =	veq.f32 v21, v42;
	vm15 =	vne.f32 v19, v42;
	v47 =	vsel vm5, $0x2, v20  }
0x8f: {  	(erf) = vrcp.f32 v25;
	v18 =	vsel vm8, $0x1, v47;
	vm8 =	vmand vm15, vm8  }
0x90: {  	v46 =	vnsel vm15, $0x0, v18;
	v18 =	vnsel vm15, $0xCE6E6B28, v48;
	v49 =	vsel vm8, $0xCE6E6B28, v21  }
0x91: {  	vm5 =	veq.s32 v46, $0x2;
	v18 =	vmax.f32 v18, v49;
	vm4 =	veq.s32 v46, $0x3  }
0x92: {  	vm3 =	veq.s32 v46, $0x4;
	vm0 =	veq.s32 v46, $0x5;
	vm2 =	veq.s32 v46, $0x7  }
0x93: {  	v50 =	vsel vm5, $0xCE6E6B28, v23;
	v51 =	vsel vm4, $0xCE6E6B28, v30;
	v52 =	vsel vm3, $0xCE6E6B28, v43  }
0x94: {  	v25 =	vsel vm0, $0xFFFFFFFF, v53;
	v54 =	vsel vm0, $0xCE6E6B28, v44;
	vm0 =	veq.s32 v46, $0x6  }
0x95: {  	v18 =	vmax.f32 v18, v50;
	[tilespmem:$0x1FFE0] =	vst v25;
	v25 =	vsel vm0, $0xFFFFFFFF, v55;
	v56 =	vsel vm0, $0xCE6E6B28, v34  }
0x96: {  	vm0 =	vmor vm14, vm1;
	vm1 =	veq.f32 v16, v31;
	v18 =	vmax.f32 v18, v51  }
0x97: {  	v22 =	vnsel vm0, $0x1, v22;
	vm1 =	vmand vm13, vm1;
	v18 =	vmax.f32 v18, v52  }
0x98: {  	v57 =	vsel vm2, $0xCE6E6B28, v45;
	v22 =	vsel vm1, $0x0, v22;
	v18 =	vmax.f32 v18, v54;
	v58 =	vpop (erf)  }
0x99: {  	vm0 =	vmor vm1, vm0;
	v18 =	vmax.f32 v18, v56;
	v59 =	vsub.f32 $1.000000000e+00, v58  }
0x9a: {  	v32 =	vsel vm13, $0x0, v58;
	v33 =	vnsel vm14, $0x0, v58;
	v37 =	vnsel vm12, $0x0, v58  }
0x9b: {  	vm13 =	veq.s32 v22, $0x2;
	vm14 =	veq.s32 v22, $0x3;
	v38 =	vnsel vm10, $0x0, v58  }
0x9c: {  	vm10 =	veq.s32 v22, $0x4;
	v41 =	vnsel vm11, $0x0, v58;
	v47 =	vmax.f32 v18, v57  }
0x9d: {  	vm11 =	veq.s32 v22, $0x5;
	v24 =	vnsel vm7, $0x0, v58;
	v60 =	vsub.f32 v47, v42  }
0x9e: {  	vm12 =	veq.s32 v22, $0x6;
	v27 =	vnsel vm6, $0x0, v58;
	v28 =	vnsel vm9, $0x0, v58  }
0x9f: {  	vm9 =	vne.s32 v46, $0x7;
	v35 =	vnsel vm1, $0x0, v59;
	v16 =	vmul.f32 $1.442695020e+00, v60  }
0xa0: {  	v18 =	vld [tilespmem:$0xB0];
	v36 =	vsel vm0, $0x0, v59;
	v40 =	vnsel vm13, $0x0, v59;
	v39 =	vnsel vm14, $0x0, v59  }
0xa1: {  	v42 =	vnsel vm10, $0x0, v59;
	v26 =	vnsel vm11, $0x0, v59;
	(erf) = vpow2.f32 v16;
	v16 =	vld [tilespmem:$0x30]  }
0xa2: {  	v20 =	vld [tilespmem:$0x130];
	v29 =	vnsel vm12, $0x0, v59;
	vm13 =	veq.s32 v22, $0x7;
	vm14 =	veq.f32 v45, v47  }
0xa3: {  	v22 =	vld [tilespmem:$0x1B0];
	vm10 =	veq.f32 v34, v47;
	vm11 =	vne.s32 v46, $0x6;
	vm1 =	vmand vm9, vm14  }
0xa4: {  	[tilespmem:$0x1FFF0] =	vst v25;
	v25 =	vld [tilespmem:$0x230];
	v34 =	vnsel vm13, $0x0, v59;
	vm12 =	vmand vm11, vm10;
	vm13 =	veq.f32 v44, v47  }
0xa5: {  	v31 =	vld [tilespmem:$0x2B0];
	vm14 =	vne.s32 v46, $0x5;
	vm9 =	veq.f32 v43, v47;
	vm10 =	vne.s32 v46, $0x4  }
0xa6: {  	[tilespmem:$0x400] =	vst v1;
	v44 =	vld [tilespmem:$0x330];
	vm11 =	veq.f32 v30, v47;
	v1 =	vadd.f32 v39, v38;
	v48 =	vmax.f32 v16, v18  }
0xa7: {  	v49 =	vld [tilespmem:$0x3B0];
	v38 =	vadd.f32 v29, v27;
	v61 =	vsel vm1, $0x7, v0;
	v48 =	vmax.f32 v48, v20  }
0xa8: {  	vm0 =	vmand vm14, vm13;
	vm14 =	veq.f32 v23, v47;
	v48 =	vmax.f32 v48, v22  }
0xa9: {  	vm1 =	vne.f32 v21, v47;
	v39 =	vadd.f32 v34, v28;
	v48 =	vmax.f32 v48, v25  }
0xaa: {  	v45 =	vsel vm12, $0x6, v61;
	vm12 =	vne.s32 v46, $0x3;
	v63 =	vmax.f32 v48, v31  }
0xab: {  	vm1 =	vmor vm8, vm1;
	v45 =	vsel vm0, $0x5, v45;
	v48 =	vmax.f32 v63, v44  }
0xac: {  	vm0 =	vmand vm10, vm9;
	vm13 =	vmand vm12, vm11;
	v62 =	vpop (erf);
	v30 =	vmax.f32 v48, v49  }
0xad: {  	vm10 =	vne.s32 v46, $0x2;
	v43 =	vadd.f32 $1.000000000e+00, v62;
	vm9 =	veq.f32 v49, v30  }
0xae: {  	v50 =	vsel vm0, $0x4, v45;
	vm11 =	veq.f32 v44, v30;
	v51 =	vsel vm9, $0x7, v0  }
0xaf: {  	(erf) = vrcp.f32 v43;
	vm12 =	veq.f32 v31, v30;
	v23 =	vsel vm11, $0x6, v51  }
0xb0: {  	v43 =	vsel vm13, $0x3, v50;
	vm13 =	veq.f32 v25, v30;
	v23 =	vsel vm12, $0x5, v23  }
0xb1: {  	vm0 =	vmand vm10, vm14;
	vm14 =	veq.f32 v22, v30;
	v52 =	vsel vm13, $0x4, v23  }
0xb2: {  	v54 =	vmax.f32 v16, $-1.000000000e+09;
	vm10 =	veq.f32 v20, v30;
	v53 =	vsel vm14, $0x3, v52  }
0xb3: {  	vm9 =	veq.f32 v19, v47;
	vm11 =	veq.f32 v18, v30;
	v19 =	vsel vm10, $0x2, v53  }
0xb4: {  	v43 =	vsel vm0, $0x2, v43;
	vm14 =	vne.f32 v16, v30;
	v19 =	vsel vm11, $0x1, v19  }
0xb5: {  	vm0 =	vmand vm15, vm9;
	vm13 =	vmand vm14, vm11;
	v19 =	vnsel vm14, $0x0, v19  }
0xb6: {  	v45 =	vnsel vm14, $0xCE6E6B28, v54;
	v55 =	vsel vm13, $0xCE6E6B28, v18;
	vm12 =	veq.s32 v19, $0x2  }
0xb7: {  	v45 =	vmax.f32 v45, v55;
	vm11 =	veq.s32 v19, $0x3;
	v56 =	vsel vm12, $0xCE6E6B28, v20  }
0xb8: {  	vm10 =	veq.s32 v19, $0x4;
	v57 =	vsel vm11, $0xCE6E6B28, v22;
	v45 =	vmax.f32 v45, v56  }
0xb9: {  	vm9 =	veq.s32 v19, $0x5;
	v58 =	vsel vm10, $0xCE6E6B28, v25;
	v45 =	vmax.f32 v45, v57  }
0xba: {  	vm7 =	veq.s32 v19, $0x6;
	v59 =	vsel vm9, $0xCE6E6B28, v31;
	v45 =	vmax.f32 v45, v58  }
0xbb: {  	vm6 =	veq.s32 v19, $0x7;
	v60 =	vsel vm7, $0xCE6E6B28, v44;
	v45 =	vmax.f32 v45, v59  }
0xbc: {  	v63 =	vadd.f32 v11, v9;
	v61 =	vsel vm6, $0xCE6E6B28, v49;
	v45 =	vmax.f32 v45, v60  }
0xbd: {  	v9 =	vadd.f32 v12, v10;
	v10 =	vadd.f32 v14, v13;
	v45 =	vmax.f32 v45, v61  }
0xbe: {  	v50 =	vadd.f32 v17, v15;
	v43 =	vnsel vm1, $0x1, v43;
	v30 =	vsub.f32 v45, v30  }
0xbf: {  	v43 =	vsel vm0, $0x0, v43;
	v53 =	vadd.f32 v35, v32;
	v54 =	vadd.f32 v36, v33  }
0xc0: {  	v55 =	vadd.f32 v40, v37;
	v37 =	vadd.f32 v26, v24;
	v21 =	vpop (erf);
	v62 =	vmul.f32 $1.442695020e+00, v30  }
0xc1: {  	[tilespmem:$0x480] =	vst v2;
	v2 =	vld [tilespmem:$0x1FFE0];
	v23 =	vsel vm15, $0x0, v21;
	v47 =	vsub.f32 $1.000000000e+00, v21;
	v46 =	vnsel vm8, $0x0, v21  }
0xc2: {  	v8 =	vnsel vm5, $0x0, v21;
	vm15 =	veq.s32 v43, $0x2;
	(erf) = vpow2.f32 v62  }
0xc3: {  	v51 =	vnsel vm4, $0x0, v21;
	vm5 =	veq.s32 v43, $0x3;
	vm8 =	veq.s32 v43, $0x4  }
0xc4: {  	[tilespmem:$0x500] =	vst v3;
	vm4 =	veq.s32 v43, $0x5;
	v3 =	vnsel vm2, $0x0, v21;
	v56 =	vnsel vm3, $0x0, v21  }
0xc5: {  	v48 =	vnsel vm0, $0x0, v47;
	vm0 =	vmor vm0, vm1;
	v4 =	vnsel vm15, $0x0, v47  }
0xc6: {  	v52 =	vnsel vm5, $0x0, v47;
	v57 =	vnsel vm8, $0x0, v47;
	vm15 =	vnez.u8 v2;
	v59 =	vld [tilespmem:$0x1FFF0]  }
0xc7: {  	vm8 =	veq.s32 v43, $0x6;
	v5 =	vsel vm0, $0x0, v47;
	v58 =	vadd.f32 v42, v41  }
0xc8: {  	[tilespmem:$0x580] =	vst v6;
	v2 =	vnsel vm15, $0x0, v21;
	vm15 =	veq.s32 v43, $0x7;
	v41 =	vadd.f32 v48, v23  }
0xc9: {  	[tilespmem:$0x590] =	vst v1;
	v1 =	vadd.f32 v4, v8;
	v42 =	vadd.f32 v52, v51;
	v60 =	vnsel vm4, $0x0, v47  }
0xca: {  	[tilespmem:$0x710] =	vst v38;
	v5 =	vadd.f32 v5, v46;
	v61 =	vnsel vm8, $0x0, v47;
	v2 =	vadd.f32 v60, v2  }
0xcb: {  	[tilespmem:$0x600] =	vst v63;
	vm4 =	veq.f32 v49, v45;
	vm8 =	veq.f32 v44, v45;
	vm5 =	vnez.u8 v59;
	v63 =	vpop (erf)  }
0xcc: {  	[tilespmem:$0x790] =	vst v39;
	v35 =	vnsel vm5, $0x0, v21;
	vm5 =	vne.s32 v19, $0x7;
	v36 =	vadd.f32 $1.000000000e+00, v63  }
0xcd: {  	[tilespmem:$0x680] =	vst v9;
	v44 =	vadd.f32 v57, v56;
	v62 =	vnsel vm15, $0x0, v47;
	vm0 =	vmand vm5, vm4  }
0xce: {  	[tilespmem:$0x700] =	vst v10;
	vm15 =	vne.s32 v19, $0x6;
	vm4 =	veq.f32 v31, v45;
	(erf) = vrcp.f32 v36  }
0xcf: {  	[tilespmem:$0x780] =	vst v50;
	vm5 =	vne.s32 v19, $0x5;
	vm1 =	vmand vm15, vm8;
	v40 =	vsel vm0, $0x7, v0  }
0xd0: {  	[tilespmem:$0x410] =	vst v53;
	vm0 =	vmand vm5, vm4;
	vm8 =	veq.f32 v25, v45;
	vm15 =	vne.s32 v19, $0x4  }
0xd1: {  	[tilespmem:$0x490] =	vst v54;
	vm4 =	veq.f32 v22, v45;
	vm5 =	vne.s32 v19, $0x3;
	v9 =	vsel vm1, $0x6, v40  }
0xd2: {  	[tilespmem:$0x510] =	vst v55;
	v9 =	vsel vm0, $0x5, v9;
	vm0 =	vmand vm15, vm8;
	vm8 =	veq.f32 v20, v45  }
0xd3: {  	[tilespmem:$0x690] =	vst v37;
	vm15 =	vne.s32 v19, $0x2;
	v43 =	vsel vm0, $0x4, v9;
	vm0 =	vmand vm5, vm4  }
0xd4: {  	[tilespmem:$0x610] =	vst v58;
	vm4 =	vne.f32 v18, v45;
	v46 =	vsel vm0, $0x3, v43;
	vm0 =	vmand vm15, vm8  }
0xd5: {  	[tilespmem:$0x420] =	vst v41;
	vm5 =	veq.f32 v16, v45;
	v6 =	vsel vm0, $0x2, v46;
	vm0 =	vmor vm13, vm4  }
0xd6: {  	[tilespmem:$0x520] =	vst v1;
	v47 =	vadd.f32 v61, v35;
	vm1 =	vmand vm14, vm5;
	v1 =	vnsel vm0, $0x1, v6  }
0xd7: {  	[tilespmem:$0x5A0] =	vst v42;
	v3 =	vadd.f32 v62, v3;
	vm0 =	vmor vm1, vm0;
	v1 =	vsel vm1, $0x0, v1;
	v48 =	vpop (erf)  }
0xd8: {  	[tilespmem:$0x4A0] =	vst v5;
	vm8 =	veq.s32 v1, $0x2;
	vm15 =	veq.s32 v1, $0x7;
	v49 =	vsub.f32 $1.000000000e+00, v48  }
0xd9: {  	[tilespmem:$0x6A0] =	vst v2;
	v50 =	vsel vm14, $0x0, v48;
	v52 =	vnsel vm13, $0x0, v48;
	v2 =	vnsel vm12, $0x0, v48  }
0xda: {  	[tilespmem:$0x620] =	vst v44;
	v56 =	vnsel vm11, $0x0, v48;
	v58 =	vnsel vm10, $0x0, v48;
	v51 =	vnsel vm1, $0x0, v49  }
0xdb: {  	[tilespmem:$0x720] =	vst v47;
	vm12 =	veq.s32 v1, $0x4;
	v53 =	vsel vm0, $0x0, v49;
	v4 =	vadd.f32 v51, v50  }
0xdc: {  	[tilespmem:$0x7A0] =	vst v3;
	vm1 =	veq.s32 v1, $0x3;
	v55 =	vnsel vm8, $0x0, v49;
	v54 =	vadd.f32 v53, v52  }
0xdd: {  	vm13 =	veq.s32 v1, $0x5;
	v57 =	vnsel vm1, $0x0, v49;
	v2 =	vadd.f32 v55, v2;
	[tilespmem:$0x430] =	vst v4  }
0xde: {  	v60 =	vnsel vm9, $0x0, v48;
	v59 =	vnsel vm12, $0x0, v49;
	v3 =	vadd.f32 v57, v56;
	[tilespmem:$0x4B0] =	vst v54  }
0xdf: {  	vm14 =	veq.s32 v1, $0x6;
	v61 =	vnsel vm13, $0x0, v49;
	[tilespmem:$0x530] =	vst v2;
	v2 =	vadd.f32 v59, v58  }
0xe0: {  	v63 =	vnsel vm14, $0x0, v49;
	v62 =	vadd.f32 v61, v60;
	[tilespmem:$0x5B0] =	vst v3;
	v3 =	vnsel vm7, $0x0, v48  }
0xe1: {  	[tilespmem:$0x630] =	vst v2;
	v1 =	vadd.f32 v63, v3;
	v2 =	vnsel vm6, $0x0, v48;
	v3 =	vnsel vm15, $0x0, v49  }
0xe2: {  	[tilespmem:$0x6B0] =	vst v62;
	v2 =	vadd.f32 v3, v2  }
0xe3: {  	[tilespmem:$0x730] =	vst v1  }
0xe4: {  	[tilespmem:$0x7B0] =	vst v2  }
0xe5: {  	[hbm4b:s7+s2] =	stream.linear.scatter [tilespmem:s24], [sflag:$0x1], $0x40, $0x38;
	[tilespmem:$0x800] =	vst v63  }
0xe6: {  	_ =	swait.ge [sflag:s16], $0x40  }
0xe7: {  	[sflag:s16] =	ssyncset.done $0x0  }
0xe8: {  	[sflag:s16] =	ssyncadd.s32 $0xFFFFFFC0  }
0xe9: {  	[hbm4b:s8+s2] =	stream.linear.scatter [tilespmem:s25], [sflag:$0x1], $0x40, $0x38;
	[tilespmem:$0x800] =	vst v63  }
0xea: {  	_ =	swait.ge [sflag:s16], $0x40  }
0xeb: {  	[sflag:s16] =	ssyncset.done $0x0  }
0xec: {  	[sflag:s16] =	ssyncadd.s32 $0xFFFFFFC0  }
0xed: {  	[hbm4b:s9+s2] =	stream.linear.scatter [tilespmem:s26], [sflag:$0x1], $0x40, $0x38;
	[tilespmem:$0x800] =	vst v63  }
0xee: {  	_ =	swait.ge [sflag:s16], $0x40  }
0xef: {  	[sflag:s16] =	ssyncset.done $0x0  }
0xf0: {  	[sflag:s16] =	ssyncadd.s32 $0xFFFFFFC0  }
0xf1: {  	[hbm4b:s10+s2] =	stream.linear.scatter [tilespmem:s28], [sflag:$0x1], $0x40, $0x38;
	[tilespmem:$0x800] =	vst v63  }
0xf2: {  	_ =	swait.ge [sflag:s16], $0x40  }
0xf3: {  	[sflag:s16] =	ssyncset.done $0x0  }
0xf4: {  	[sflag:s16] =	ssyncadd.s32 $0xFFFFFFC0  }
0xf5: {  	[hbm4b:s11+s2] =	stream.linear.scatter [tilespmem:s29], [sflag:$0x1], $0x40, $0x38;
	[tilespmem:$0x800] =	vst v63  }
0xf6: {  	_ =	swait.ge [sflag:s16], $0x40  }
0xf7: {  	[sflag:s16] =	ssyncset.done $0x0  }
0xf8: {  	[sflag:s16] =	ssyncadd.s32 $0xFFFFFFC0  }
0xf9: {  	[hbm4b:s12+s2] =	stream.linear.scatter [tilespmem:s30], [sflag:$0x1], $0x40, $0x38;
	[tilespmem:$0x800] =	vst v63  }
0xfa: {  	_ =	swait.ge [sflag:s16], $0x40  }
0xfb: {  	[sflag:s16] =	ssyncset.done $0x0  }
0xfc: {  	[sflag:s16] =	ssyncadd.s32 $0xFFFFFFC0  }
0xfd: {  	[hbm4b:s13+s2] =	stream.linear.scatter [tilespmem:s31], [sflag:$0x1], $0x40, $0x38;
	[tilespmem:$0x800] =	vst v63  }
0xfe: {  	_ =	swait.ge [sflag:s16], $0x40  }
0xff: {  	p0 =	sne.s32 s15, $0x1;
	[sflag:s16] =	ssyncset.done $0x0  }
.Ltmp0:
0x100: {  	[sflag:s16] =	ssyncadd.s32 $0xFFFFFFC0;
	(pc) =	sbr.rel @p0 .LBB2_1-.Ltmp0, $4  }
0x101: {  	[hbm4b:s14+s2] =	stream.linear.scatter [tilespmem:s0], [sflag:$0x1], $0x40, $0x38;
	[tilespmem:$0x800] =	vst v63  }
0x102: {  	_ =	swait.ge [sflag:s16], $0x40  }
0x103: {  	[sflag:s16] =	ssyncset.done $0x0  }
0x104: {  	s15 =	sadd.s32 $0xFFFFFFFF, s15;
	[sflag:s16] =	ssyncadd.s32 $0xFFFFFFC0  }
0x105: {  	_ =	sfence.sel $0x180000  }
0x106: {  	[bflag:$0x0] =	sbarrier.arrive $0xFFFF  }
0x107: {  	_ =	strace $0x90000047  }
0x108: {  	s0 =	stileid.u32;
	[bflag:$0x2] =	sbarrier.arrive $0xFFFF  }
0x109: {  	p0 =	sne.s32 s0, $0x0;
	s0 =	rddreg [dreg:$0x2]  }
0x10a: {  	s0 =	sadd.s32 @!p0 $0x100000, s0  }
0x10b: {  	[sflag:s0] =	ssyncadd.tile.s32 @!p0 $0x1;
	_ =	shalt  }
.Lfunc_end2:
_tile_overlayer_lowered:
.L_overlay_start_2:
0x10c: {  	(tag) =	ssettag $0x2  }
0x10d: {  	s0 =	rddreg [dreg:$0x0];
	s2 =	stileid.u32  }
0x10e: {  	s1 =	rddreg [dreg:$0x1];
	p0 =	sne.s32 s2, $0x0  }
0x10f: {  	s3 =	rddreg [dreg:$0x2];
	[bflag:$0x3] =	sbarrier.arrive $0xFFFF;
	s2 =	simm.s32 @!p0 $0x1C01  }
0x110: {  	[timem:s3], [sflag:s2] =	dma.local @!p0 [hbm:s0], s1  }
0x111: {  	s0 =	simm.s32 @!p0 $0x1  }
0x112: {  	_ =	swait.ge @!p0 [sflag:s0], s1  }
0x113: {  	s1 =	ssub.s32 @!p0 $0x0, s1;
	[sflag:s0] =	ssyncset.done @!p0 $0x0  }
0x114: {  	[sflag:s0] =	ssyncadd.s32 @!p0 s1  }
0x115: {  	[bflag:$0x3] =	sbarrier.arrive $0xFFFF  }
0x116: {  	_ =	shalt  }

</sc_bundles>
